<compile_context>
chip_gen: v7x
topology: tpu7x:2x2x1
jax: 0.10.2.dev20260603
libtpu: 0.0.44.dev20260713+nightly
codegen_flags: <defaults>
</compile_context>

<pallas_src>
import jax
import jax.numpy as jnp
from jax import lax
from jax.experimental import pallas as pl
from jax.experimental.pallas import tpu as pltpu
from jax.experimental.pallas import tpu_sc as plsc

N = 10000
E = 160000
H = 256
HH = H // 2
NC, NS = 2, 16
EB = 125
NB = (E // NS) // EB
NP = 10240
EPT = E // (NC * NS)
NV = EPT // 16
TAIL = EPT - NV * 16
NPH = 2
PB = NB // NPH
RPT = 624
REM = N - NS * RPT

RB = 1000
GRID = N // RB

_mesh = plsc.VectorSubcoreMesh(core_axis_name="c", subcore_axis_name="s")



def _hist_body(ei_hbm, out_hbm, didx, hist):
    c = lax.axis_index("c")
    s = lax.axis_index("s")
    wid = c * NS + s

    @pl.loop(0, NP // 16)
    def _(i):
        hist[pl.ds(i * 16, 16)] = jnp.zeros((16,), jnp.float32)

    pltpu.sync_copy(ei_hbm.at[1, c, s], didx)
    ones = jnp.ones((16,), jnp.float32)
    full = lax.iota(jnp.int32, 16) >= 0

    @pl.loop(0, NV)
    def _(j):
        plsc.addupdate_scatter(hist, [didx[pl.ds(j * 16, 16)]], ones, mask=full)

    tl = didx[pl.ds(EPT - 16, 16)]
    mask = lax.iota(jnp.int32, 16) >= 16 - TAIL
    plsc.addupdate_scatter(hist, [tl], ones, mask=mask)
    pltpu.sync_copy(hist, out_hbm.at[wid])


_hist_call = pl.kernel(
    _hist_body,
    out_type=jax.ShapeDtypeStruct((NC * NS, NP), jnp.float32),
    mesh=_mesh,
    compiler_params=pltpu.CompilerParams(needs_layout_passes=False),
    scratch_types=[
        pltpu.VMEM((EPT,), jnp.int32),
        pltpu.VMEM((NP,), jnp.float32),
    ],
)


def _dcol_body(p_ref, out_ref):
    ones = jnp.ones((NC * NS, 1), jnp.float32)
    s = lax.dot_general(p_ref[...], ones, (((0,), (0,)), ((), ())),
                        preferred_element_type=jnp.float32)
    out_ref[...] = lax.rsqrt(1.0 + s[:N, :])


def _dcol(parts):
    return pl.pallas_call(
        _dcol_body,
        in_specs=[pl.BlockSpec((NC * NS, NP), lambda: (0, 0))],
        out_specs=pl.BlockSpec((N, 1), lambda: (0, 0)),
        out_shape=jax.ShapeDtypeStruct((N, 1), jnp.float32),
    )(parts)


def _scatter_body(xws_hbm, ei_hbm, out_hbm, sidx, didx, rows,
                  accum_sh, sem0, sem1):
    rows0, rows1 = rows.at[0], rows.at[1]
    c = lax.axis_index("c")
    s = lax.axis_index("s")
    tbl = xws_hbm.at[c]
    pltpu.async_copy(tbl.at[pl.ds(s * RPT, RPT)],
                     accum_sh.at[pl.ds(s * RPT, RPT)], sem0)

    @pl.when(s == NS - 1)
    def _():
        pltpu.sync_copy(tbl.at[pl.ds(NS * RPT, REM)],
                        accum_sh.at[pl.ds(NS * RPT, REM)])

    pltpu.sync_copy(ei_hbm.at[0, s, pl.ds(0, PB)], sidx)
    pltpu.sync_copy(ei_hbm.at[1, s, pl.ds(0, PB)], didx)
    pltpu.make_async_copy(tbl.at[pl.ds(s * RPT, RPT)],
                          accum_sh.at[pl.ds(s * RPT, RPT)], sem0).wait()
    pltpu.async_copy(tbl.at[sidx.at[0]], rows0, sem0)
    pltpu.async_copy(tbl.at[sidx.at[1]], rows1, sem1)
    plsc.subcore_barrier()

    for p in range(NPH):
        if p > 0:
            pltpu.sync_copy(ei_hbm.at[0, s, pl.ds(p * PB, PB)], sidx)
            pltpu.sync_copy(ei_hbm.at[1, s, pl.ds(p * PB, PB)], didx)
            pltpu.async_copy(tbl.at[sidx.at[0]], rows0, sem0)
            pltpu.async_copy(tbl.at[sidx.at[1]], rows1, sem1)

        @pl.loop(0, PB - 2, step=2)
        def _(g):
            pltpu.make_async_copy(tbl.at[sidx.at[g]], rows0, sem0).wait()
            pltpu.sync_copy(rows0, accum_sh.at[didx.at[g]], add=True)
            pltpu.async_copy(tbl.at[sidx.at[g + 2]], rows0, sem0)
            pltpu.make_async_copy(tbl.at[sidx.at[g + 1]], rows1, sem1).wait()
            pltpu.sync_copy(rows1, accum_sh.at[didx.at[g + 1]], add=True)
            pltpu.async_copy(tbl.at[sidx.at[g + 3]], rows1, sem1)

        pltpu.make_async_copy(tbl.at[sidx.at[PB - 2]], rows0, sem0).wait()
        pltpu.sync_copy(rows0, accum_sh.at[didx.at[PB - 2]], add=True)
        pltpu.make_async_copy(tbl.at[sidx.at[PB - 1]], rows1, sem1).wait()
        pltpu.sync_copy(rows1, accum_sh.at[didx.at[PB - 1]], add=True)

    plsc.subcore_barrier()
    pltpu.sync_copy(accum_sh.at[pl.ds(s * RPT, RPT)],
                    out_hbm.at[c, pl.ds(s * RPT, RPT)])

    @pl.when(s == NS - 1)
    def _():
        pltpu.sync_copy(accum_sh.at[pl.ds(NS * RPT, REM)],
                        out_hbm.at[c, pl.ds(NS * RPT, REM)])


_scatter_call = pl.kernel(
    _scatter_body,
    out_type=jax.ShapeDtypeStruct((NC, N, HH), jnp.float32),
    mesh=_mesh,
    scratch_types=[
        pltpu.VMEM((PB, EB), jnp.int32),
        pltpu.VMEM((PB, EB), jnp.int32),
        pltpu.VMEM((2, EB, HH), jnp.float32),
        pltpu.VMEM_SHARED((N, HH), jnp.float32),
        pltpu.SemaphoreType.DMA,
        pltpu.SemaphoreType.DMA,
    ],
)



def _mm1_body(x_ref, w_ref, d_ref, out_ref):
    xw = jnp.dot(x_ref[...], w_ref[...], preferred_element_type=jnp.float32)
    d = d_ref[...]
    out_ref[0] = xw[:, :HH] * d
    out_ref[1] = xw[:, HH:] * d


def _mid_body(a_ref, d_ref, b1_ref, w_ref, out_ref):
    d = d_ref[...]
    h0 = jnp.maximum(a_ref[0] * d + b1_ref[0, :HH], 0.0)
    h1 = jnp.maximum(a_ref[1] * d + b1_ref[0, HH:], 0.0)
    h = jnp.concatenate([h0, h1], axis=1)
    xw = jnp.dot(h, w_ref[...], preferred_element_type=jnp.float32)
    out_ref[0] = xw[:, :HH] * d
    out_ref[1] = xw[:, HH:] * d


def _fin_body(a_ref, d_ref, b2_ref, wfc_ref, q_ref, bfc_ref, out_ref):
    d = d_ref[...]
    h0 = jnp.maximum(a_ref[0] * d + b2_ref[0, :HH], 0.0)
    h1 = jnp.maximum(a_ref[1] * d + b2_ref[0, HH:], 0.0)
    h = jnp.concatenate([h0, h1], axis=1)
    sc = jnp.dot(h, wfc_ref[:H, :], preferred_element_type=jnp.float32)
    const = jnp.dot(q_ref[...], wfc_ref[H:, :],
                    preferred_element_type=jnp.float32)[0, 0] + bfc_ref[0, 0]
    out_ref[...] = sc + const


def _row_specs():
    dcol = pl.BlockSpec((RB, 1), lambda i: (i, 0))
    half = pl.BlockSpec((NC, RB, HH), lambda i: (0, i, 0))
    return dcol, half


def _mm1(x, W1, dc):
    dspec, half = _row_specs()
    return pl.pallas_call(
        _mm1_body,
        grid=(GRID,),
        in_specs=[
            pl.BlockSpec((RB, H), lambda i: (i, 0)),
            pl.BlockSpec((H, H), lambda i: (0, 0)),
            dspec,
        ],
        out_specs=half,
        out_shape=jax.ShapeDtypeStruct((NC, N, HH), jnp.float32),
    )(x, W1, dc)


def _mid(a, dc, b1r, W2):
    dspec, half = _row_specs()
    return pl.pallas_call(
        _mid_body,
        grid=(GRID,),
        in_specs=[
            half,
            dspec,
            pl.BlockSpec((1, H), lambda i: (0, 0)),
            pl.BlockSpec((H, H), lambda i: (0, 0)),
        ],
        out_specs=half,
        out_shape=jax.ShapeDtypeStruct((NC, N, HH), jnp.float32),
    )(a, dc, b1r, W2)


def _fin(a, dc, b2r, Wfc, qr, bfcr):
    dspec, half = _row_specs()
    return pl.pallas_call(
        _fin_body,
        grid=(GRID,),
        in_specs=[
            half,
            dspec,
            pl.BlockSpec((1, H), lambda i: (0, 0)),
            pl.BlockSpec((2 * H, 1), lambda i: (0, 0)),
            pl.BlockSpec((1, H), lambda i: (0, 0)),
            pl.BlockSpec((1, 1), lambda i: (0, 0)),
        ],
        out_specs=pl.BlockSpec((RB, 1), lambda i: (i, 0)),
        out_shape=jax.ShapeDtypeStruct((N, 1), jnp.float32),
    )(a, dc, b2r, Wfc, qr, bfcr)



@jax.jit
def kernel(x, edge_index, query_embedding, W1, b1, W2, b2, Wfc, bfc):
    ei4 = edge_index.reshape(2, NS, NB, EB)
    eih = edge_index.reshape(2, NC, NS, EPT)

    parts = _hist_call(eih)
    dc = _dcol(parts)
    xws1 = _mm1(x, W1, dc)
    a1 = _scatter_call(xws1, ei4)
    xws2 = _mid(a1, dc, b1.reshape(1, H), W2)
    a2 = _scatter_call(xws2, ei4)
    out = _fin(a2, dc, b2.reshape(1, H), Wfc,
               query_embedding.reshape(1, H), bfc.reshape(1, 1))
    return out.reshape(N)

# --- scband reference (transcript-rebuilt; emitter-appended) ---
"""Pipeline reference for scband-top-kpredictor-17360257810969 (READ-ONLY COPY).

The authoritative reference and input builder live on the scoring server;
editing this copy changes nothing except your own understanding.
"""

import jax, jax.numpy as jnp
import numpy as np

N_NODES = 10000
N_EDGES = 160000
HIDDEN = 256


def setup_inputs(seed: int = 0) -> dict:
    key = jax.random.key(seed)
    ks = jax.random.split(key, 10)
    x = jax.random.normal(ks[0], (N_NODES, HIDDEN), dtype=jnp.float32)
    edge_index = jax.random.randint(ks[1], (2, N_EDGES), 0, N_NODES, dtype=jnp.int64 if jax.config.jax_enable_x64 else jnp.int32).astype(jnp.int32)
    query_embedding = jax.random.normal(ks[2], (HIDDEN,), dtype=jnp.float32)
    # GCNConv params (PyG-style: lin weight [in, out], bias [out])
    s1 = 1.0 / np.sqrt(HIDDEN)
    W1 = jax.random.uniform(ks[3], (HIDDEN, HIDDEN), jnp.float32, -s1, s1)
    b1 = jnp.zeros((HIDDEN,), dtype=jnp.float32)
    W2 = jax.random.uniform(ks[4], (HIDDEN, HIDDEN), jnp.float32, -s1, s1)
    b2 = jnp.zeros((HIDDEN,), dtype=jnp.float32)
    s2 = 1.0 / np.sqrt(2 * HIDDEN)
    Wfc = jax.random.uniform(ks[5], (2 * HIDDEN, 1), jnp.float32, -s2, s2)
    bfc = jax.random.uniform(ks[6], (1,), jnp.float32, -s2, s2)
    return {"x": x, "edge_index": edge_index, "query_embedding": query_embedding,
            "W1": W1, "b1": b1, "W2": W2, "b2": b2, "Wfc": Wfc, "bfc": bfc}


def gcn_conv(x, edge_index, W, b):
    # PyG GCNConv: linear transform, add self loops, symmetric normalization, scatter-add
    n = x.shape[0]
    xw = x @ W
    src = edge_index[0]
    dst = edge_index[1]
    loop = jnp.arange(n, dtype=src.dtype)
    src = jnp.concatenate([src, loop])
    dst = jnp.concatenate([dst, loop])
    deg = jnp.zeros((n,), dtype=xw.dtype).at[dst].add(1.0)
    deg_inv_sqrt = jnp.where(deg > 0, jax.lax.rsqrt(jnp.maximum(deg, 1e-12)), 0.0)
    norm = deg_inv_sqrt[src] * deg_inv_sqrt[dst]
    msg = xw[src] * norm[:, None]
    out = jnp.zeros_like(xw).at[dst].add(msg)
    return out + b


def reference(x, edge_index, query_embedding, W1, b1, W2, b2, Wfc, bfc):
    h = jax.nn.relu(gcn_conv(x, edge_index, W1, b1))
    h = jax.nn.relu(gcn_conv(h, edge_index, W2, b2))
    q = jnp.tile(query_embedding.reshape(1, -1), (h.shape[0], 1))
    combined = jnp.concatenate([h, q], axis=1)
    node_scores = (combined @ Wfc + bfc).squeeze()
    return node_scores

if __name__ == "__main__":
    import jax
    _d = setup_inputs()
    print(jax.jit(kernel)(*tuple(_d.values())))

</pallas_src>

<mosaic_0001>
#map = affine_map<(d0, d1) -> (0, 0, 0, 0)>
#map1 = affine_map<(d0, d1) -> (0, 0)>
module attributes {stable_mosaic.version = 14 : i64} {
  func.func @_hist_body(%arg0: i32, %arg1: i32, %arg2: memref<2x2x16x5000xi32, #tpu.memory_space<hbm>>, %arg3: memref<32x10240xf32, #tpu.memory_space<hbm>>, %arg4: memref<5000xi32, #tpu.memory_space<vmem>>, %arg5: memref<10240xf32, #tpu.memory_space<vmem>>) attributes {dimension_semantics = [#tpu.dimension_semantics<core_parallel>, #tpu.dimension_semantics<subcore_parallel>], iteration_bounds = array<i64: 2, 16>, scalar_prefetch = 0 : i64, scratch_operands = 2 : i64, tpu.core_type = #tpu.core_type<sc_vector_subcore>, window_params = [{transform_indices = #map}, {transform_indices = #map1}]} {
    %mul3A = arith.constant 16 : i32
    %mul3A_0 = arith.muli %arg0, %mul3A : i32
    %add3A = arith.addi %mul3A_0, %arg1 : i32
    %scan3A = arith.constant 0 : i32
    %scan3A_1 = arith.constant 640 : i32
    %scan3A_2 = arith.addi %scan3A, %scan3A_1 : i32
    %scan3A_3 = arith.constant 1 : i32
    scf.for %scan3A_18 = %scan3A to %scan3A_2 step %scan3A_3  : i32 {
      %mul3A_19 = arith.constant 1 : i32
      %mul3A_20 = arith.muli %scan3A_18, %mul3A_19 : i32
      %add3A_21 = arith.constant 0 : i32
      %add3A_22 = arith.addi %add3A_21, %mul3A_20 : i32
      %broadcast_in_dim3A_23 = arith.constant 0.000000e+00 : f32
      %broadcast_in_dim3A_24 = vector.broadcast %broadcast_in_dim3A_23 : f32 to vector<16xf32>
      %mul3A_25 = arith.constant 16 : i32
      %mul3A_26 = arith.muli %add3A_22, %mul3A_25 : i32
      %swap3A = arith.index_cast %mul3A_26 : i32 to index
      %swap3A_27 = tpu.vector_load %arg5[%swap3A] {strides = array<i32>} : memref<10240xf32, #tpu.memory_space<vmem>>, vector<16xf32>,
      tpu.vector_store %arg5[%swap3A], %broadcast_in_dim3A_24 {strides = array<i32>} : memref<10240xf32, #tpu.memory_space<vmem>>, vector<16xf32>,
    }
    %scan3A_4 = arith.constant 640 : i32
    %run_scoped3A = arith.constant 1 : i32
    "tpu.region"() ({
      %run_scoped3A_18 = tpu.sem_alloc : memref<!tpu.dma_semaphore, #tpu.memory_space<semaphore_mem>>
      %dma_start3A = arith.constant 0 : i32
      %dma_start3A_19 = tpu.memref_slice %arg2[%run_scoped3A, %arg0, %arg1, %dma_start3A] : memref<2x2x16x5000xi32, #tpu.memory_space<hbm>> -> memref<1x1x1x5000xi32, #tpu.memory_space<hbm>>
      %dma_start3A_20 = tpu.memref_squeeze %dma_start3A_19 : memref<1x1x1x5000xi32, #tpu.memory_space<hbm>> -> memref<5000xi32, #tpu.memory_space<hbm>>
      %dma_start3A_21 = arith.constant 0 : i32
      %dma_start3A_22 = tpu.memref_slice %arg2[%run_scoped3A, %arg0, %arg1, %dma_start3A_21] : memref<2x2x16x5000xi32, #tpu.memory_space<hbm>> -> memref<1x1x1x5000xi32, #tpu.memory_space<hbm>>
      %dma_start3A_23 = tpu.memref_squeeze %dma_start3A_22 : memref<1x1x1x5000xi32, #tpu.memory_space<hbm>> -> memref<5000xi32, #tpu.memory_space<hbm>>
      tpu.enqueue_dma source(%dma_start3A_23 : memref<5000xi32, #tpu.memory_space<hbm>>) target(%arg4 : memref<5000xi32, #tpu.memory_space<vmem>>) target_semaphore(%run_scoped3A_18 : memref<!tpu.dma_semaphore, #tpu.memory_space<semaphore_mem>>)
      %dma_wait3A = arith.constant 0 : i32
      %dma_wait3A_24 = tpu.memref_slice %arg2[%run_scoped3A, %arg0, %arg1, %dma_wait3A] : memref<2x2x16x5000xi32, #tpu.memory_space<hbm>> -> memref<1x1x1x5000xi32, #tpu.memory_space<hbm>>
      %dma_wait3A_25 = tpu.memref_squeeze %dma_wait3A_24 : memref<1x1x1x5000xi32, #tpu.memory_space<hbm>> -> memref<5000xi32, #tpu.memory_space<hbm>>
      %dma_wait3A_26 = arith.constant 0 : i32
      %dma_wait3A_27 = tpu.memref_slice %arg2[%run_scoped3A, %arg0, %arg1, %dma_wait3A_26] : memref<2x2x16x5000xi32, #tpu.memory_space<hbm>> -> memref<1x1x1x5000xi32, #tpu.memory_space<hbm>>
      %dma_wait3A_28 = tpu.memref_squeeze %dma_wait3A_27 : memref<1x1x1x5000xi32, #tpu.memory_space<hbm>> -> memref<5000xi32, #tpu.memory_space<hbm>>
      tpu.wait_dma2 semaphore(%run_scoped3A_18 : memref<!tpu.dma_semaphore, #tpu.memory_space<semaphore_mem>>) src(%dma_wait3A_28 : memref<5000xi32, #tpu.memory_space<hbm>>) dst(%arg4 : memref<5000xi32, #tpu.memory_space<vmem>>)
      tpu.yield
    }) : () -> ()
    %broadcast_in_dim3A = arith.constant 1.000000e+00 : f32
    %broadcast_in_dim3A_5 = vector.broadcast %broadcast_in_dim3A : f32 to vector<16xf32>
    %iota3A = tpu.iota {dimensions = array<i32: 0>} : vector<16xi32>
    %ge3A = arith.constant 0 : i32
    %ge3A_6 = vector.broadcast %ge3A : i32 to vector<16xi32>
    %ge3A_7 = arith.cmpi sge, %iota3A, %ge3A_6 : vector<16xi32>
    %scan3A_8 = arith.constant 0 : i32
    %scan3A_9 = arith.constant 312 : i32
    %scan3A_10 = arith.addi %scan3A_8, %scan3A_9 : i32
    %scan3A_11 = arith.constant 1 : i32
    scf.for %scan3A_18 = %scan3A_8 to %scan3A_10 step %scan3A_11  : i32 {
      %mul3A_19 = arith.constant 1 : i32
      %mul3A_20 = arith.muli %scan3A_18, %mul3A_19 : i32
      %add3A_21 = arith.constant 0 : i32
      %add3A_22 = arith.addi %add3A_21, %mul3A_20 : i32
      %mul3A_23 = arith.constant 16 : i32
      %mul3A_24 = arith.muli %add3A_22, %mul3A_23 : i32
      %get3A_25 = arith.index_cast %mul3A_24 : i32 to index
      %get3A_26 = tpu.vector_load %arg4[%get3A_25] {strides = array<i32>} : memref<5000xi32, #tpu.memory_space<vmem>>, vector<16xi32>,
      tpu.vector_store_idx %arg5[%get3A_26], %broadcast_in_dim3A_5 masked %ge3A_7 {add = true} : memref<10240xf32, #tpu.memory_space<vmem>>[vector<16xi32>], vector<16xf32>, vector<16xi1>
    }
    %scan3A_12 = arith.constant 312 : i32
    %get3A = arith.constant 4984 : index
    %get3A_13 = tpu.vector_load %arg4[%get3A] {strides = array<i32>} : memref<5000xi32, #tpu.memory_space<vmem>>, vector<16xi32>,
    %iota3A_14 = tpu.iota {dimensions = array<i32: 0>} : vector<16xi32>
    %ge3A_15 = arith.constant 8 : i32
    %ge3A_16 = vector.broadcast %ge3A_15 : i32 to vector<16xi32>
    %ge3A_17 = arith.cmpi sge, %iota3A_14, %ge3A_16 : vector<16xi32>
    tpu.vector_store_idx %arg5[%get3A_13], %broadcast_in_dim3A_5 masked %ge3A_17 {add = true} : memref<10240xf32, #tpu.memory_space<vmem>>[vector<16xi32>], vector<16xf32>, vector<16xi1>
    "tpu.region"() ({
      %run_scoped3A_18 = tpu.sem_alloc : memref<!tpu.dma_semaphore, #tpu.memory_space<semaphore_mem>>
      %dma_start3A = arith.constant 0 : i32
      %dma_start3A_19 = tpu.memref_slice %arg3[%add3A, %dma_start3A] : memref<32x10240xf32, #tpu.memory_space<hbm>> -> memref<1x10240xf32, #tpu.memory_space<hbm>>
      %dma_start3A_20 = tpu.memref_squeeze %dma_start3A_19 : memref<1x10240xf32, #tpu.memory_space<hbm>> -> memref<10240xf32, #tpu.memory_space<hbm>>
      %dma_start3A_21 = arith.constant 0 : i32
      %dma_start3A_22 = tpu.memref_slice %arg3[%add3A, %dma_start3A_21] : memref<32x10240xf32, #tpu.memory_space<hbm>> -> memref<1x10240xf32, #tpu.memory_space<hbm>>
      %dma_start3A_23 = tpu.memref_squeeze %dma_start3A_22 : memref<1x10240xf32, #tpu.memory_space<hbm>> -> memref<10240xf32, #tpu.memory_space<hbm>>
      tpu.enqueue_dma source(%arg5 : memref<10240xf32, #tpu.memory_space<vmem>>) target(%dma_start3A_23 : memref<10240xf32, #tpu.memory_space<hbm>>) target_semaphore(%run_scoped3A_18 : memref<!tpu.dma_semaphore, #tpu.memory_space<semaphore_mem>>)
      %dma_wait3A = arith.constant 0 : i32
      %dma_wait3A_24 = tpu.memref_slice %arg3[%add3A, %dma_wait3A] : memref<32x10240xf32, #tpu.memory_space<hbm>> -> memref<1x10240xf32, #tpu.memory_space<hbm>>
      %dma_wait3A_25 = tpu.memref_squeeze %dma_wait3A_24 : memref<1x10240xf32, #tpu.memory_space<hbm>> -> memref<10240xf32, #tpu.memory_space<hbm>>
      %dma_wait3A_26 = arith.constant 0 : i32
      %dma_wait3A_27 = tpu.memref_slice %arg3[%add3A, %dma_wait3A_26] : memref<32x10240xf32, #tpu.memory_space<hbm>> -> memref<1x10240xf32, #tpu.memory_space<hbm>>
      %dma_wait3A_28 = tpu.memref_squeeze %dma_wait3A_27 : memref<1x10240xf32, #tpu.memory_space<hbm>> -> memref<10240xf32, #tpu.memory_space<hbm>>
      tpu.wait_dma2 semaphore(%run_scoped3A_18 : memref<!tpu.dma_semaphore, #tpu.memory_space<semaphore_mem>>) src(%arg5 : memref<10240xf32, #tpu.memory_space<vmem>>) dst(%dma_wait3A_28 : memref<10240xf32, #tpu.memory_space<hbm>>)
      tpu.yield
    }) : () -> ()
    return
  }
}

#map = affine_map<(d0, d1) -> (0, 0, 0)>
#map1 = affine_map<(d0, d1) -> (0, 0, 0, 0)>
module attributes {stable_mosaic.version = 14 : i64} {
  func.func @_scatter_body(%arg0: i32, %arg1: i32, %arg2: memref<2x10000x128xf32, #tpu.memory_space<hbm>>, %arg3: memref<2x16x80x125xi32, #tpu.memory_space<hbm>>, %arg4: memref<2x10000x128xf32, #tpu.memory_space<hbm>>, %arg5: memref<40x125xi32, #tpu.memory_space<vmem>>, %arg6: memref<40x125xi32, #tpu.memory_space<vmem>>, %arg7: memref<2x125x128xf32, #tpu.memory_space<vmem>>, %arg8: memref<10000x128xf32, #tpu.memory_space<vmem_shared>>, %arg9: memref<!tpu.dma_semaphore, #tpu.memory_space<semaphore_mem>>, %arg10: memref<!tpu.dma_semaphore, #tpu.memory_space<semaphore_mem>>) attributes {dimension_semantics = [#tpu.dimension_semantics<core_parallel>, #tpu.dimension_semantics<subcore_parallel>], iteration_bounds = array<i64: 2, 16>, scalar_prefetch = 0 : i64, scratch_operands = 6 : i64, tpu.core_type = #tpu.core_type<sc_vector_subcore>, window_params = [{transform_indices = #map}, {transform_indices = #map1}, {transform_indices = #map}]} {
    %mul3A = arith.constant 624 : i32
    %mul3A_0 = arith.muli %arg1, %mul3A : i32
    %mul3A_1 = arith.constant 624 : i32
    %mul3A_2 = arith.muli %arg1, %mul3A_1 : i32
    %dma_start3A = arith.constant 0 : i32
    %dma_start3A_3 = tpu.memref_slice %arg8[%mul3A_2, %dma_start3A] : memref<10000x128xf32, #tpu.memory_space<vmem_shared>> -> memref<624x128xf32, #tpu.memory_space<vmem_shared>>
    %dma_start3A_4 = arith.constant 0 : i32
    %dma_start3A_5 = arith.constant 0 : i32
    %dma_start3A_6 = tpu.memref_slice %arg2[%arg0, %dma_start3A_4, %dma_start3A_5] : memref<2x10000x128xf32, #tpu.memory_space<hbm>> -> memref<1x10000x128xf32, #tpu.memory_space<hbm>>
    %dma_start3A_7 = tpu.memref_squeeze %dma_start3A_6 : memref<1x10000x128xf32, #tpu.memory_space<hbm>> -> memref<10000x128xf32, #tpu.memory_space<hbm>>
    %dma_start3A_8 = arith.constant 0 : i32
    %dma_start3A_9 = tpu.memref_slice %dma_start3A_7[%mul3A_0, %dma_start3A_8] : memref<10000x128xf32, #tpu.memory_space<hbm>> -> memref<624x128xf32, #tpu.memory_space<hbm>>
    tpu.enqueue_dma source(%dma_start3A_9 : memref<624x128xf32, #tpu.memory_space<hbm>>) target(%dma_start3A_3 : memref<624x128xf32, #tpu.memory_space<vmem_shared>>) target_semaphore(%arg9 : memref<!tpu.dma_semaphore, #tpu.memory_space<semaphore_mem>>)
    %eq3A = arith.constant 15 : i32
    %eq3A_10 = arith.cmpi eq, %arg1, %eq3A : i32
    %convert_element_type3A = arith.extui %eq3A_10 : i1 to i32
    %cond3A = arith.constant 0 : i32
    %cond3A_11 = arith.cmpi ne, %convert_element_type3A, %cond3A : i32
    scf.if %cond3A_11 {
      "tpu.region"() ({
        %run_scoped3A_185 = tpu.sem_alloc : memref<!tpu.dma_semaphore, #tpu.memory_space<semaphore_mem>>
        %dma_start3A_186 = arith.constant 9984 : i32
        %dma_start3A_187 = arith.constant 0 : i32
        %dma_start3A_188 = tpu.memref_slice %arg8[%dma_start3A_186, %dma_start3A_187] : memref<10000x128xf32, #tpu.memory_space<vmem_shared>> -> memref<16x128xf32, #tpu.memory_space<vmem_shared>>
        %dma_start3A_189 = arith.constant 0 : i32
        %dma_start3A_190 = arith.constant 0 : i32
        %dma_start3A_191 = tpu.memref_slice %arg2[%arg0, %dma_start3A_189, %dma_start3A_190] : memref<2x10000x128xf32, #tpu.memory_space<hbm>> -> memref<1x10000x128xf32, #tpu.memory_space<hbm>>
        %dma_start3A_192 = tpu.memref_squeeze %dma_start3A_191 : memref<1x10000x128xf32, #tpu.memory_space<hbm>> -> memref<10000x128xf32, #tpu.memory_space<hbm>>
        %dma_start3A_193 = arith.constant 9984 : i32
        %dma_start3A_194 = arith.constant 0 : i32
        %dma_start3A_195 = tpu.memref_slice %dma_start3A_192[%dma_start3A_193, %dma_start3A_194] : memref<10000x128xf32, #tpu.memory_space<hbm>> -> memref<16x128xf32, #tpu.memory_space<hbm>>
        tpu.enqueue_dma source(%dma_start3A_195 : memref<16x128xf32, #tpu.memory_space<hbm>>) target(%dma_start3A_188 : memref<16x128xf32, #tpu.memory_space<vmem_shared>>) target_semaphore(%run_scoped3A_185 : memref<!tpu.dma_semaphore, #tpu.memory_space<semaphore_mem>>)
        %dma_wait3A_196 = arith.constant 9984 : i32
        %dma_wait3A_197 = arith.constant 0 : i32
        %dma_wait3A_198 = tpu.memref_slice %arg8[%dma_wait3A_196, %dma_wait3A_197] : memref<10000x128xf32, #tpu.memory_space<vmem_shared>> -> memref<16x128xf32, #tpu.memory_space<vmem_shared>>
        %dma_wait3A_199 = arith.constant 0 : i32
        %dma_wait3A_200 = arith.constant 0 : i32
        %dma_wait3A_201 = tpu.memref_slice %arg2[%arg0, %dma_wait3A_199, %dma_wait3A_200] : memref<2x10000x128xf32, #tpu.memory_space<hbm>> -> memref<1x10000x128xf32, #tpu.memory_space<hbm>>
        %dma_wait3A_202 = tpu.memref_squeeze %dma_wait3A_201 : memref<1x10000x128xf32, #tpu.memory_space<hbm>> -> memref<10000x128xf32, #tpu.memory_space<hbm>>
        %dma_wait3A_203 = arith.constant 9984 : i32
        %dma_wait3A_204 = arith.constant 0 : i32
        %dma_wait3A_205 = tpu.memref_slice %dma_wait3A_202[%dma_wait3A_203, %dma_wait3A_204] : memref<10000x128xf32, #tpu.memory_space<hbm>> -> memref<16x128xf32, #tpu.memory_space<hbm>>
        tpu.wait_dma2 semaphore(%run_scoped3A_185 : memref<!tpu.dma_semaphore, #tpu.memory_space<semaphore_mem>>) src(%dma_wait3A_205 : memref<16x128xf32, #tpu.memory_space<hbm>>) dst(%dma_wait3A_198 : memref<16x128xf32, #tpu.memory_space<vmem_shared>>)
        tpu.yield
      }) : () -> ()
    } else {
    }
    %run_scoped3A = arith.constant 0 : i32
    "tpu.region"() ({
      %run_scoped3A_185 = tpu.sem_alloc : memref<!tpu.dma_semaphore, #tpu.memory_space<semaphore_mem>>
      %dma_start3A_186 = arith.constant 0 : i32
      %dma_start3A_187 = arith.constant 0 : i32
      %dma_start3A_188 = tpu.memref_slice %arg3[%run_scoped3A, %arg1, %dma_start3A_186, %dma_start3A_187] : memref<2x16x80x125xi32, #tpu.memory_space<hbm>> -> memref<1x1x40x125xi32, #tpu.memory_space<hbm>>
      %dma_start3A_189 = tpu.memref_squeeze %dma_start3A_188 : memref<1x1x40x125xi32, #tpu.memory_space<hbm>> -> memref<40x125xi32, #tpu.memory_space<hbm>>
      %dma_start3A_190 = arith.constant 0 : i32
      %dma_start3A_191 = arith.constant 0 : i32
      %dma_start3A_192 = tpu.memref_slice %arg3[%run_scoped3A, %arg1, %dma_start3A_190, %dma_start3A_191] : memref<2x16x80x125xi32, #tpu.memory_space<hbm>> -> memref<1x1x40x125xi32, #tpu.memory_space<hbm>>
      %dma_start3A_193 = tpu.memref_squeeze %dma_start3A_192 : memref<1x1x40x125xi32, #tpu.memory_space<hbm>> -> memref<40x125xi32, #tpu.memory_space<hbm>>
      tpu.enqueue_dma source(%dma_start3A_193 : memref<40x125xi32, #tpu.memory_space<hbm>>) target(%arg5 : memref<40x125xi32, #tpu.memory_space<vmem>>) target_semaphore(%run_scoped3A_185 : memref<!tpu.dma_semaphore, #tpu.memory_space<semaphore_mem>>)
      %dma_wait3A_194 = arith.constant 0 : i32
      %dma_wait3A_195 = arith.constant 0 : i32
      %dma_wait3A_196 = tpu.memref_slice %arg3[%run_scoped3A, %arg1, %dma_wait3A_194, %dma_wait3A_195] : memref<2x16x80x125xi32, #tpu.memory_space<hbm>> -> memref<1x1x40x125xi32, #tpu.memory_space<hbm>>
      %dma_wait3A_197 = tpu.memref_squeeze %dma_wait3A_196 : memref<1x1x40x125xi32, #tpu.memory_space<hbm>> -> memref<40x125xi32, #tpu.memory_space<hbm>>
      %dma_wait3A_198 = arith.constant 0 : i32
      %dma_wait3A_199 = arith.constant 0 : i32
      %dma_wait3A_200 = tpu.memref_slice %arg3[%run_scoped3A, %arg1, %dma_wait3A_198, %dma_wait3A_199] : memref<2x16x80x125xi32, #tpu.memory_space<hbm>> -> memref<1x1x40x125xi32, #tpu.memory_space<hbm>>
      %dma_wait3A_201 = tpu.memref_squeeze %dma_wait3A_200 : memref<1x1x40x125xi32, #tpu.memory_space<hbm>> -> memref<40x125xi32, #tpu.memory_space<hbm>>
      tpu.wait_dma2 semaphore(%run_scoped3A_185 : memref<!tpu.dma_semaphore, #tpu.memory_space<semaphore_mem>>) src(%dma_wait3A_201 : memref<40x125xi32, #tpu.memory_space<hbm>>) dst(%arg5 : memref<40x125xi32, #tpu.memory_space<vmem>>)
      tpu.yield
    }) : () -> ()
    %run_scoped3A_12 = arith.constant 1 : i32
    "tpu.region"() ({
      %run_scoped3A_185 = tpu.sem_alloc : memref<!tpu.dma_semaphore, #tpu.memory_space<semaphore_mem>>
      %dma_start3A_186 = arith.constant 0 : i32
      %dma_start3A_187 = arith.constant 0 : i32
      %dma_start3A_188 = tpu.memref_slice %arg3[%run_scoped3A_12, %arg1, %dma_start3A_186, %dma_start3A_187] : memref<2x16x80x125xi32, #tpu.memory_space<hbm>> -> memref<1x1x40x125xi32, #tpu.memory_space<hbm>>
      %dma_start3A_189 = tpu.memref_squeeze %dma_start3A_188 : memref<1x1x40x125xi32, #tpu.memory_space<hbm>> -> memref<40x125xi32, #tpu.memory_space<hbm>>
      %dma_start3A_190 = arith.constant 0 : i32
      %dma_start3A_191 = arith.constant 0 : i32
      %dma_start3A_192 = tpu.memref_slice %arg3[%run_scoped3A_12, %arg1, %dma_start3A_190, %dma_start3A_191] : memref<2x16x80x125xi32, #tpu.memory_space<hbm>> -> memref<1x1x40x125xi32, #tpu.memory_space<hbm>>
      %dma_start3A_193 = tpu.memref_squeeze %dma_start3A_192 : memref<1x1x40x125xi32, #tpu.memory_space<hbm>> -> memref<40x125xi32, #tpu.memory_space<hbm>>
      tpu.enqueue_dma source(%dma_start3A_193 : memref<40x125xi32, #tpu.memory_space<hbm>>) target(%arg6 : memref<40x125xi32, #tpu.memory_space<vmem>>) target_semaphore(%run_scoped3A_185 : memref<!tpu.dma_semaphore, #tpu.memory_space<semaphore_mem>>)
      %dma_wait3A_194 = arith.constant 0 : i32
      %dma_wait3A_195 = arith.constant 0 : i32
      %dma_wait3A_196 = tpu.memref_slice %arg3[%run_scoped3A_12, %arg1, %dma_wait3A_194, %dma_wait3A_195] : memref<2x16x80x125xi32, #tpu.memory_space<hbm>> -> memref<1x1x40x125xi32, #tpu.memory_space<hbm>>
      %dma_wait3A_197 = tpu.memref_squeeze %dma_wait3A_196 : memref<1x1x40x125xi32, #tpu.memory_space<hbm>> -> memref<40x125xi32, #tpu.memory_space<hbm>>
      %dma_wait3A_198 = arith.constant 0 : i32
      %dma_wait3A_199 = arith.constant 0 : i32
      %dma_wait3A_200 = tpu.memref_slice %arg3[%run_scoped3A_12, %arg1, %dma_wait3A_198, %dma_wait3A_199] : memref<2x16x80x125xi32, #tpu.memory_space<hbm>> -> memref<1x1x40x125xi32, #tpu.memory_space<hbm>>
      %dma_wait3A_201 = tpu.memref_squeeze %dma_wait3A_200 : memref<1x1x40x125xi32, #tpu.memory_space<hbm>> -> memref<40x125xi32, #tpu.memory_space<hbm>>
      tpu.wait_dma2 semaphore(%run_scoped3A_185 : memref<!tpu.dma_semaphore, #tpu.memory_space<semaphore_mem>>) src(%dma_wait3A_201 : memref<40x125xi32, #tpu.memory_space<hbm>>) dst(%arg6 : memref<40x125xi32, #tpu.memory_space<vmem>>)
      tpu.yield
    }) : () -> ()
    %mul3A_13 = arith.constant 624 : i32
    %mul3A_14 = arith.muli %arg1, %mul3A_13 : i32
    %mul3A_15 = arith.constant 624 : i32
    %mul3A_16 = arith.muli %arg1, %mul3A_15 : i32
    %dma_wait3A = arith.constant 0 : i32
    %dma_wait3A_17 = tpu.memref_slice %arg8[%mul3A_16, %dma_wait3A] : memref<10000x128xf32, #tpu.memory_space<vmem_shared>> -> memref<624x128xf32, #tpu.memory_space<vmem_shared>>
    %dma_wait3A_18 = arith.constant 0 : i32
    %dma_wait3A_19 = arith.constant 0 : i32
    %dma_wait3A_20 = tpu.memref_slice %arg2[%arg0, %dma_wait3A_18, %dma_wait3A_19] : memref<2x10000x128xf32, #tpu.memory_space<hbm>> -> memref<1x10000x128xf32, #tpu.memory_space<hbm>>
    %dma_wait3A_21 = tpu.memref_squeeze %dma_wait3A_20 : memref<1x10000x128xf32, #tpu.memory_space<hbm>> -> memref<10000x128xf32, #tpu.memory_space<hbm>>
    %dma_wait3A_22 = arith.constant 0 : i32
    %dma_wait3A_23 = tpu.memref_slice %dma_wait3A_21[%mul3A_14, %dma_wait3A_22] : memref<10000x128xf32, #tpu.memory_space<hbm>> -> memref<624x128xf32, #tpu.memory_space<hbm>>
    tpu.wait_dma2 semaphore(%arg9 : memref<!tpu.dma_semaphore, #tpu.memory_space<semaphore_mem>>) src(%dma_wait3A_23 : memref<624x128xf32, #tpu.memory_space<hbm>>) dst(%dma_wait3A_17 : memref<624x128xf32, #tpu.memory_space<vmem_shared>>)
    %dma_start3A_24 = arith.constant 0 : i32
    %dma_start3A_25 = arith.constant 0 : i32
    %dma_start3A_26 = arith.constant 0 : i32
    %dma_start3A_27 = arith.constant 0 : i32
    %dma_start3A_28 = tpu.memref_slice %arg7[%dma_start3A_25, %dma_start3A_26, %dma_start3A_27] : memref<2x125x128xf32, #tpu.memory_space<vmem>> -> memref<1x125x128xf32, #tpu.memory_space<vmem>>
    %dma_start3A_29 = tpu.memref_squeeze %dma_start3A_28 : memref<1x125x128xf32, #tpu.memory_space<vmem>> -> memref<125x128xf32, #tpu.memory_space<vmem>>
    %dma_start3A_30 = arith.constant 0 : i32
    %dma_start3A_31 = tpu.memref_slice %arg5[%dma_start3A_24, %dma_start3A_30] : memref<40x125xi32, #tpu.memory_space<vmem>> -> memref<1x125xi32, #tpu.memory_space<vmem>>
    %dma_start3A_32 = tpu.memref_squeeze %dma_start3A_31 : memref<1x125xi32, #tpu.memory_space<vmem>> -> memref<125xi32, #tpu.memory_space<vmem>>
    %dma_start3A_33 = arith.constant 0 : i32
    %dma_start3A_34 = arith.constant 0 : i32
    %dma_start3A_35 = tpu.memref_slice %arg2[%arg0, %dma_start3A_33, %dma_start3A_34] : memref<2x10000x128xf32, #tpu.memory_space<hbm>> -> memref<1x10000x128xf32, #tpu.memory_space<hbm>>
    %dma_start3A_36 = tpu.memref_squeeze %dma_start3A_35 : memref<1x10000x128xf32, #tpu.memory_space<hbm>> -> memref<10000x128xf32, #tpu.memory_space<hbm>>
    %dma_start3A_37 = arith.constant 0 : i32
    %dma_start3A_38 = arith.constant 0 : i32
    %dma_start3A_39 = tpu.memref_slice %dma_start3A_36[%dma_start3A_37, %dma_start3A_38] : memref<10000x128xf32, #tpu.memory_space<hbm>> -> memref<10000x128xf32, #tpu.memory_space<hbm>>
    tpu.enqueue_indirect_dma source(%dma_start3A_39 : memref<10000x128xf32, #tpu.memory_space<hbm>>) target(%dma_start3A_29 : memref<125x128xf32, #tpu.memory_space<vmem>>) offsets(%dma_start3A_32 : memref<125xi32, #tpu.memory_space<vmem>>) semaphore(%arg9 : memref<!tpu.dma_semaphore, #tpu.memory_space<semaphore_mem>>)
    %dma_start3A_40 = arith.constant 1 : i32
    %dma_start3A_41 = arith.constant 1 : i32
    %dma_start3A_42 = arith.constant 0 : i32
    %dma_start3A_43 = arith.constant 0 : i32
    %dma_start3A_44 = tpu.memref_slice %arg7[%dma_start3A_41, %dma_start3A_42, %dma_start3A_43] : memref<2x125x128xf32, #tpu.memory_space<vmem>> -> memref<1x125x128xf32, #tpu.memory_space<vmem>>
    %dma_start3A_45 = tpu.memref_squeeze %dma_start3A_44 : memref<1x125x128xf32, #tpu.memory_space<vmem>> -> memref<125x128xf32, #tpu.memory_space<vmem>>
    %dma_start3A_46 = arith.constant 0 : i32
    %dma_start3A_47 = tpu.memref_slice %arg5[%dma_start3A_40, %dma_start3A_46] : memref<40x125xi32, #tpu.memory_space<vmem>> -> memref<1x125xi32, #tpu.memory_space<vmem>>
    %dma_start3A_48 = tpu.memref_squeeze %dma_start3A_47 : memref<1x125xi32, #tpu.memory_space<vmem>> -> memref<125xi32, #tpu.memory_space<vmem>>
    %dma_start3A_49 = arith.constant 0 : i32
    %dma_start3A_50 = arith.constant 0 : i32
    %dma_start3A_51 = tpu.memref_slice %arg2[%arg0, %dma_start3A_49, %dma_start3A_50] : memref<2x10000x128xf32, #tpu.memory_space<hbm>> -> memref<1x10000x128xf32, #tpu.memory_space<hbm>>
    %dma_start3A_52 = tpu.memref_squeeze %dma_start3A_51 : memref<1x10000x128xf32, #tpu.memory_space<hbm>> -> memref<10000x128xf32, #tpu.memory_space<hbm>>
    %dma_start3A_53 = arith.constant 0 : i32
    %dma_start3A_54 = arith.constant 0 : i32
    %dma_start3A_55 = tpu.memref_slice %dma_start3A_52[%dma_start3A_53, %dma_start3A_54] : memref<10000x128xf32, #tpu.memory_space<hbm>> -> memref<10000x128xf32, #tpu.memory_space<hbm>>
    tpu.enqueue_indirect_dma source(%dma_start3A_55 : memref<10000x128xf32, #tpu.memory_space<hbm>>) target(%dma_start3A_45 : memref<125x128xf32, #tpu.memory_space<vmem>>) offsets(%dma_start3A_48 : memref<125xi32, #tpu.memory_space<vmem>>) semaphore(%arg10 : memref<!tpu.dma_semaphore, #tpu.memory_space<semaphore_mem>>)
    %barrier3A = arith.constant 0 : index
    tpu.barrier barrier_id(%barrier3A)
    %scan3A = arith.constant 0 : i32
    %scan3A_56 = arith.constant 1 : i32
    %scan3A_57 = arith.constant 0 : i32
    %scan3A_58 = arith.constant 19 : i32
    %scan3A_59 = arith.addi %scan3A_57, %scan3A_58 : i32
    %scan3A_60 = arith.constant 1 : i32
    scf.for %scan3A_185 = %scan3A_57 to %scan3A_59 step %scan3A_60  : i32 {
      %mul3A_186 = arith.constant 2 : i32
      %mul3A_187 = arith.muli %scan3A_185, %mul3A_186 : i32
      %add3A = arith.constant 0 : i32
      %add3A_188 = arith.addi %add3A, %mul3A_187 : i32
      %dma_wait3A_189 = arith.constant 0 : i32
      %dma_wait3A_190 = arith.constant 0 : i32
      %dma_wait3A_191 = tpu.memref_slice %arg7[%scan3A, %dma_wait3A_189, %dma_wait3A_190] : memref<2x125x128xf32, #tpu.memory_space<vmem>> -> memref<1x125x128xf32, #tpu.memory_space<vmem>>
      %dma_wait3A_192 = tpu.memref_squeeze %dma_wait3A_191 : memref<1x125x128xf32, #tpu.memory_space<vmem>> -> memref<125x128xf32, #tpu.memory_space<vmem>>
      %dma_wait3A_193 = arith.constant 0 : i32
      %dma_wait3A_194 = tpu.memref_slice %arg5[%add3A_188, %dma_wait3A_193] : memref<40x125xi32, #tpu.memory_space<vmem>> -> memref<1x125xi32, #tpu.memory_space<vmem>>
      %dma_wait3A_195 = tpu.memref_squeeze %dma_wait3A_194 : memref<1x125xi32, #tpu.memory_space<vmem>> -> memref<125xi32, #tpu.memory_space<vmem>>
      %dma_wait3A_196 = arith.constant 0 : i32
      %dma_wait3A_197 = arith.constant 0 : i32
      %dma_wait3A_198 = tpu.memref_slice %arg2[%arg0, %dma_wait3A_196, %dma_wait3A_197] : memref<2x10000x128xf32, #tpu.memory_space<hbm>> -> memref<1x10000x128xf32, #tpu.memory_space<hbm>>
      %dma_wait3A_199 = tpu.memref_squeeze %dma_wait3A_198 : memref<1x10000x128xf32, #tpu.memory_space<hbm>> -> memref<10000x128xf32, #tpu.memory_space<hbm>>
      %dma_wait3A_200 = arith.constant 0 : i32
      %dma_wait3A_201 = arith.constant 0 : i32
      %dma_wait3A_202 = tpu.memref_slice %dma_wait3A_199[%dma_wait3A_200, %dma_wait3A_201] : memref<10000x128xf32, #tpu.memory_space<hbm>> -> memref<10000x128xf32, #tpu.memory_space<hbm>>
      tpu.wait_indirect_dma semaphore(%arg9 : memref<!tpu.dma_semaphore, #tpu.memory_space<semaphore_mem>>) src(%dma_wait3A_202 : memref<10000x128xf32, #tpu.memory_space<hbm>>) dst(%dma_wait3A_192 : memref<125x128xf32, #tpu.memory_space<vmem>>)
      "tpu.region"() ({
        %run_scoped3A_253 = tpu.sem_alloc : memref<!tpu.dma_semaphore, #tpu.memory_space<semaphore_mem>>
        %dma_start3A_254 = arith.constant 0 : i32
        %dma_start3A_255 = arith.constant 0 : i32
        %dma_start3A_256 = tpu.memref_slice %arg7[%scan3A, %dma_start3A_254, %dma_start3A_255] : memref<2x125x128xf32, #tpu.memory_space<vmem>> -> memref<1x125x128xf32, #tpu.memory_space<vmem>>
        %dma_start3A_257 = tpu.memref_squeeze %dma_start3A_256 : memref<1x125x128xf32, #tpu.memory_space<vmem>> -> memref<125x128xf32, #tpu.memory_space<vmem>>
        %dma_start3A_258 = arith.constant 0 : i32
        %dma_start3A_259 = tpu.memref_slice %arg6[%add3A_188, %dma_start3A_258] : memref<40x125xi32, #tpu.memory_space<vmem>> -> memref<1x125xi32, #tpu.memory_space<vmem>>
        %dma_start3A_260 = tpu.memref_squeeze %dma_start3A_259 : memref<1x125xi32, #tpu.memory_space<vmem>> -> memref<125xi32, #tpu.memory_space<vmem>>
        %dma_start3A_261 = arith.constant 0 : i32
        %dma_start3A_262 = arith.constant 0 : i32
        %dma_start3A_263 = tpu.memref_slice %arg8[%dma_start3A_261, %dma_start3A_262] : memref<10000x128xf32, #tpu.memory_space<vmem_shared>> -> memref<10000x128xf32, #tpu.memory_space<vmem_shared>>
        tpu.enqueue_indirect_dma source(%dma_start3A_257 : memref<125x128xf32, #tpu.memory_space<vmem>>) target(%dma_start3A_263 : memref<10000x128xf32, #tpu.memory_space<vmem_shared>>) offsets(%dma_start3A_260 : memref<125xi32, #tpu.memory_space<vmem>>) semaphore(%run_scoped3A_253 : memref<!tpu.dma_semaphore, #tpu.memory_space<semaphore_mem>>) {add = true}
        %dma_wait3A_264 = arith.constant 0 : i32
        %dma_wait3A_265 = arith.constant 0 : i32
        %dma_wait3A_266 = tpu.memref_slice %arg7[%scan3A, %dma_wait3A_264, %dma_wait3A_265] : memref<2x125x128xf32, #tpu.memory_space<vmem>> -> memref<1x125x128xf32, #tpu.memory_space<vmem>>
        %dma_wait3A_267 = tpu.memref_squeeze %dma_wait3A_266 : memref<1x125x128xf32, #tpu.memory_space<vmem>> -> memref<125x128xf32, #tpu.memory_space<vmem>>
        %dma_wait3A_268 = arith.constant 0 : i32
        %dma_wait3A_269 = tpu.memref_slice %arg6[%add3A_188, %dma_wait3A_268] : memref<40x125xi32, #tpu.memory_space<vmem>> -> memref<1x125xi32, #tpu.memory_space<vmem>>
        %dma_wait3A_270 = tpu.memref_squeeze %dma_wait3A_269 : memref<1x125xi32, #tpu.memory_space<vmem>> -> memref<125xi32, #tpu.memory_space<vmem>>
        %dma_wait3A_271 = arith.constant 0 : i32
        %dma_wait3A_272 = arith.constant 0 : i32
        %dma_wait3A_273 = tpu.memref_slice %arg8[%dma_wait3A_271, %dma_wait3A_272] : memref<10000x128xf32, #tpu.memory_space<vmem_shared>> -> memref<10000x128xf32, #tpu.memory_space<vmem_shared>>
        tpu.wait_indirect_dma semaphore(%run_scoped3A_253 : memref<!tpu.dma_semaphore, #tpu.memory_space<semaphore_mem>>) src(%dma_wait3A_267 : memref<125x128xf32, #tpu.memory_space<vmem>>) dst(%dma_wait3A_273 : memref<10000x128xf32, #tpu.memory_space<vmem_shared>>)
        tpu.yield
      }) : () -> ()
      %add3A_203 = arith.constant 2 : i32
      %add3A_204 = arith.addi %add3A_188, %add3A_203 : i32
      %dma_start3A_205 = arith.constant 0 : i32
      %dma_start3A_206 = arith.constant 0 : i32
      %dma_start3A_207 = tpu.memref_slice %arg7[%scan3A, %dma_start3A_205, %dma_start3A_206] : memref<2x125x128xf32, #tpu.memory_space<vmem>> -> memref<1x125x128xf32, #tpu.memory_space<vmem>>
      %dma_start3A_208 = tpu.memref_squeeze %dma_start3A_207 : memref<1x125x128xf32, #tpu.memory_space<vmem>> -> memref<125x128xf32, #tpu.memory_space<vmem>>
      %dma_start3A_209 = arith.constant 0 : i32
      %dma_start3A_210 = tpu.memref_slice %arg5[%add3A_204, %dma_start3A_209] : memref<40x125xi32, #tpu.memory_space<vmem>> -> memref<1x125xi32, #tpu.memory_space<vmem>>
      %dma_start3A_211 = tpu.memref_squeeze %dma_start3A_210 : memref<1x125xi32, #tpu.memory_space<vmem>> -> memref<125xi32, #tpu.memory_space<vmem>>
      %dma_start3A_212 = arith.constant 0 : i32
      %dma_start3A_213 = arith.constant 0 : i32
      %dma_start3A_214 = tpu.memref_slice %arg2[%arg0, %dma_start3A_212, %dma_start3A_213] : memref<2x10000x128xf32, #tpu.memory_space<hbm>> -> memref<1x10000x128xf32, #tpu.memory_space<hbm>>
      %dma_start3A_215 = tpu.memref_squeeze %dma_start3A_214 : memref<1x10000x128xf32, #tpu.memory_space<hbm>> -> memref<10000x128xf32, #tpu.memory_space<hbm>>
      %dma_start3A_216 = arith.constant 0 : i32
      %dma_start3A_217 = arith.constant 0 : i32
      %dma_start3A_218 = tpu.memref_slice %dma_start3A_215[%dma_start3A_216, %dma_start3A_217] : memref<10000x128xf32, #tpu.memory_space<hbm>> -> memref<10000x128xf32, #tpu.memory_space<hbm>>
      tpu.enqueue_indirect_dma source(%dma_start3A_218 : memref<10000x128xf32, #tpu.memory_space<hbm>>) target(%dma_start3A_208 : memref<125x128xf32, #tpu.memory_space<vmem>>) offsets(%dma_start3A_211 : memref<125xi32, #tpu.memory_space<vmem>>) semaphore(%arg9 : memref<!tpu.dma_semaphore, #tpu.memory_space<semaphore_mem>>)
      %add3A_219 = arith.constant 1 : i32
      %add3A_220 = arith.addi %add3A_188, %add3A_219 : i32
      %dma_wait3A_221 = arith.constant 0 : i32
      %dma_wait3A_222 = arith.constant 0 : i32
      %dma_wait3A_223 = tpu.memref_slice %arg7[%scan3A_56, %dma_wait3A_221, %dma_wait3A_222] : memref<2x125x128xf32, #tpu.memory_space<vmem>> -> memref<1x125x128xf32, #tpu.memory_space<vmem>>
      %dma_wait3A_224 = tpu.memref_squeeze %dma_wait3A_223 : memref<1x125x128xf32, #tpu.memory_space<vmem>> -> memref<125x128xf32, #tpu.memory_space<vmem>>
      %dma_wait3A_225 = arith.constant 0 : i32
      %dma_wait3A_226 = tpu.memref_slice %arg5[%add3A_220, %dma_wait3A_225] : memref<40x125xi32, #tpu.memory_space<vmem>> -> memref<1x125xi32, #tpu.memory_space<vmem>>
      %dma_wait3A_227 = tpu.memref_squeeze %dma_wait3A_226 : memref<1x125xi32, #tpu.memory_space<vmem>> -> memref<125xi32, #tpu.memory_space<vmem>>
      %dma_wait3A_228 = arith.constant 0 : i32
      %dma_wait3A_229 = arith.constant 0 : i32
      %dma_wait3A_230 = tpu.memref_slice %arg2[%arg0, %dma_wait3A_228, %dma_wait3A_229] : memref<2x10000x128xf32, #tpu.memory_space<hbm>> -> memref<1x10000x128xf32, #tpu.memory_space<hbm>>
      %dma_wait3A_231 = tpu.memref_squeeze %dma_wait3A_230 : memref<1x10000x128xf32, #tpu.memory_space<hbm>> -> memref<10000x128xf32, #tpu.memory_space<hbm>>
      %dma_wait3A_232 = arith.constant 0 : i32
      %dma_wait3A_233 = arith.constant 0 : i32
      %dma_wait3A_234 = tpu.memref_slice %dma_wait3A_231[%dma_wait3A_232, %dma_wait3A_233] : memref<10000x128xf32, #tpu.memory_space<hbm>> -> memref<10000x128xf32, #tpu.memory_space<hbm>>
      tpu.wait_indirect_dma semaphore(%arg10 : memref<!tpu.dma_semaphore, #tpu.memory_space<semaphore_mem>>) src(%dma_wait3A_234 : memref<10000x128xf32, #tpu.memory_space<hbm>>) dst(%dma_wait3A_224 : memref<125x128xf32, #tpu.memory_space<vmem>>)
      %add3A_235 = arith.constant 1 : i32
      %add3A_236 = arith.addi %add3A_188, %add3A_235 : i32
      "tpu.region"() ({
        %run_scoped3A_253 = tpu.sem_alloc : memref<!tpu.dma_semaphore, #tpu.memory_space<semaphore_mem>>
        %dma_start3A_254 = arith.constant 0 : i32
        %dma_start3A_255 = arith.constant 0 : i32
        %dma_start3A_256 = tpu.memref_slice %arg7[%scan3A_56, %dma_start3A_254, %dma_start3A_255] : memref<2x125x128xf32, #tpu.memory_space<vmem>> -> memref<1x125x128xf32, #tpu.memory_space<vmem>>
        %dma_start3A_257 = tpu.memref_squeeze %dma_start3A_256 : memref<1x125x128xf32, #tpu.memory_space<vmem>> -> memref<125x128xf32, #tpu.memory_space<vmem>>
        %dma_start3A_258 = arith.constant 0 : i32
        %dma_start3A_259 = tpu.memref_slice %arg6[%add3A_236, %dma_start3A_258] : memref<40x125xi32, #tpu.memory_space<vmem>> -> memref<1x125xi32, #tpu.memory_space<vmem>>
        %dma_start3A_260 = tpu.memref_squeeze %dma_start3A_259 : memref<1x125xi32, #tpu.memory_space<vmem>> -> memref<125xi32, #tpu.memory_space<vmem>>
        %dma_start3A_261 = arith.constant 0 : i32
        %dma_start3A_262 = arith.constant 0 : i32
        %dma_start3A_263 = tpu.memref_slice %arg8[%dma_start3A_261, %dma_start3A_262] : memref<10000x128xf32, #tpu.memory_space<vmem_shared>> -> memref<10000x128xf32, #tpu.memory_space<vmem_shared>>
        tpu.enqueue_indirect_dma source(%dma_start3A_257 : memref<125x128xf32, #tpu.memory_space<vmem>>) target(%dma_start3A_263 : memref<10000x128xf32, #tpu.memory_space<vmem_shared>>) offsets(%dma_start3A_260 : memref<125xi32, #tpu.memory_space<vmem>>) semaphore(%run_scoped3A_253 : memref<!tpu.dma_semaphore, #tpu.memory_space<semaphore_mem>>) {add = true}
        %dma_wait3A_264 = arith.constant 0 : i32
        %dma_wait3A_265 = arith.constant 0 : i32
        %dma_wait3A_266 = tpu.memref_slice %arg7[%scan3A_56, %dma_wait3A_264, %dma_wait3A_265] : memref<2x125x128xf32, #tpu.memory_space<vmem>> -> memref<1x125x128xf32, #tpu.memory_space<vmem>>
        %dma_wait3A_267 = tpu.memref_squeeze %dma_wait3A_266 : memref<1x125x128xf32, #tpu.memory_space<vmem>> -> memref<125x128xf32, #tpu.memory_space<vmem>>
        %dma_wait3A_268 = arith.constant 0 : i32
        %dma_wait3A_269 = tpu.memref_slice %arg6[%add3A_236, %dma_wait3A_268] : memref<40x125xi32, #tpu.memory_space<vmem>> -> memref<1x125xi32, #tpu.memory_space<vmem>>
        %dma_wait3A_270 = tpu.memref_squeeze %dma_wait3A_269 : memref<1x125xi32, #tpu.memory_space<vmem>> -> memref<125xi32, #tpu.memory_space<vmem>>
        %dma_wait3A_271 = arith.constant 0 : i32
        %dma_wait3A_272 = arith.constant 0 : i32
        %dma_wait3A_273 = tpu.memref_slice %arg8[%dma_wait3A_271, %dma_wait3A_272] : memref<10000x128xf32, #tpu.memory_space<vmem_shared>> -> memref<10000x128xf32, #tpu.memory_space<vmem_shared>>
        tpu.wait_indirect_dma semaphore(%run_scoped3A_253 : memref<!tpu.dma_semaphore, #tpu.memory_space<semaphore_mem>>) src(%dma_wait3A_267 : memref<125x128xf32, #tpu.memory_space<vmem>>) dst(%dma_wait3A_273 : memref<10000x128xf32, #tpu.memory_space<vmem_shared>>)
        tpu.yield
      }) : () -> ()
      %add3A_237 = arith.constant 3 : i32
      %add3A_238 = arith.addi %add3A_188, %add3A_237 : i32
      %dma_start3A_239 = arith.constant 0 : i32
      %dma_start3A_240 = arith.constant 0 : i32
      %dma_start3A_241 = tpu.memref_slice %arg7[%scan3A_56, %dma_start3A_239, %dma_start3A_240] : memref<2x125x128xf32, #tpu.memory_space<vmem>> -> memref<1x125x128xf32, #tpu.memory_space<vmem>>
      %dma_start3A_242 = tpu.memref_squeeze %dma_start3A_241 : memref<1x125x128xf32, #tpu.memory_space<vmem>> -> memref<125x128xf32, #tpu.memory_space<vmem>>
      %dma_start3A_243 = arith.constant 0 : i32
      %dma_start3A_244 = tpu.memref_slice %arg5[%add3A_238, %dma_start3A_243] : memref<40x125xi32, #tpu.memory_space<vmem>> -> memref<1x125xi32, #tpu.memory_space<vmem>>
      %dma_start3A_245 = tpu.memref_squeeze %dma_start3A_244 : memref<1x125xi32, #tpu.memory_space<vmem>> -> memref<125xi32, #tpu.memory_space<vmem>>
      %dma_start3A_246 = arith.constant 0 : i32
      %dma_start3A_247 = arith.constant 0 : i32
      %dma_start3A_248 = tpu.memref_slice %arg2[%arg0, %dma_start3A_246, %dma_start3A_247] : memref<2x10000x128xf32, #tpu.memory_space<hbm>> -> memref<1x10000x128xf32, #tpu.memory_space<hbm>>
      %dma_start3A_249 = tpu.memref_squeeze %dma_start3A_248 : memref<1x10000x128xf32, #tpu.memory_space<hbm>> -> memref<10000x128xf32, #tpu.memory_space<hbm>>
      %dma_start3A_250 = arith.constant 0 : i32
      %dma_start3A_251 = arith.constant 0 : i32
      %dma_start3A_252 = tpu.memref_slice %dma_start3A_249[%dma_start3A_250, %dma_start3A_251] : memref<10000x128xf32, #tpu.memory_space<hbm>> -> memref<10000x128xf32, #tpu.memory_space<hbm>>
      tpu.enqueue_indirect_dma source(%dma_start3A_252 : memref<10000x128xf32, #tpu.memory_space<hbm>>) target(%dma_start3A_242 : memref<125x128xf32, #tpu.memory_space<vmem>>) offsets(%dma_start3A_245 : memref<125xi32, #tpu.memory_space<vmem>>) semaphore(%arg10 : memref<!tpu.dma_semaphore, #tpu.memory_space<semaphore_mem>>)
    }
    %scan3A_61 = arith.constant 19 : i32
    %dma_wait3A_62 = arith.constant 38 : i32
    %dma_wait3A_63 = arith.constant 0 : i32
    %dma_wait3A_64 = arith.constant 0 : i32
    %dma_wait3A_65 = arith.constant 0 : i32
    %dma_wait3A_66 = tpu.memref_slice %arg7[%dma_wait3A_63, %dma_wait3A_64, %dma_wait3A_65] : memref<2x125x128xf32, #tpu.memory_space<vmem>> -> memref<1x125x128xf32, #tpu.memory_space<vmem>>
    %dma_wait3A_67 = tpu.memref_squeeze %dma_wait3A_66 : memref<1x125x128xf32, #tpu.memory_space<vmem>> -> memref<125x128xf32, #tpu.memory_space<vmem>>
    %dma_wait3A_68 = arith.constant 0 : i32
    %dma_wait3A_69 = tpu.memref_slice %arg5[%dma_wait3A_62, %dma_wait3A_68] : memref<40x125xi32, #tpu.memory_space<vmem>> -> memref<1x125xi32, #tpu.memory_space<vmem>>
    %dma_wait3A_70 = tpu.memref_squeeze %dma_wait3A_69 : memref<1x125xi32, #tpu.memory_space<vmem>> -> memref<125xi32, #tpu.memory_space<vmem>>
    %dma_wait3A_71 = arith.constant 0 : i32
    %dma_wait3A_72 = arith.constant 0 : i32
    %dma_wait3A_73 = tpu.memref_slice %arg2[%arg0, %dma_wait3A_71, %dma_wait3A_72] : memref<2x10000x128xf32, #tpu.memory_space<hbm>> -> memref<1x10000x128xf32, #tpu.memory_space<hbm>>
    %dma_wait3A_74 = tpu.memref_squeeze %dma_wait3A_73 : memref<1x10000x128xf32, #tpu.memory_space<hbm>> -> memref<10000x128xf32, #tpu.memory_space<hbm>>
    %dma_wait3A_75 = arith.constant 0 : i32
    %dma_wait3A_76 = arith.constant 0 : i32
    %dma_wait3A_77 = tpu.memref_slice %dma_wait3A_74[%dma_wait3A_75, %dma_wait3A_76] : memref<10000x128xf32, #tpu.memory_space<hbm>> -> memref<10000x128xf32, #tpu.memory_space<hbm>>
    tpu.wait_indirect_dma semaphore(%arg9 : memref<!tpu.dma_semaphore, #tpu.memory_space<semaphore_mem>>) src(%dma_wait3A_77 : memref<10000x128xf32, #tpu.memory_space<hbm>>) dst(%dma_wait3A_67 : memref<125x128xf32, #tpu.memory_space<vmem>>)
    %run_scoped3A_78 = arith.constant 0 : i32
    %run_scoped3A_79 = arith.constant 38 : i32
    "tpu.region"() ({
      %run_scoped3A_185 = tpu.sem_alloc : memref<!tpu.dma_semaphore, #tpu.memory_space<semaphore_mem>>
      %dma_start3A_186 = arith.constant 0 : i32
      %dma_start3A_187 = arith.constant 0 : i32
      %dma_start3A_188 = tpu.memref_slice %arg7[%run_scoped3A_78, %dma_start3A_186, %dma_start3A_187] : memref<2x125x128xf32, #tpu.memory_space<vmem>> -> memref<1x125x128xf32, #tpu.memory_space<vmem>>
      %dma_start3A_189 = tpu.memref_squeeze %dma_start3A_188 : memref<1x125x128xf32, #tpu.memory_space<vmem>> -> memref<125x128xf32, #tpu.memory_space<vmem>>
      %dma_start3A_190 = arith.constant 0 : i32
      %dma_start3A_191 = tpu.memref_slice %arg6[%run_scoped3A_79, %dma_start3A_190] : memref<40x125xi32, #tpu.memory_space<vmem>> -> memref<1x125xi32, #tpu.memory_space<vmem>>
      %dma_start3A_192 = tpu.memref_squeeze %dma_start3A_191 : memref<1x125xi32, #tpu.memory_space<vmem>> -> memref<125xi32, #tpu.memory_space<vmem>>
      %dma_start3A_193 = arith.constant 0 : i32
      %dma_start3A_194 = arith.constant 0 : i32
      %dma_start3A_195 = tpu.memref_slice %arg8[%dma_start3A_193, %dma_start3A_194] : memref<10000x128xf32, #tpu.memory_space<vmem_shared>> -> memref<10000x128xf32, #tpu.memory_space<vmem_shared>>
      tpu.enqueue_indirect_dma source(%dma_start3A_189 : memref<125x128xf32, #tpu.memory_space<vmem>>) target(%dma_start3A_195 : memref<10000x128xf32, #tpu.memory_space<vmem_shared>>) offsets(%dma_start3A_192 : memref<125xi32, #tpu.memory_space<vmem>>) semaphore(%run_scoped3A_185 : memref<!tpu.dma_semaphore, #tpu.memory_space<semaphore_mem>>) {add = true}
      %dma_wait3A_196 = arith.constant 0 : i32
      %dma_wait3A_197 = arith.constant 0 : i32
      %dma_wait3A_198 = tpu.memref_slice %arg7[%run_scoped3A_78, %dma_wait3A_196, %dma_wait3A_197] : memref<2x125x128xf32, #tpu.memory_space<vmem>> -> memref<1x125x128xf32, #tpu.memory_space<vmem>>
      %dma_wait3A_199 = tpu.memref_squeeze %dma_wait3A_198 : memref<1x125x128xf32, #tpu.memory_space<vmem>> -> memref<125x128xf32, #tpu.memory_space<vmem>>
      %dma_wait3A_200 = arith.constant 0 : i32
      %dma_wait3A_201 = tpu.memref_slice %arg6[%run_scoped3A_79, %dma_wait3A_200] : memref<40x125xi32, #tpu.memory_space<vmem>> -> memref<1x125xi32, #tpu.memory_space<vmem>>
      %dma_wait3A_202 = tpu.memref_squeeze %dma_wait3A_201 : memref<1x125xi32, #tpu.memory_space<vmem>> -> memref<125xi32, #tpu.memory_space<vmem>>
      %dma_wait3A_203 = arith.constant 0 : i32
      %dma_wait3A_204 = arith.constant 0 : i32
      %dma_wait3A_205 = tpu.memref_slice %arg8[%dma_wait3A_203, %dma_wait3A_204] : memref<10000x128xf32, #tpu.memory_space<vmem_shared>> -> memref<10000x128xf32, #tpu.memory_space<vmem_shared>>
      tpu.wait_indirect_dma semaphore(%run_scoped3A_185 : memref<!tpu.dma_semaphore, #tpu.memory_space<semaphore_mem>>) src(%dma_wait3A_199 : memref<125x128xf32, #tpu.memory_space<vmem>>) dst(%dma_wait3A_205 : memref<10000x128xf32, #tpu.memory_space<vmem_shared>>)
      tpu.yield
    }) : () -> ()
    %dma_wait3A_80 = arith.constant 39 : i32
    %dma_wait3A_81 = arith.constant 1 : i32
    %dma_wait3A_82 = arith.constant 0 : i32
    %dma_wait3A_83 = arith.constant 0 : i32
    %dma_wait3A_84 = tpu.memref_slice %arg7[%dma_wait3A_81, %dma_wait3A_82, %dma_wait3A_83] : memref<2x125x128xf32, #tpu.memory_space<vmem>> -> memref<1x125x128xf32, #tpu.memory_space<vmem>>
    %dma_wait3A_85 = tpu.memref_squeeze %dma_wait3A_84 : memref<1x125x128xf32, #tpu.memory_space<vmem>> -> memref<125x128xf32, #tpu.memory_space<vmem>>
    %dma_wait3A_86 = arith.constant 0 : i32
    %dma_wait3A_87 = tpu.memref_slice %arg5[%dma_wait3A_80, %dma_wait3A_86] : memref<40x125xi32, #tpu.memory_space<vmem>> -> memref<1x125xi32, #tpu.memory_space<vmem>>
    %dma_wait3A_88 = tpu.memref_squeeze %dma_wait3A_87 : memref<1x125xi32, #tpu.memory_space<vmem>> -> memref<125xi32, #tpu.memory_space<vmem>>
    %dma_wait3A_89 = arith.constant 0 : i32
    %dma_wait3A_90 = arith.constant 0 : i32
    %dma_wait3A_91 = tpu.memref_slice %arg2[%arg0, %dma_wait3A_89, %dma_wait3A_90] : memref<2x10000x128xf32, #tpu.memory_space<hbm>> -> memref<1x10000x128xf32, #tpu.memory_space<hbm>>
    %dma_wait3A_92 = tpu.memref_squeeze %dma_wait3A_91 : memref<1x10000x128xf32, #tpu.memory_space<hbm>> -> memref<10000x128xf32, #tpu.memory_space<hbm>>
    %dma_wait3A_93 = arith.constant 0 : i32
    %dma_wait3A_94 = arith.constant 0 : i32
    %dma_wait3A_95 = tpu.memref_slice %dma_wait3A_92[%dma_wait3A_93, %dma_wait3A_94] : memref<10000x128xf32, #tpu.memory_space<hbm>> -> memref<10000x128xf32, #tpu.memory_space<hbm>>
    tpu.wait_indirect_dma semaphore(%arg10 : memref<!tpu.dma_semaphore, #tpu.memory_space<semaphore_mem>>) src(%dma_wait3A_95 : memref<10000x128xf32, #tpu.memory_space<hbm>>) dst(%dma_wait3A_85 : memref<125x128xf32, #tpu.memory_space<vmem>>)
    %run_scoped3A_96 = arith.constant 1 : i32
    %run_scoped3A_97 = arith.constant 39 : i32
    "tpu.region"() ({
      %run_scoped3A_185 = tpu.sem_alloc : memref<!tpu.dma_semaphore, #tpu.memory_space<semaphore_mem>>
      %dma_start3A_186 = arith.constant 0 : i32
      %dma_start3A_187 = arith.constant 0 : i32
      %dma_start3A_188 = tpu.memref_slice %arg7[%run_scoped3A_96, %dma_start3A_186, %dma_start3A_187] : memref<2x125x128xf32, #tpu.memory_space<vmem>> -> memref<1x125x128xf32, #tpu.memory_space<vmem>>
      %dma_start3A_189 = tpu.memref_squeeze %dma_start3A_188 : memref<1x125x128xf32, #tpu.memory_space<vmem>> -> memref<125x128xf32, #tpu.memory_space<vmem>>
      %dma_start3A_190 = arith.constant 0 : i32
      %dma_start3A_191 = tpu.memref_slice %arg6[%run_scoped3A_97, %dma_start3A_190] : memref<40x125xi32, #tpu.memory_space<vmem>> -> memref<1x125xi32, #tpu.memory_space<vmem>>
      %dma_start3A_192 = tpu.memref_squeeze %dma_start3A_191 : memref<1x125xi32, #tpu.memory_space<vmem>> -> memref<125xi32, #tpu.memory_space<vmem>>
      %dma_start3A_193 = arith.constant 0 : i32
      %dma_start3A_194 = arith.constant 0 : i32
      %dma_start3A_195 = tpu.memref_slice %arg8[%dma_start3A_193, %dma_start3A_194] : memref<10000x128xf32, #tpu.memory_space<vmem_shared>> -> memref<10000x128xf32, #tpu.memory_space<vmem_shared>>
      tpu.enqueue_indirect_dma source(%dma_start3A_189 : memref<125x128xf32, #tpu.memory_space<vmem>>) target(%dma_start3A_195 : memref<10000x128xf32, #tpu.memory_space<vmem_shared>>) offsets(%dma_start3A_192 : memref<125xi32, #tpu.memory_space<vmem>>) semaphore(%run_scoped3A_185 : memref<!tpu.dma_semaphore, #tpu.memory_space<semaphore_mem>>) {add = true}
      %dma_wait3A_196 = arith.constant 0 : i32
      %dma_wait3A_197 = arith.constant 0 : i32
      %dma_wait3A_198 = tpu.memref_slice %arg7[%run_scoped3A_96, %dma_wait3A_196, %dma_wait3A_197] : memref<2x125x128xf32, #tpu.memory_space<vmem>> -> memref<1x125x128xf32, #tpu.memory_space<vmem>>
      %dma_wait3A_199 = tpu.memref_squeeze %dma_wait3A_198 : memref<1x125x128xf32, #tpu.memory_space<vmem>> -> memref<125x128xf32, #tpu.memory_space<vmem>>
      %dma_wait3A_200 = arith.constant 0 : i32
      %dma_wait3A_201 = tpu.memref_slice %arg6[%run_scoped3A_97, %dma_wait3A_200] : memref<40x125xi32, #tpu.memory_space<vmem>> -> memref<1x125xi32, #tpu.memory_space<vmem>>
      %dma_wait3A_202 = tpu.memref_squeeze %dma_wait3A_201 : memref<1x125xi32, #tpu.memory_space<vmem>> -> memref<125xi32, #tpu.memory_space<vmem>>
      %dma_wait3A_203 = arith.constant 0 : i32
      %dma_wait3A_204 = arith.constant 0 : i32
      %dma_wait3A_205 = tpu.memref_slice %arg8[%dma_wait3A_203, %dma_wait3A_204] : memref<10000x128xf32, #tpu.memory_space<vmem_shared>> -> memref<10000x128xf32, #tpu.memory_space<vmem_shared>>
      tpu.wait_indirect_dma semaphore(%run_scoped3A_185 : memref<!tpu.dma_semaphore, #tpu.memory_space<semaphore_mem>>) src(%dma_wait3A_199 : memref<125x128xf32, #tpu.memory_space<vmem>>) dst(%dma_wait3A_205 : memref<10000x128xf32, #tpu.memory_space<vmem_shared>>)
      tpu.yield
    }) : () -> ()
    %run_scoped3A_98 = arith.constant 0 : i32
    "tpu.region"() ({
      %run_scoped3A_185 = tpu.sem_alloc : memref<!tpu.dma_semaphore, #tpu.memory_space<semaphore_mem>>
      %dma_start3A_186 = arith.constant 40 : i32
      %dma_start3A_187 = arith.constant 0 : i32
      %dma_start3A_188 = tpu.memref_slice %arg3[%run_scoped3A_98, %arg1, %dma_start3A_186, %dma_start3A_187] : memref<2x16x80x125xi32, #tpu.memory_space<hbm>> -> memref<1x1x40x125xi32, #tpu.memory_space<hbm>>
      %dma_start3A_189 = tpu.memref_squeeze %dma_start3A_188 : memref<1x1x40x125xi32, #tpu.memory_space<hbm>> -> memref<40x125xi32, #tpu.memory_space<hbm>>
      %dma_start3A_190 = arith.constant 40 : i32
      %dma_start3A_191 = arith.constant 0 : i32
      %dma_start3A_192 = tpu.memref_slice %arg3[%run_scoped3A_98, %arg1, %dma_start3A_190, %dma_start3A_191] : memref<2x16x80x125xi32, #tpu.memory_space<hbm>> -> memref<1x1x40x125xi32, #tpu.memory_space<hbm>>
      %dma_start3A_193 = tpu.memref_squeeze %dma_start3A_192 : memref<1x1x40x125xi32, #tpu.memory_space<hbm>> -> memref<40x125xi32, #tpu.memory_space<hbm>>
      tpu.enqueue_dma source(%dma_start3A_193 : memref<40x125xi32, #tpu.memory_space<hbm>>) target(%arg5 : memref<40x125xi32, #tpu.memory_space<vmem>>) target_semaphore(%run_scoped3A_185 : memref<!tpu.dma_semaphore, #tpu.memory_space<semaphore_mem>>)
      %dma_wait3A_194 = arith.constant 40 : i32
      %dma_wait3A_195 = arith.constant 0 : i32
      %dma_wait3A_196 = tpu.memref_slice %arg3[%run_scoped3A_98, %arg1, %dma_wait3A_194, %dma_wait3A_195] : memref<2x16x80x125xi32, #tpu.memory_space<hbm>> -> memref<1x1x40x125xi32, #tpu.memory_space<hbm>>
      %dma_wait3A_197 = tpu.memref_squeeze %dma_wait3A_196 : memref<1x1x40x125xi32, #tpu.memory_space<hbm>> -> memref<40x125xi32, #tpu.memory_space<hbm>>
      %dma_wait3A_198 = arith.constant 40 : i32
      %dma_wait3A_199 = arith.constant 0 : i32
      %dma_wait3A_200 = tpu.memref_slice %arg3[%run_scoped3A_98, %arg1, %dma_wait3A_198, %dma_wait3A_199] : memref<2x16x80x125xi32, #tpu.memory_space<hbm>> -> memref<1x1x40x125xi32, #tpu.memory_space<hbm>>
      %dma_wait3A_201 = tpu.memref_squeeze %dma_wait3A_200 : memref<1x1x40x125xi32, #tpu.memory_space<hbm>> -> memref<40x125xi32, #tpu.memory_space<hbm>>
      tpu.wait_dma2 semaphore(%run_scoped3A_185 : memref<!tpu.dma_semaphore, #tpu.memory_space<semaphore_mem>>) src(%dma_wait3A_201 : memref<40x125xi32, #tpu.memory_space<hbm>>) dst(%arg5 : memref<40x125xi32, #tpu.memory_space<vmem>>)
      tpu.yield
    }) : () -> ()
    %run_scoped3A_99 = arith.constant 1 : i32
    "tpu.region"() ({
      %run_scoped3A_185 = tpu.sem_alloc : memref<!tpu.dma_semaphore, #tpu.memory_space<semaphore_mem>>
      %dma_start3A_186 = arith.constant 40 : i32
      %dma_start3A_187 = arith.constant 0 : i32
      %dma_start3A_188 = tpu.memref_slice %arg3[%run_scoped3A_99, %arg1, %dma_start3A_186, %dma_start3A_187] : memref<2x16x80x125xi32, #tpu.memory_space<hbm>> -> memref<1x1x40x125xi32, #tpu.memory_space<hbm>>
      %dma_start3A_189 = tpu.memref_squeeze %dma_start3A_188 : memref<1x1x40x125xi32, #tpu.memory_space<hbm>> -> memref<40x125xi32, #tpu.memory_space<hbm>>
      %dma_start3A_190 = arith.constant 40 : i32
      %dma_start3A_191 = arith.constant 0 : i32
      %dma_start3A_192 = tpu.memref_slice %arg3[%run_scoped3A_99, %arg1, %dma_start3A_190, %dma_start3A_191] : memref<2x16x80x125xi32, #tpu.memory_space<hbm>> -> memref<1x1x40x125xi32, #tpu.memory_space<hbm>>
      %dma_start3A_193 = tpu.memref_squeeze %dma_start3A_192 : memref<1x1x40x125xi32, #tpu.memory_space<hbm>> -> memref<40x125xi32, #tpu.memory_space<hbm>>
      tpu.enqueue_dma source(%dma_start3A_193 : memref<40x125xi32, #tpu.memory_space<hbm>>) target(%arg6 : memref<40x125xi32, #tpu.memory_space<vmem>>) target_semaphore(%run_scoped3A_185 : memref<!tpu.dma_semaphore, #tpu.memory_space<semaphore_mem>>)
      %dma_wait3A_194 = arith.constant 40 : i32
      %dma_wait3A_195 = arith.constant 0 : i32
      %dma_wait3A_196 = tpu.memref_slice %arg3[%run_scoped3A_99, %arg1, %dma_wait3A_194, %dma_wait3A_195] : memref<2x16x80x125xi32, #tpu.memory_space<hbm>> -> memref<1x1x40x125xi32, #tpu.memory_space<hbm>>
      %dma_wait3A_197 = tpu.memref_squeeze %dma_wait3A_196 : memref<1x1x40x125xi32, #tpu.memory_space<hbm>> -> memref<40x125xi32, #tpu.memory_space<hbm>>
      %dma_wait3A_198 = arith.constant 40 : i32
      %dma_wait3A_199 = arith.constant 0 : i32
      %dma_wait3A_200 = tpu.memref_slice %arg3[%run_scoped3A_99, %arg1, %dma_wait3A_198, %dma_wait3A_199] : memref<2x16x80x125xi32, #tpu.memory_space<hbm>> -> memref<1x1x40x125xi32, #tpu.memory_space<hbm>>
      %dma_wait3A_201 = tpu.memref_squeeze %dma_wait3A_200 : memref<1x1x40x125xi32, #tpu.memory_space<hbm>> -> memref<40x125xi32, #tpu.memory_space<hbm>>
      tpu.wait_dma2 semaphore(%run_scoped3A_185 : memref<!tpu.dma_semaphore, #tpu.memory_space<semaphore_mem>>) src(%dma_wait3A_201 : memref<40x125xi32, #tpu.memory_space<hbm>>) dst(%arg6 : memref<40x125xi32, #tpu.memory_space<vmem>>)
      tpu.yield
    }) : () -> ()
    %dma_start3A_100 = arith.constant 0 : i32
    %dma_start3A_101 = arith.constant 0 : i32
    %dma_start3A_102 = arith.constant 0 : i32
    %dma_start3A_103 = arith.constant 0 : i32
    %dma_start3A_104 = tpu.memref_slice %arg7[%dma_start3A_101, %dma_start3A_102, %dma_start3A_103] : memref<2x125x128xf32, #tpu.memory_space<vmem>> -> memref<1x125x128xf32, #tpu.memory_space<vmem>>
    %dma_start3A_105 = tpu.memref_squeeze %dma_start3A_104 : memref<1x125x128xf32, #tpu.memory_space<vmem>> -> memref<125x128xf32, #tpu.memory_space<vmem>>
    %dma_start3A_106 = arith.constant 0 : i32
    %dma_start3A_107 = tpu.memref_slice %arg5[%dma_start3A_100, %dma_start3A_106] : memref<40x125xi32, #tpu.memory_space<vmem>> -> memref<1x125xi32, #tpu.memory_space<vmem>>
    %dma_start3A_108 = tpu.memref_squeeze %dma_start3A_107 : memref<1x125xi32, #tpu.memory_space<vmem>> -> memref<125xi32, #tpu.memory_space<vmem>>
    %dma_start3A_109 = arith.constant 0 : i32
    %dma_start3A_110 = arith.constant 0 : i32
    %dma_start3A_111 = tpu.memref_slice %arg2[%arg0, %dma_start3A_109, %dma_start3A_110] : memref<2x10000x128xf32, #tpu.memory_space<hbm>> -> memref<1x10000x128xf32, #tpu.memory_space<hbm>>
    %dma_start3A_112 = tpu.memref_squeeze %dma_start3A_111 : memref<1x10000x128xf32, #tpu.memory_space<hbm>> -> memref<10000x128xf32, #tpu.memory_space<hbm>>
    %dma_start3A_113 = arith.constant 0 : i32
    %dma_start3A_114 = arith.constant 0 : i32
    %dma_start3A_115 = tpu.memref_slice %dma_start3A_112[%dma_start3A_113, %dma_start3A_114] : memref<10000x128xf32, #tpu.memory_space<hbm>> -> memref<10000x128xf32, #tpu.memory_space<hbm>>
    tpu.enqueue_indirect_dma source(%dma_start3A_115 : memref<10000x128xf32, #tpu.memory_space<hbm>>) target(%dma_start3A_105 : memref<125x128xf32, #tpu.memory_space<vmem>>) offsets(%dma_start3A_108 : memref<125xi32, #tpu.memory_space<vmem>>) semaphore(%arg9 : memref<!tpu.dma_semaphore, #tpu.memory_space<semaphore_mem>>)
    %dma_start3A_116 = arith.constant 1 : i32
    %dma_start3A_117 = arith.constant 1 : i32
    %dma_start3A_118 = arith.constant 0 : i32
    %dma_start3A_119 = arith.constant 0 : i32
    %dma_start3A_120 = tpu.memref_slice %arg7[%dma_start3A_117, %dma_start3A_118, %dma_start3A_119] : memref<2x125x128xf32, #tpu.memory_space<vmem>> -> memref<1x125x128xf32, #tpu.memory_space<vmem>>
    %dma_start3A_121 = tpu.memref_squeeze %dma_start3A_120 : memref<1x125x128xf32, #tpu.memory_space<vmem>> -> memref<125x128xf32, #tpu.memory_space<vmem>>
    %dma_start3A_122 = arith.constant 0 : i32
    %dma_start3A_123 = tpu.memref_slice %arg5[%dma_start3A_116, %dma_start3A_122] : memref<40x125xi32, #tpu.memory_space<vmem>> -> memref<1x125xi32, #tpu.memory_space<vmem>>
    %dma_start3A_124 = tpu.memref_squeeze %dma_start3A_123 : memref<1x125xi32, #tpu.memory_space<vmem>> -> memref<125xi32, #tpu.memory_space<vmem>>
    %dma_start3A_125 = arith.constant 0 : i32
    %dma_start3A_126 = arith.constant 0 : i32
    %dma_start3A_127 = tpu.memref_slice %arg2[%arg0, %dma_start3A_125, %dma_start3A_126] : memref<2x10000x128xf32, #tpu.memory_space<hbm>> -> memref<1x10000x128xf32, #tpu.memory_space<hbm>>
    %dma_start3A_128 = tpu.memref_squeeze %dma_start3A_127 : memref<1x10000x128xf32, #tpu.memory_space<hbm>> -> memref<10000x128xf32, #tpu.memory_space<hbm>>
    %dma_start3A_129 = arith.constant 0 : i32
    %dma_start3A_130 = arith.constant 0 : i32
    %dma_start3A_131 = tpu.memref_slice %dma_start3A_128[%dma_start3A_129, %dma_start3A_130] : memref<10000x128xf32, #tpu.memory_space<hbm>> -> memref<10000x128xf32, #tpu.memory_space<hbm>>
    tpu.enqueue_indirect_dma source(%dma_start3A_131 : memref<10000x128xf32, #tpu.memory_space<hbm>>) target(%dma_start3A_121 : memref<125x128xf32, #tpu.memory_space<vmem>>) offsets(%dma_start3A_124 : memref<125xi32, #tpu.memory_space<vmem>>) semaphore(%arg10 : memref<!tpu.dma_semaphore, #tpu.memory_space<semaphore_mem>>)
    %scan3A_132 = arith.constant 0 : i32
    %scan3A_133 = arith.constant 1 : i32
    %scan3A_134 = arith.constant 0 : i32
    %scan3A_135 = arith.constant 19 : i32
    %scan3A_136 = arith.addi %scan3A_134, %scan3A_135 : i32
    %scan3A_137 = arith.constant 1 : i32
    scf.for %scan3A_185 = %scan3A_134 to %scan3A_136 step %scan3A_137  : i32 {
      %mul3A_186 = arith.constant 2 : i32
      %mul3A_187 = arith.muli %scan3A_185, %mul3A_186 : i32
      %add3A = arith.constant 0 : i32
      %add3A_188 = arith.addi %add3A, %mul3A_187 : i32
      %dma_wait3A_189 = arith.constant 0 : i32
      %dma_wait3A_190 = arith.constant 0 : i32
      %dma_wait3A_191 = tpu.memref_slice %arg7[%scan3A_132, %dma_wait3A_189, %dma_wait3A_190] : memref<2x125x128xf32, #tpu.memory_space<vmem>> -> memref<1x125x128xf32, #tpu.memory_space<vmem>>
      %dma_wait3A_192 = tpu.memref_squeeze %dma_wait3A_191 : memref<1x125x128xf32, #tpu.memory_space<vmem>> -> memref<125x128xf32, #tpu.memory_space<vmem>>
      %dma_wait3A_193 = arith.constant 0 : i32
      %dma_wait3A_194 = tpu.memref_slice %arg5[%add3A_188, %dma_wait3A_193] : memref<40x125xi32, #tpu.memory_space<vmem>> -> memref<1x125xi32, #tpu.memory_space<vmem>>
      %dma_wait3A_195 = tpu.memref_squeeze %dma_wait3A_194 : memref<1x125xi32, #tpu.memory_space<vmem>> -> memref<125xi32, #tpu.memory_space<vmem>>
      %dma_wait3A_196 = arith.constant 0 : i32
      %dma_wait3A_197 = arith.constant 0 : i32
      %dma_wait3A_198 = tpu.memref_slice %arg2[%arg0, %dma_wait3A_196, %dma_wait3A_197] : memref<2x10000x128xf32, #tpu.memory_space<hbm>> -> memref<1x10000x128xf32, #tpu.memory_space<hbm>>
      %dma_wait3A_199 = tpu.memref_squeeze %dma_wait3A_198 : memref<1x10000x128xf32, #tpu.memory_space<hbm>> -> memref<10000x128xf32, #tpu.memory_space<hbm>>
      %dma_wait3A_200 = arith.constant 0 : i32
      %dma_wait3A_201 = arith.constant 0 : i32
      %dma_wait3A_202 = tpu.memref_slice %dma_wait3A_199[%dma_wait3A_200, %dma_wait3A_201] : memref<10000x128xf32, #tpu.memory_space<hbm>> -> memref<10000x128xf32, #tpu.memory_space<hbm>>
      tpu.wait_indirect_dma semaphore(%arg9 : memref<!tpu.dma_semaphore, #tpu.memory_space<semaphore_mem>>) src(%dma_wait3A_202 : memref<10000x128xf32, #tpu.memory_space<hbm>>) dst(%dma_wait3A_192 : memref<125x128xf32, #tpu.memory_space<vmem>>)
      "tpu.region"() ({
        %run_scoped3A_253 = tpu.sem_alloc : memref<!tpu.dma_semaphore, #tpu.memory_space<semaphore_mem>>
        %dma_start3A_254 = arith.constant 0 : i32
        %dma_start3A_255 = arith.constant 0 : i32
        %dma_start3A_256 = tpu.memref_slice %arg7[%scan3A_132, %dma_start3A_254, %dma_start3A_255] : memref<2x125x128xf32, #tpu.memory_space<vmem>> -> memref<1x125x128xf32, #tpu.memory_space<vmem>>
        %dma_start3A_257 = tpu.memref_squeeze %dma_start3A_256 : memref<1x125x128xf32, #tpu.memory_space<vmem>> -> memref<125x128xf32, #tpu.memory_space<vmem>>
        %dma_start3A_258 = arith.constant 0 : i32
        %dma_start3A_259 = tpu.memref_slice %arg6[%add3A_188, %dma_start3A_258] : memref<40x125xi32, #tpu.memory_space<vmem>> -> memref<1x125xi32, #tpu.memory_space<vmem>>
        %dma_start3A_260 = tpu.memref_squeeze %dma_start3A_259 : memref<1x125xi32, #tpu.memory_space<vmem>> -> memref<125xi32, #tpu.memory_space<vmem>>
        %dma_start3A_261 = arith.constant 0 : i32
        %dma_start3A_262 = arith.constant 0 : i32
        %dma_start3A_263 = tpu.memref_slice %arg8[%dma_start3A_261, %dma_start3A_262] : memref<10000x128xf32, #tpu.memory_space<vmem_shared>> -> memref<10000x128xf32, #tpu.memory_space<vmem_shared>>
        tpu.enqueue_indirect_dma source(%dma_start3A_257 : memref<125x128xf32, #tpu.memory_space<vmem>>) target(%dma_start3A_263 : memref<10000x128xf32, #tpu.memory_space<vmem_shared>>) offsets(%dma_start3A_260 : memref<125xi32, #tpu.memory_space<vmem>>) semaphore(%run_scoped3A_253 : memref<!tpu.dma_semaphore, #tpu.memory_space<semaphore_mem>>) {add = true}
        %dma_wait3A_264 = arith.constant 0 : i32
        %dma_wait3A_265 = arith.constant 0 : i32
        %dma_wait3A_266 = tpu.memref_slice %arg7[%scan3A_132, %dma_wait3A_264, %dma_wait3A_265] : memref<2x125x128xf32, #tpu.memory_space<vmem>> -> memref<1x125x128xf32, #tpu.memory_space<vmem>>
        %dma_wait3A_267 = tpu.memref_squeeze %dma_wait3A_266 : memref<1x125x128xf32, #tpu.memory_space<vmem>> -> memref<125x128xf32, #tpu.memory_space<vmem>>
        %dma_wait3A_268 = arith.constant 0 : i32
        %dma_wait3A_269 = tpu.memref_slice %arg6[%add3A_188, %dma_wait3A_268] : memref<40x125xi32, #tpu.memory_space<vmem>> -> memref<1x125xi32, #tpu.memory_space<vmem>>
        %dma_wait3A_270 = tpu.memref_squeeze %dma_wait3A_269 : memref<1x125xi32, #tpu.memory_space<vmem>> -> memref<125xi32, #tpu.memory_space<vmem>>
        %dma_wait3A_271 = arith.constant 0 : i32
        %dma_wait3A_272 = arith.constant 0 : i32
        %dma_wait3A_273 = tpu.memref_slice %arg8[%dma_wait3A_271, %dma_wait3A_272] : memref<10000x128xf32, #tpu.memory_space<vmem_shared>> -> memref<10000x128xf32, #tpu.memory_space<vmem_shared>>
        tpu.wait_indirect_dma semaphore(%run_scoped3A_253 : memref<!tpu.dma_semaphore, #tpu.memory_space<semaphore_mem>>) src(%dma_wait3A_267 : memref<125x128xf32, #tpu.memory_space<vmem>>) dst(%dma_wait3A_273 : memref<10000x128xf32, #tpu.memory_space<vmem_shared>>)
        tpu.yield
      }) : () -> ()
      %add3A_203 = arith.constant 2 : i32
      %add3A_204 = arith.addi %add3A_188, %add3A_203 : i32
      %dma_start3A_205 = arith.constant 0 : i32
      %dma_start3A_206 = arith.constant 0 : i32
      %dma_start3A_207 = tpu.memref_slice %arg7[%scan3A_132, %dma_start3A_205, %dma_start3A_206] : memref<2x125x128xf32, #tpu.memory_space<vmem>> -> memref<1x125x128xf32, #tpu.memory_space<vmem>>
      %dma_start3A_208 = tpu.memref_squeeze %dma_start3A_207 : memref<1x125x128xf32, #tpu.memory_space<vmem>> -> memref<125x128xf32, #tpu.memory_space<vmem>>
      %dma_start3A_209 = arith.constant 0 : i32
      %dma_start3A_210 = tpu.memref_slice %arg5[%add3A_204, %dma_start3A_209] : memref<40x125xi32, #tpu.memory_space<vmem>> -> memref<1x125xi32, #tpu.memory_space<vmem>>
      %dma_start3A_211 = tpu.memref_squeeze %dma_start3A_210 : memref<1x125xi32, #tpu.memory_space<vmem>> -> memref<125xi32, #tpu.memory_space<vmem>>
      %dma_start3A_212 = arith.constant 0 : i32
      %dma_start3A_213 = arith.constant 0 : i32
      %dma_start3A_214 = tpu.memref_slice %arg2[%arg0, %dma_start3A_212, %dma_start3A_213] : memref<2x10000x128xf32, #tpu.memory_space<hbm>> -> memref<1x10000x128xf32, #tpu.memory_space<hbm>>
      %dma_start3A_215 = tpu.memref_squeeze %dma_start3A_214 : memref<1x10000x128xf32, #tpu.memory_space<hbm>> -> memref<10000x128xf32, #tpu.memory_space<hbm>>
      %dma_start3A_216 = arith.constant 0 : i32
      %dma_start3A_217 = arith.constant 0 : i32
      %dma_start3A_218 = tpu.memref_slice %dma_start3A_215[%dma_start3A_216, %dma_start3A_217] : memref<10000x128xf32, #tpu.memory_space<hbm>> -> memref<10000x128xf32, #tpu.memory_space<hbm>>
      tpu.enqueue_indirect_dma source(%dma_start3A_218 : memref<10000x128xf32, #tpu.memory_space<hbm>>) target(%dma_start3A_208 : memref<125x128xf32, #tpu.memory_space<vmem>>) offsets(%dma_start3A_211 : memref<125xi32, #tpu.memory_space<vmem>>) semaphore(%arg9 : memref<!tpu.dma_semaphore, #tpu.memory_space<semaphore_mem>>)
      %add3A_219 = arith.constant 1 : i32
      %add3A_220 = arith.addi %add3A_188, %add3A_219 : i32
      %dma_wait3A_221 = arith.constant 0 : i32
      %dma_wait3A_222 = arith.constant 0 : i32
      %dma_wait3A_223 = tpu.memref_slice %arg7[%scan3A_133, %dma_wait3A_221, %dma_wait3A_222] : memref<2x125x128xf32, #tpu.memory_space<vmem>> -> memref<1x125x128xf32, #tpu.memory_space<vmem>>
      %dma_wait3A_224 = tpu.memref_squeeze %dma_wait3A_223 : memref<1x125x128xf32, #tpu.memory_space<vmem>> -> memref<125x128xf32, #tpu.memory_space<vmem>>
      %dma_wait3A_225 = arith.constant 0 : i32
      %dma_wait3A_226 = tpu.memref_slice %arg5[%add3A_220, %dma_wait3A_225] : memref<40x125xi32, #tpu.memory_space<vmem>> -> memref<1x125xi32, #tpu.memory_space<vmem>>
      %dma_wait3A_227 = tpu.memref_squeeze %dma_wait3A_226 : memref<1x125xi32, #tpu.memory_space<vmem>> -> memref<125xi32, #tpu.memory_space<vmem>>
      %dma_wait3A_228 = arith.constant 0 : i32
      %dma_wait3A_229 = arith.constant 0 : i32
      %dma_wait3A_230 = tpu.memref_slice %arg2[%arg0, %dma_wait3A_228, %dma_wait3A_229] : memref<2x10000x128xf32, #tpu.memory_space<hbm>> -> memref<1x10000x128xf32, #tpu.memory_space<hbm>>
      %dma_wait3A_231 = tpu.memref_squeeze %dma_wait3A_230 : memref<1x10000x128xf32, #tpu.memory_space<hbm>> -> memref<10000x128xf32, #tpu.memory_space<hbm>>
      %dma_wait3A_232 = arith.constant 0 : i32
      %dma_wait3A_233 = arith.constant 0 : i32
      %dma_wait3A_234 = tpu.memref_slice %dma_wait3A_231[%dma_wait3A_232, %dma_wait3A_233] : memref<10000x128xf32, #tpu.memory_space<hbm>> -> memref<10000x128xf32, #tpu.memory_space<hbm>>
      tpu.wait_indirect_dma semaphore(%arg10 : memref<!tpu.dma_semaphore, #tpu.memory_space<semaphore_mem>>) src(%dma_wait3A_234 : memref<10000x128xf32, #tpu.memory_space<hbm>>) dst(%dma_wait3A_224 : memref<125x128xf32, #tpu.memory_space<vmem>>)
      %add3A_235 = arith.constant 1 : i32
      %add3A_236 = arith.addi %add3A_188, %add3A_235 : i32
      "tpu.region"() ({
        %run_scoped3A_253 = tpu.sem_alloc : memref<!tpu.dma_semaphore, #tpu.memory_space<semaphore_mem>>
        %dma_start3A_254 = arith.constant 0 : i32
        %dma_start3A_255 = arith.constant 0 : i32
        %dma_start3A_256 = tpu.memref_slice %arg7[%scan3A_133, %dma_start3A_254, %dma_start3A_255] : memref<2x125x128xf32, #tpu.memory_space<vmem>> -> memref<1x125x128xf32, #tpu.memory_space<vmem>>
        %dma_start3A_257 = tpu.memref_squeeze %dma_start3A_256 : memref<1x125x128xf32, #tpu.memory_space<vmem>> -> memref<125x128xf32, #tpu.memory_space<vmem>>
        %dma_start3A_258 = arith.constant 0 : i32
        %dma_start3A_259 = tpu.memref_slice %arg6[%add3A_236, %dma_start3A_258] : memref<40x125xi32, #tpu.memory_space<vmem>> -> memref<1x125xi32, #tpu.memory_space<vmem>>
        %dma_start3A_260 = tpu.memref_squeeze %dma_start3A_259 : memref<1x125xi32, #tpu.memory_space<vmem>> -> memref<125xi32, #tpu.memory_space<vmem>>
        %dma_start3A_261 = arith.constant 0 : i32
        %dma_start3A_262 = arith.constant 0 : i32
        %dma_start3A_263 = tpu.memref_slice %arg8[%dma_start3A_261, %dma_start3A_262] : memref<10000x128xf32, #tpu.memory_space<vmem_shared>> -> memref<10000x128xf32, #tpu.memory_space<vmem_shared>>
        tpu.enqueue_indirect_dma source(%dma_start3A_257 : memref<125x128xf32, #tpu.memory_space<vmem>>) target(%dma_start3A_263 : memref<10000x128xf32, #tpu.memory_space<vmem_shared>>) offsets(%dma_start3A_260 : memref<125xi32, #tpu.memory_space<vmem>>) semaphore(%run_scoped3A_253 : memref<!tpu.dma_semaphore, #tpu.memory_space<semaphore_mem>>) {add = true}
        %dma_wait3A_264 = arith.constant 0 : i32
        %dma_wait3A_265 = arith.constant 0 : i32
        %dma_wait3A_266 = tpu.memref_slice %arg7[%scan3A_133, %dma_wait3A_264, %dma_wait3A_265] : memref<2x125x128xf32, #tpu.memory_space<vmem>> -> memref<1x125x128xf32, #tpu.memory_space<vmem>>
        %dma_wait3A_267 = tpu.memref_squeeze %dma_wait3A_266 : memref<1x125x128xf32, #tpu.memory_space<vmem>> -> memref<125x128xf32, #tpu.memory_space<vmem>>
        %dma_wait3A_268 = arith.constant 0 : i32
        %dma_wait3A_269 = tpu.memref_slice %arg6[%add3A_236, %dma_wait3A_268] : memref<40x125xi32, #tpu.memory_space<vmem>> -> memref<1x125xi32, #tpu.memory_space<vmem>>
        %dma_wait3A_270 = tpu.memref_squeeze %dma_wait3A_269 : memref<1x125xi32, #tpu.memory_space<vmem>> -> memref<125xi32, #tpu.memory_space<vmem>>
        %dma_wait3A_271 = arith.constant 0 : i32
        %dma_wait3A_272 = arith.constant 0 : i32
        %dma_wait3A_273 = tpu.memref_slice %arg8[%dma_wait3A_271, %dma_wait3A_272] : memref<10000x128xf32, #tpu.memory_space<vmem_shared>> -> memref<10000x128xf32, #tpu.memory_space<vmem_shared>>
        tpu.wait_indirect_dma semaphore(%run_scoped3A_253 : memref<!tpu.dma_semaphore, #tpu.memory_space<semaphore_mem>>) src(%dma_wait3A_267 : memref<125x128xf32, #tpu.memory_space<vmem>>) dst(%dma_wait3A_273 : memref<10000x128xf32, #tpu.memory_space<vmem_shared>>)
        tpu.yield
      }) : () -> ()
      %add3A_237 = arith.constant 3 : i32
      %add3A_238 = arith.addi %add3A_188, %add3A_237 : i32
      %dma_start3A_239 = arith.constant 0 : i32
      %dma_start3A_240 = arith.constant 0 : i32
      %dma_start3A_241 = tpu.memref_slice %arg7[%scan3A_133, %dma_start3A_239, %dma_start3A_240] : memref<2x125x128xf32, #tpu.memory_space<vmem>> -> memref<1x125x128xf32, #tpu.memory_space<vmem>>
      %dma_start3A_242 = tpu.memref_squeeze %dma_start3A_241 : memref<1x125x128xf32, #tpu.memory_space<vmem>> -> memref<125x128xf32, #tpu.memory_space<vmem>>
      %dma_start3A_243 = arith.constant 0 : i32
      %dma_start3A_244 = tpu.memref_slice %arg5[%add3A_238, %dma_start3A_243] : memref<40x125xi32, #tpu.memory_space<vmem>> -> memref<1x125xi32, #tpu.memory_space<vmem>>
      %dma_start3A_245 = tpu.memref_squeeze %dma_start3A_244 : memref<1x125xi32, #tpu.memory_space<vmem>> -> memref<125xi32, #tpu.memory_space<vmem>>
      %dma_start3A_246 = arith.constant 0 : i32
      %dma_start3A_247 = arith.constant 0 : i32
      %dma_start3A_248 = tpu.memref_slice %arg2[%arg0, %dma_start3A_246, %dma_start3A_247] : memref<2x10000x128xf32, #tpu.memory_space<hbm>> -> memref<1x10000x128xf32, #tpu.memory_space<hbm>>
      %dma_start3A_249 = tpu.memref_squeeze %dma_start3A_248 : memref<1x10000x128xf32, #tpu.memory_space<hbm>> -> memref<10000x128xf32, #tpu.memory_space<hbm>>
      %dma_start3A_250 = arith.constant 0 : i32
      %dma_start3A_251 = arith.constant 0 : i32
      %dma_start3A_252 = tpu.memref_slice %dma_start3A_249[%dma_start3A_250, %dma_start3A_251] : memref<10000x128xf32, #tpu.memory_space<hbm>> -> memref<10000x128xf32, #tpu.memory_space<hbm>>
      tpu.enqueue_indirect_dma source(%dma_start3A_252 : memref<10000x128xf32, #tpu.memory_space<hbm>>) target(%dma_start3A_242 : memref<125x128xf32, #tpu.memory_space<vmem>>) offsets(%dma_start3A_245 : memref<125xi32, #tpu.memory_space<vmem>>) semaphore(%arg10 : memref<!tpu.dma_semaphore, #tpu.memory_space<semaphore_mem>>)
    }
    %scan3A_138 = arith.constant 19 : i32
    %dma_wait3A_139 = arith.constant 38 : i32
    %dma_wait3A_140 = arith.constant 0 : i32
    %dma_wait3A_141 = arith.constant 0 : i32
    %dma_wait3A_142 = arith.constant 0 : i32
    %dma_wait3A_143 = tpu.memref_slice %arg7[%dma_wait3A_140, %dma_wait3A_141, %dma_wait3A_142] : memref<2x125x128xf32, #tpu.memory_space<vmem>> -> memref<1x125x128xf32, #tpu.memory_space<vmem>>
    %dma_wait3A_144 = tpu.memref_squeeze %dma_wait3A_143 : memref<1x125x128xf32, #tpu.memory_space<vmem>> -> memref<125x128xf32, #tpu.memory_space<vmem>>
    %dma_wait3A_145 = arith.constant 0 : i32
    %dma_wait3A_146 = tpu.memref_slice %arg5[%dma_wait3A_139, %dma_wait3A_145] : memref<40x125xi32, #tpu.memory_space<vmem>> -> memref<1x125xi32, #tpu.memory_space<vmem>>
    %dma_wait3A_147 = tpu.memref_squeeze %dma_wait3A_146 : memref<1x125xi32, #tpu.memory_space<vmem>> -> memref<125xi32, #tpu.memory_space<vmem>>
    %dma_wait3A_148 = arith.constant 0 : i32
    %dma_wait3A_149 = arith.constant 0 : i32
    %dma_wait3A_150 = tpu.memref_slice %arg2[%arg0, %dma_wait3A_148, %dma_wait3A_149] : memref<2x10000x128xf32, #tpu.memory_space<hbm>> -> memref<1x10000x128xf32, #tpu.memory_space<hbm>>
    %dma_wait3A_151 = tpu.memref_squeeze %dma_wait3A_150 : memref<1x10000x128xf32, #tpu.memory_space<hbm>> -> memref<10000x128xf32, #tpu.memory_space<hbm>>
    %dma_wait3A_152 = arith.constant 0 : i32
    %dma_wait3A_153 = arith.constant 0 : i32
    %dma_wait3A_154 = tpu.memref_slice %dma_wait3A_151[%dma_wait3A_152, %dma_wait3A_153] : memref<10000x128xf32, #tpu.memory_space<hbm>> -> memref<10000x128xf32, #tpu.memory_space<hbm>>
    tpu.wait_indirect_dma semaphore(%arg9 : memref<!tpu.dma_semaphore, #tpu.memory_space<semaphore_mem>>) src(%dma_wait3A_154 : memref<10000x128xf32, #tpu.memory_space<hbm>>) dst(%dma_wait3A_144 : memref<125x128xf32, #tpu.memory_space<vmem>>)
    %run_scoped3A_155 = arith.constant 0 : i32
    %run_scoped3A_156 = arith.constant 38 : i32
    "tpu.region"() ({
      %run_scoped3A_185 = tpu.sem_alloc : memref<!tpu.dma_semaphore, #tpu.memory_space<semaphore_mem>>
      %dma_start3A_186 = arith.constant 0 : i32
      %dma_start3A_187 = arith.constant 0 : i32
      %dma_start3A_188 = tpu.memref_slice %arg7[%run_scoped3A_155, %dma_start3A_186, %dma_start3A_187] : memref<2x125x128xf32, #tpu.memory_space<vmem>> -> memref<1x125x128xf32, #tpu.memory_space<vmem>>
      %dma_start3A_189 = tpu.memref_squeeze %dma_start3A_188 : memref<1x125x128xf32, #tpu.memory_space<vmem>> -> memref<125x128xf32, #tpu.memory_space<vmem>>
      %dma_start3A_190 = arith.constant 0 : i32
      %dma_start3A_191 = tpu.memref_slice %arg6[%run_scoped3A_156, %dma_start3A_190] : memref<40x125xi32, #tpu.memory_space<vmem>> -> memref<1x125xi32, #tpu.memory_space<vmem>>
      %dma_start3A_192 = tpu.memref_squeeze %dma_start3A_191 : memref<1x125xi32, #tpu.memory_space<vmem>> -> memref<125xi32, #tpu.memory_space<vmem>>
      %dma_start3A_193 = arith.constant 0 : i32
      %dma_start3A_194 = arith.constant 0 : i32
      %dma_start3A_195 = tpu.memref_slice %arg8[%dma_start3A_193, %dma_start3A_194] : memref<10000x128xf32, #tpu.memory_space<vmem_shared>> -> memref<10000x128xf32, #tpu.memory_space<vmem_shared>>
      tpu.enqueue_indirect_dma source(%dma_start3A_189 : memref<125x128xf32, #tpu.memory_space<vmem>>) target(%dma_start3A_195 : memref<10000x128xf32, #tpu.memory_space<vmem_shared>>) offsets(%dma_start3A_192 : memref<125xi32, #tpu.memory_space<vmem>>) semaphore(%run_scoped3A_185 : memref<!tpu.dma_semaphore, #tpu.memory_space<semaphore_mem>>) {add = true}
      %dma_wait3A_196 = arith.constant 0 : i32
      %dma_wait3A_197 = arith.constant 0 : i32
      %dma_wait3A_198 = tpu.memref_slice %arg7[%run_scoped3A_155, %dma_wait3A_196, %dma_wait3A_197] : memref<2x125x128xf32, #tpu.memory_space<vmem>> -> memref<1x125x128xf32, #tpu.memory_space<vmem>>
      %dma_wait3A_199 = tpu.memref_squeeze %dma_wait3A_198 : memref<1x125x128xf32, #tpu.memory_space<vmem>> -> memref<125x128xf32, #tpu.memory_space<vmem>>
      %dma_wait3A_200 = arith.constant 0 : i32
      %dma_wait3A_201 = tpu.memref_slice %arg6[%run_scoped3A_156, %dma_wait3A_200] : memref<40x125xi32, #tpu.memory_space<vmem>> -> memref<1x125xi32, #tpu.memory_space<vmem>>
      %dma_wait3A_202 = tpu.memref_squeeze %dma_wait3A_201 : memref<1x125xi32, #tpu.memory_space<vmem>> -> memref<125xi32, #tpu.memory_space<vmem>>
      %dma_wait3A_203 = arith.constant 0 : i32
      %dma_wait3A_204 = arith.constant 0 : i32
      %dma_wait3A_205 = tpu.memref_slice %arg8[%dma_wait3A_203, %dma_wait3A_204] : memref<10000x128xf32, #tpu.memory_space<vmem_shared>> -> memref<10000x128xf32, #tpu.memory_space<vmem_shared>>
      tpu.wait_indirect_dma semaphore(%run_scoped3A_185 : memref<!tpu.dma_semaphore, #tpu.memory_space<semaphore_mem>>) src(%dma_wait3A_199 : memref<125x128xf32, #tpu.memory_space<vmem>>) dst(%dma_wait3A_205 : memref<10000x128xf32, #tpu.memory_space<vmem_shared>>)
      tpu.yield
    }) : () -> ()
    %dma_wait3A_157 = arith.constant 39 : i32
    %dma_wait3A_158 = arith.constant 1 : i32
    %dma_wait3A_159 = arith.constant 0 : i32
    %dma_wait3A_160 = arith.constant 0 : i32
    %dma_wait3A_161 = tpu.memref_slice %arg7[%dma_wait3A_158, %dma_wait3A_159, %dma_wait3A_160] : memref<2x125x128xf32, #tpu.memory_space<vmem>> -> memref<1x125x128xf32, #tpu.memory_space<vmem>>
    %dma_wait3A_162 = tpu.memref_squeeze %dma_wait3A_161 : memref<1x125x128xf32, #tpu.memory_space<vmem>> -> memref<125x128xf32, #tpu.memory_space<vmem>>
    %dma_wait3A_163 = arith.constant 0 : i32
    %dma_wait3A_164 = tpu.memref_slice %arg5[%dma_wait3A_157, %dma_wait3A_163] : memref<40x125xi32, #tpu.memory_space<vmem>> -> memref<1x125xi32, #tpu.memory_space<vmem>>
    %dma_wait3A_165 = tpu.memref_squeeze %dma_wait3A_164 : memref<1x125xi32, #tpu.memory_space<vmem>> -> memref<125xi32, #tpu.memory_space<vmem>>
    %dma_wait3A_166 = arith.constant 0 : i32
    %dma_wait3A_167 = arith.constant 0 : i32
    %dma_wait3A_168 = tpu.memref_slice %arg2[%arg0, %dma_wait3A_166, %dma_wait3A_167] : memref<2x10000x128xf32, #tpu.memory_space<hbm>> -> memref<1x10000x128xf32, #tpu.memory_space<hbm>>
    %dma_wait3A_169 = tpu.memref_squeeze %dma_wait3A_168 : memref<1x10000x128xf32, #tpu.memory_space<hbm>> -> memref<10000x128xf32, #tpu.memory_space<hbm>>
    %dma_wait3A_170 = arith.constant 0 : i32
    %dma_wait3A_171 = arith.constant 0 : i32
    %dma_wait3A_172 = tpu.memref_slice %dma_wait3A_169[%dma_wait3A_170, %dma_wait3A_171] : memref<10000x128xf32, #tpu.memory_space<hbm>> -> memref<10000x128xf32, #tpu.memory_space<hbm>>
    tpu.wait_indirect_dma semaphore(%arg10 : memref<!tpu.dma_semaphore, #tpu.memory_space<semaphore_mem>>) src(%dma_wait3A_172 : memref<10000x128xf32, #tpu.memory_space<hbm>>) dst(%dma_wait3A_162 : memref<125x128xf32, #tpu.memory_space<vmem>>)
    %run_scoped3A_173 = arith.constant 1 : i32
    %run_scoped3A_174 = arith.constant 39 : i32
    "tpu.region"() ({
      %run_scoped3A_185 = tpu.sem_alloc : memref<!tpu.dma_semaphore, #tpu.memory_space<semaphore_mem>>
      %dma_start3A_186 = arith.constant 0 : i32
      %dma_start3A_187 = arith.constant 0 : i32
      %dma_start3A_188 = tpu.memref_slice %arg7[%run_scoped3A_173, %dma_start3A_186, %dma_start3A_187] : memref<2x125x128xf32, #tpu.memory_space<vmem>> -> memref<1x125x128xf32, #tpu.memory_space<vmem>>
      %dma_start3A_189 = tpu.memref_squeeze %dma_start3A_188 : memref<1x125x128xf32, #tpu.memory_space<vmem>> -> memref<125x128xf32, #tpu.memory_space<vmem>>
      %dma_start3A_190 = arith.constant 0 : i32
      %dma_start3A_191 = tpu.memref_slice %arg6[%run_scoped3A_174, %dma_start3A_190] : memref<40x125xi32, #tpu.memory_space<vmem>> -> memref<1x125xi32, #tpu.memory_space<vmem>>
      %dma_start3A_192 = tpu.memref_squeeze %dma_start3A_191 : memref<1x125xi32, #tpu.memory_space<vmem>> -> memref<125xi32, #tpu.memory_space<vmem>>
      %dma_start3A_193 = arith.constant 0 : i32
      %dma_start3A_194 = arith.constant 0 : i32
      %dma_start3A_195 = tpu.memref_slice %arg8[%dma_start3A_193, %dma_start3A_194] : memref<10000x128xf32, #tpu.memory_space<vmem_shared>> -> memref<10000x128xf32, #tpu.memory_space<vmem_shared>>
      tpu.enqueue_indirect_dma source(%dma_start3A_189 : memref<125x128xf32, #tpu.memory_space<vmem>>) target(%dma_start3A_195 : memref<10000x128xf32, #tpu.memory_space<vmem_shared>>) offsets(%dma_start3A_192 : memref<125xi32, #tpu.memory_space<vmem>>) semaphore(%run_scoped3A_185 : memref<!tpu.dma_semaphore, #tpu.memory_space<semaphore_mem>>) {add = true}
      %dma_wait3A_196 = arith.constant 0 : i32
      %dma_wait3A_197 = arith.constant 0 : i32
      %dma_wait3A_198 = tpu.memref_slice %arg7[%run_scoped3A_173, %dma_wait3A_196, %dma_wait3A_197] : memref<2x125x128xf32, #tpu.memory_space<vmem>> -> memref<1x125x128xf32, #tpu.memory_space<vmem>>
      %dma_wait3A_199 = tpu.memref_squeeze %dma_wait3A_198 : memref<1x125x128xf32, #tpu.memory_space<vmem>> -> memref<125x128xf32, #tpu.memory_space<vmem>>
      %dma_wait3A_200 = arith.constant 0 : i32
      %dma_wait3A_201 = tpu.memref_slice %arg6[%run_scoped3A_174, %dma_wait3A_200] : memref<40x125xi32, #tpu.memory_space<vmem>> -> memref<1x125xi32, #tpu.memory_space<vmem>>
      %dma_wait3A_202 = tpu.memref_squeeze %dma_wait3A_201 : memref<1x125xi32, #tpu.memory_space<vmem>> -> memref<125xi32, #tpu.memory_space<vmem>>
      %dma_wait3A_203 = arith.constant 0 : i32
      %dma_wait3A_204 = arith.constant 0 : i32
      %dma_wait3A_205 = tpu.memref_slice %arg8[%dma_wait3A_203, %dma_wait3A_204] : memref<10000x128xf32, #tpu.memory_space<vmem_shared>> -> memref<10000x128xf32, #tpu.memory_space<vmem_shared>>
      tpu.wait_indirect_dma semaphore(%run_scoped3A_185 : memref<!tpu.dma_semaphore, #tpu.memory_space<semaphore_mem>>) src(%dma_wait3A_199 : memref<125x128xf32, #tpu.memory_space<vmem>>) dst(%dma_wait3A_205 : memref<10000x128xf32, #tpu.memory_space<vmem_shared>>)
      tpu.yield
    }) : () -> ()
    %barrier3A_175 = arith.constant 0 : index
    tpu.barrier barrier_id(%barrier3A_175)
    %mul3A_176 = arith.constant 624 : i32
    %mul3A_177 = arith.muli %arg1, %mul3A_176 : i32
    %mul3A_178 = arith.constant 624 : i32
    %mul3A_179 = arith.muli %arg1, %mul3A_178 : i32
    "tpu.region"() ({
      %run_scoped3A_185 = tpu.sem_alloc : memref<!tpu.dma_semaphore, #tpu.memory_space<semaphore_mem>>
      %dma_start3A_186 = arith.constant 0 : i32
      %dma_start3A_187 = tpu.memref_slice %arg4[%arg0, %mul3A_179, %dma_start3A_186] : memref<2x10000x128xf32, #tpu.memory_space<hbm>> -> memref<1x624x128xf32, #tpu.memory_space<hbm>>
      %dma_start3A_188 = tpu.memref_squeeze %dma_start3A_187 : memref<1x624x128xf32, #tpu.memory_space<hbm>> -> memref<624x128xf32, #tpu.memory_space<hbm>>
      %dma_start3A_189 = arith.constant 0 : i32
      %dma_start3A_190 = tpu.memref_slice %arg8[%mul3A_177, %dma_start3A_189] : memref<10000x128xf32, #tpu.memory_space<vmem_shared>> -> memref<624x128xf32, #tpu.memory_space<vmem_shared>>
      tpu.enqueue_dma source(%dma_start3A_190 : memref<624x128xf32, #tpu.memory_space<vmem_shared>>) target(%dma_start3A_188 : memref<624x128xf32, #tpu.memory_space<hbm>>) target_semaphore(%run_scoped3A_185 : memref<!tpu.dma_semaphore, #tpu.memory_space<semaphore_mem>>)
      %dma_wait3A_191 = arith.constant 0 : i32
      %dma_wait3A_192 = tpu.memref_slice %arg4[%arg0, %mul3A_179, %dma_wait3A_191] : memref<2x10000x128xf32, #tpu.memory_space<hbm>> -> memref<1x624x128xf32, #tpu.memory_space<hbm>>
      %dma_wait3A_193 = tpu.memref_squeeze %dma_wait3A_192 : memref<1x624x128xf32, #tpu.memory_space<hbm>> -> memref<624x128xf32, #tpu.memory_space<hbm>>
      %dma_wait3A_194 = arith.constant 0 : i32
      %dma_wait3A_195 = tpu.memref_slice %arg8[%mul3A_177, %dma_wait3A_194] : memref<10000x128xf32, #tpu.memory_space<vmem_shared>> -> memref<624x128xf32, #tpu.memory_space<vmem_shared>>
      tpu.wait_dma2 semaphore(%run_scoped3A_185 : memref<!tpu.dma_semaphore, #tpu.memory_space<semaphore_mem>>) src(%dma_wait3A_195 : memref<624x128xf32, #tpu.memory_space<vmem_shared>>) dst(%dma_wait3A_193 : memref<624x128xf32, #tpu.memory_space<hbm>>)
      tpu.yield
    }) : () -> ()
    %eq3A_180 = arith.constant 15 : i32
    %eq3A_181 = arith.cmpi eq, %arg1, %eq3A_180 : i32
    %convert_element_type3A_182 = arith.extui %eq3A_181 : i1 to i32
    %cond3A_183 = arith.constant 0 : i32
    %cond3A_184 = arith.cmpi ne, %convert_element_type3A_182, %cond3A_183 : i32
    scf.if %cond3A_184 {
      "tpu.region"() ({
        %run_scoped3A_185 = tpu.sem_alloc : memref<!tpu.dma_semaphore, #tpu.memory_space<semaphore_mem>>
        %dma_start3A_186 = arith.constant 9984 : i32
        %dma_start3A_187 = arith.constant 0 : i32
        %dma_start3A_188 = tpu.memref_slice %arg4[%arg0, %dma_start3A_186, %dma_start3A_187] : memref<2x10000x128xf32, #tpu.memory_space<hbm>> -> memref<1x16x128xf32, #tpu.memory_space<hbm>>
        %dma_start3A_189 = tpu.memref_squeeze %dma_start3A_188 : memref<1x16x128xf32, #tpu.memory_space<hbm>> -> memref<16x128xf32, #tpu.memory_space<hbm>>
        %dma_start3A_190 = arith.constant 9984 : i32
        %dma_start3A_191 = arith.constant 0 : i32
        %dma_start3A_192 = tpu.memref_slice %arg8[%dma_start3A_190, %dma_start3A_191] : memref<10000x128xf32, #tpu.memory_space<vmem_shared>> -> memref<16x128xf32, #tpu.memory_space<vmem_shared>>
        tpu.enqueue_dma source(%dma_start3A_192 : memref<16x128xf32, #tpu.memory_space<vmem_shared>>) target(%dma_start3A_189 : memref<16x128xf32, #tpu.memory_space<hbm>>) target_semaphore(%run_scoped3A_185 : memref<!tpu.dma_semaphore, #tpu.memory_space<semaphore_mem>>)
        %dma_wait3A_193 = arith.constant 9984 : i32
        %dma_wait3A_194 = arith.constant 0 : i32
        %dma_wait3A_195 = tpu.memref_slice %arg4[%arg0, %dma_wait3A_193, %dma_wait3A_194] : memref<2x10000x128xf32, #tpu.memory_space<hbm>> -> memref<1x16x128xf32, #tpu.memory_space<hbm>>
        %dma_wait3A_196 = tpu.memref_squeeze %dma_wait3A_195 : memref<1x16x128xf32, #tpu.memory_space<hbm>> -> memref<16x128xf32, #tpu.memory_space<hbm>>
        %dma_wait3A_197 = arith.constant 9984 : i32
        %dma_wait3A_198 = arith.constant 0 : i32
        %dma_wait3A_199 = tpu.memref_slice %arg8[%dma_wait3A_197, %dma_wait3A_198] : memref<10000x128xf32, #tpu.memory_space<vmem_shared>> -> memref<16x128xf32, #tpu.memory_space<vmem_shared>>
        tpu.wait_dma2 semaphore(%run_scoped3A_185 : memref<!tpu.dma_semaphore, #tpu.memory_space<semaphore_mem>>) src(%dma_wait3A_199 : memref<16x128xf32, #tpu.memory_space<vmem_shared>>) dst(%dma_wait3A_196 : memref<16x128xf32, #tpu.memory_space<hbm>>)
        tpu.yield
      }) : () -> ()
    } else {
    }
    return
  }
}

#map = affine_map<(d0, d1) -> (0, 0, 0)>
#map1 = affine_map<(d0, d1) -> (0, 0, 0, 0)>
module attributes {stable_mosaic.version = 14 : i64} {
  func.func @_scatter_body(%arg0: i32, %arg1: i32, %arg2: memref<2x10000x128xf32, #tpu.memory_space<hbm>>, %arg3: memref<2x16x80x125xi32, #tpu.memory_space<hbm>>, %arg4: memref<2x10000x128xf32, #tpu.memory_space<hbm>>, %arg5: memref<40x125xi32, #tpu.memory_space<vmem>>, %arg6: memref<40x125xi32, #tpu.memory_space<vmem>>, %arg7: memref<2x125x128xf32, #tpu.memory_space<vmem>>, %arg8: memref<10000x128xf32, #tpu.memory_space<vmem_shared>>, %arg9: memref<!tpu.dma_semaphore, #tpu.memory_space<semaphore_mem>>, %arg10: memref<!tpu.dma_semaphore, #tpu.memory_space<semaphore_mem>>) attributes {dimension_semantics = [#tpu.dimension_semantics<core_parallel>, #tpu.dimension_semantics<subcore_parallel>], iteration_bounds = array<i64: 2, 16>, scalar_prefetch = 0 : i64, scratch_operands = 6 : i64, tpu.core_type = #tpu.core_type<sc_vector_subcore>, window_params = [{transform_indices = #map}, {transform_indices = #map1}, {transform_indices = #map}]} {
    %mul3A = arith.constant 624 : i32
    %mul3A_0 = arith.muli %arg1, %mul3A : i32
    %mul3A_1 = arith.constant 624 : i32
    %mul3A_2 = arith.muli %arg1, %mul3A_1 : i32
    %dma_start3A = arith.constant 0 : i32
    %dma_start3A_3 = tpu.memref_slice %arg8[%mul3A_2, %dma_start3A] : memref<10000x128xf32, #tpu.memory_space<vmem_shared>> -> memref<624x128xf32, #tpu.memory_space<vmem_shared>>
    %dma_start3A_4 = arith.constant 0 : i32
    %dma_start3A_5 = arith.constant 0 : i32
    %dma_start3A_6 = tpu.memref_slice %arg2[%arg0, %dma_start3A_4, %dma_start3A_5] : memref<2x10000x128xf32, #tpu.memory_space<hbm>> -> memref<1x10000x128xf32, #tpu.memory_space<hbm>>
    %dma_start3A_7 = tpu.memref_squeeze %dma_start3A_6 : memref<1x10000x128xf32, #tpu.memory_space<hbm>> -> memref<10000x128xf32, #tpu.memory_space<hbm>>
    %dma_start3A_8 = arith.constant 0 : i32
    %dma_start3A_9 = tpu.memref_slice %dma_start3A_7[%mul3A_0, %dma_start3A_8] : memref<10000x128xf32, #tpu.memory_space<hbm>> -> memref<624x128xf32, #tpu.memory_space<hbm>>
    tpu.enqueue_dma source(%dma_start3A_9 : memref<624x128xf32, #tpu.memory_space<hbm>>) target(%dma_start3A_3 : memref<624x128xf32, #tpu.memory_space<vmem_shared>>) target_semaphore(%arg9 : memref<!tpu.dma_semaphore, #tpu.memory_space<semaphore_mem>>)
    %eq3A = arith.constant 15 : i32
    %eq3A_10 = arith.cmpi eq, %arg1, %eq3A : i32
    %convert_element_type3A = arith.extui %eq3A_10 : i1 to i32
    %cond3A = arith.constant 0 : i32
    %cond3A_11 = arith.cmpi ne, %convert_element_type3A, %cond3A : i32
    scf.if %cond3A_11 {
      "tpu.region"() ({
        %run_scoped3A_185 = tpu.sem_alloc : memref<!tpu.dma_semaphore, #tpu.memory_space<semaphore_mem>>
        %dma_start3A_186 = arith.constant 9984 : i32
        %dma_start3A_187 = arith.constant 0 : i32
        %dma_start3A_188 = tpu.memref_slice %arg8[%dma_start3A_186, %dma_start3A_187] : memref<10000x128xf32, #tpu.memory_space<vmem_shared>> -> memref<16x128xf32, #tpu.memory_space<vmem_shared>>
        %dma_start3A_189 = arith.constant 0 : i32
        %dma_start3A_190 = arith.constant 0 : i32
        %dma_start3A_191 = tpu.memref_slice %arg2[%arg0, %dma_start3A_189, %dma_start3A_190] : memref<2x10000x128xf32, #tpu.memory_space<hbm>> -> memref<1x10000x128xf32, #tpu.memory_space<hbm>>
        %dma_start3A_192 = tpu.memref_squeeze %dma_start3A_191 : memref<1x10000x128xf32, #tpu.memory_space<hbm>> -> memref<10000x128xf32, #tpu.memory_space<hbm>>
        %dma_start3A_193 = arith.constant 9984 : i32
        %dma_start3A_194 = arith.constant 0 : i32
        %dma_start3A_195 = tpu.memref_slice %dma_start3A_192[%dma_start3A_193, %dma_start3A_194] : memref<10000x128xf32, #tpu.memory_space<hbm>> -> memref<16x128xf32, #tpu.memory_space<hbm>>
        tpu.enqueue_dma source(%dma_start3A_195 : memref<16x128xf32, #tpu.memory_space<hbm>>) target(%dma_start3A_188 : memref<16x128xf32, #tpu.memory_space<vmem_shared>>) target_semaphore(%run_scoped3A_185 : memref<!tpu.dma_semaphore, #tpu.memory_space<semaphore_mem>>)
        %dma_wait3A_196 = arith.constant 9984 : i32
        %dma_wait3A_197 = arith.constant 0 : i32
        %dma_wait3A_198 = tpu.memref_slice %arg8[%dma_wait3A_196, %dma_wait3A_197] : memref<10000x128xf32, #tpu.memory_space<vmem_shared>> -> memref<16x128xf32, #tpu.memory_space<vmem_shared>>
        %dma_wait3A_199 = arith.constant 0 : i32
        %dma_wait3A_200 = arith.constant 0 : i32
        %dma_wait3A_201 = tpu.memref_slice %arg2[%arg0, %dma_wait3A_199, %dma_wait3A_200] : memref<2x10000x128xf32, #tpu.memory_space<hbm>> -> memref<1x10000x128xf32, #tpu.memory_space<hbm>>
        %dma_wait3A_202 = tpu.memref_squeeze %dma_wait3A_201 : memref<1x10000x128xf32, #tpu.memory_space<hbm>> -> memref<10000x128xf32, #tpu.memory_space<hbm>>
        %dma_wait3A_203 = arith.constant 9984 : i32
        %dma_wait3A_204 = arith.constant 0 : i32
        %dma_wait3A_205 = tpu.memref_slice %dma_wait3A_202[%dma_wait3A_203, %dma_wait3A_204] : memref<10000x128xf32, #tpu.memory_space<hbm>> -> memref<16x128xf32, #tpu.memory_space<hbm>>
        tpu.wait_dma2 semaphore(%run_scoped3A_185 : memref<!tpu.dma_semaphore, #tpu.memory_space<semaphore_mem>>) src(%dma_wait3A_205 : memref<16x128xf32, #tpu.memory_space<hbm>>) dst(%dma_wait3A_198 : memref<16x128xf32, #tpu.memory_space<vmem_shared>>)
        tpu.yield
      }) : () -> ()
    } else {
    }
    %run_scoped3A = arith.constant 0 : i32
    "tpu.region"() ({
      %run_scoped3A_185 = tpu.sem_alloc : memref<!tpu.dma_semaphore, #tpu.memory_space<semaphore_mem>>
      %dma_start3A_186 = arith.constant 0 : i32
      %dma_start3A_187 = arith.constant 0 : i32
      %dma_start3A_188 = tpu.memref_slice %arg3[%run_scoped3A, %arg1, %dma_start3A_186, %dma_start3A_187] : memref<2x16x80x125xi32, #tpu.memory_space<hbm>> -> memref<1x1x40x125xi32, #tpu.memory_space<hbm>>
      %dma_start3A_189 = tpu.memref_squeeze %dma_start3A_188 : memref<1x1x40x125xi32, #tpu.memory_space<hbm>> -> memref<40x125xi32, #tpu.memory_space<hbm>>
      %dma_start3A_190 = arith.constant 0 : i32
      %dma_start3A_191 = arith.constant 0 : i32
      %dma_start3A_192 = tpu.memref_slice %arg3[%run_scoped3A, %arg1, %dma_start3A_190, %dma_start3A_191] : memref<2x16x80x125xi32, #tpu.memory_space<hbm>> -> memref<1x1x40x125xi32, #tpu.memory_space<hbm>>
      %dma_start3A_193 = tpu.memref_squeeze %dma_start3A_192 : memref<1x1x40x125xi32, #tpu.memory_space<hbm>> -> memref<40x125xi32, #tpu.memory_space<hbm>>
      tpu.enqueue_dma source(%dma_start3A_193 : memref<40x125xi32, #tpu.memory_space<hbm>>) target(%arg5 : memref<40x125xi32, #tpu.memory_space<vmem>>) target_semaphore(%run_scoped3A_185 : memref<!tpu.dma_semaphore, #tpu.memory_space<semaphore_mem>>)
      %dma_wait3A_194 = arith.constant 0 : i32
      %dma_wait3A_195 = arith.constant 0 : i32
      %dma_wait3A_196 = tpu.memref_slice %arg3[%run_scoped3A, %arg1, %dma_wait3A_194, %dma_wait3A_195] : memref<2x16x80x125xi32, #tpu.memory_space<hbm>> -> memref<1x1x40x125xi32, #tpu.memory_space<hbm>>
      %dma_wait3A_197 = tpu.memref_squeeze %dma_wait3A_196 : memref<1x1x40x125xi32, #tpu.memory_space<hbm>> -> memref<40x125xi32, #tpu.memory_space<hbm>>
      %dma_wait3A_198 = arith.constant 0 : i32
      %dma_wait3A_199 = arith.constant 0 : i32
      %dma_wait3A_200 = tpu.memref_slice %arg3[%run_scoped3A, %arg1, %dma_wait3A_198, %dma_wait3A_199] : memref<2x16x80x125xi32, #tpu.memory_space<hbm>> -> memref<1x1x40x125xi32, #tpu.memory_space<hbm>>
      %dma_wait3A_201 = tpu.memref_squeeze %dma_wait3A_200 : memref<1x1x40x125xi32, #tpu.memory_space<hbm>> -> memref<40x125xi32, #tpu.memory_space<hbm>>
      tpu.wait_dma2 semaphore(%run_scoped3A_185 : memref<!tpu.dma_semaphore, #tpu.memory_space<semaphore_mem>>) src(%dma_wait3A_201 : memref<40x125xi32, #tpu.memory_space<hbm>>) dst(%arg5 : memref<40x125xi32, #tpu.memory_space<vmem>>)
      tpu.yield
    }) : () -> ()
    %run_scoped3A_12 = arith.constant 1 : i32
    "tpu.region"() ({
      %run_scoped3A_185 = tpu.sem_alloc : memref<!tpu.dma_semaphore, #tpu.memory_space<semaphore_mem>>
      %dma_start3A_186 = arith.constant 0 : i32
      %dma_start3A_187 = arith.constant 0 : i32
      %dma_start3A_188 = tpu.memref_slice %arg3[%run_scoped3A_12, %arg1, %dma_start3A_186, %dma_start3A_187] : memref<2x16x80x125xi32, #tpu.memory_space<hbm>> -> memref<1x1x40x125xi32, #tpu.memory_space<hbm>>
      %dma_start3A_189 = tpu.memref_squeeze %dma_start3A_188 : memref<1x1x40x125xi32, #tpu.memory_space<hbm>> -> memref<40x125xi32, #tpu.memory_space<hbm>>
      %dma_start3A_190 = arith.constant 0 : i32
      %dma_start3A_191 = arith.constant 0 : i32
      %dma_start3A_192 = tpu.memref_slice %arg3[%run_scoped3A_12, %arg1, %dma_start3A_190, %dma_start3A_191] : memref<2x16x80x125xi32, #tpu.memory_space<hbm>> -> memref<1x1x40x125xi32, #tpu.memory_space<hbm>>
      %dma_start3A_193 = tpu.memref_squeeze %dma_start3A_192 : memref<1x1x40x125xi32, #tpu.memory_space<hbm>> -> memref<40x125xi32, #tpu.memory_space<hbm>>
      tpu.enqueue_dma source(%dma_start3A_193 : memref<40x125xi32, #tpu.memory_space<hbm>>) target(%arg6 : memref<40x125xi32, #tpu.memory_space<vmem>>) target_semaphore(%run_scoped3A_185 : memref<!tpu.dma_semaphore, #tpu.memory_space<semaphore_mem>>)
      %dma_wait3A_194 = arith.constant 0 : i32
      %dma_wait3A_195 = arith.constant 0 : i32
      %dma_wait3A_196 = tpu.memref_slice %arg3[%run_scoped3A_12, %arg1, %dma_wait3A_194, %dma_wait3A_195] : memref<2x16x80x125xi32, #tpu.memory_space<hbm>> -> memref<1x1x40x125xi32, #tpu.memory_space<hbm>>
      %dma_wait3A_197 = tpu.memref_squeeze %dma_wait3A_196 : memref<1x1x40x125xi32, #tpu.memory_space<hbm>> -> memref<40x125xi32, #tpu.memory_space<hbm>>
      %dma_wait3A_198 = arith.constant 0 : i32
      %dma_wait3A_199 = arith.constant 0 : i32
      %dma_wait3A_200 = tpu.memref_slice %arg3[%run_scoped3A_12, %arg1, %dma_wait3A_198, %dma_wait3A_199] : memref<2x16x80x125xi32, #tpu.memory_space<hbm>> -> memref<1x1x40x125xi32, #tpu.memory_space<hbm>>
      %dma_wait3A_201 = tpu.memref_squeeze %dma_wait3A_200 : memref<1x1x40x125xi32, #tpu.memory_space<hbm>> -> memref<40x125xi32, #tpu.memory_space<hbm>>
      tpu.wait_dma2 semaphore(%run_scoped3A_185 : memref<!tpu.dma_semaphore, #tpu.memory_space<semaphore_mem>>) src(%dma_wait3A_201 : memref<40x125xi32, #tpu.memory_space<hbm>>) dst(%arg6 : memref<40x125xi32, #tpu.memory_space<vmem>>)
      tpu.yield
    }) : () -> ()
    %mul3A_13 = arith.constant 624 : i32
    %mul3A_14 = arith.muli %arg1, %mul3A_13 : i32
    %mul3A_15 = arith.constant 624 : i32
    %mul3A_16 = arith.muli %arg1, %mul3A_15 : i32
    %dma_wait3A = arith.constant 0 : i32
    %dma_wait3A_17 = tpu.memref_slice %arg8[%mul3A_16, %dma_wait3A] : memref<10000x128xf32, #tpu.memory_space<vmem_shared>> -> memref<624x128xf32, #tpu.memory_space<vmem_shared>>
    %dma_wait3A_18 = arith.constant 0 : i32
    %dma_wait3A_19 = arith.constant 0 : i32
    %dma_wait3A_20 = tpu.memref_slice %arg2[%arg0, %dma_wait3A_18, %dma_wait3A_19] : memref<2x10000x128xf32, #tpu.memory_space<hbm>> -> memref<1x10000x128xf32, #tpu.memory_space<hbm>>
    %dma_wait3A_21 = tpu.memref_squeeze %dma_wait3A_20 : memref<1x10000x128xf32, #tpu.memory_space<hbm>> -> memref<10000x128xf32, #tpu.memory_space<hbm>>
    %dma_wait3A_22 = arith.constant 0 : i32
    %dma_wait3A_23 = tpu.memref_slice %dma_wait3A_21[%mul3A_14, %dma_wait3A_22] : memref<10000x128xf32, #tpu.memory_space<hbm>> -> memref<624x128xf32, #tpu.memory_space<hbm>>
    tpu.wait_dma2 semaphore(%arg9 : memref<!tpu.dma_semaphore, #tpu.memory_space<semaphore_mem>>) src(%dma_wait3A_23 : memref<624x128xf32, #tpu.memory_space<hbm>>) dst(%dma_wait3A_17 : memref<624x128xf32, #tpu.memory_space<vmem_shared>>)
    %dma_start3A_24 = arith.constant 0 : i32
    %dma_start3A_25 = arith.constant 0 : i32
    %dma_start3A_26 = arith.constant 0 : i32
    %dma_start3A_27 = arith.constant 0 : i32
    %dma_start3A_28 = tpu.memref_slice %arg7[%dma_start3A_25, %dma_start3A_26, %dma_start3A_27] : memref<2x125x128xf32, #tpu.memory_space<vmem>> -> memref<1x125x128xf32, #tpu.memory_space<vmem>>
    %dma_start3A_29 = tpu.memref_squeeze %dma_start3A_28 : memref<1x125x128xf32, #tpu.memory_space<vmem>> -> memref<125x128xf32, #tpu.memory_space<vmem>>
    %dma_start3A_30 = arith.constant 0 : i32
    %dma_start3A_31 = tpu.memref_slice %arg5[%dma_start3A_24, %dma_start3A_30] : memref<40x125xi32, #tpu.memory_space<vmem>> -> memref<1x125xi32, #tpu.memory_space<vmem>>
    %dma_start3A_32 = tpu.memref_squeeze %dma_start3A_31 : memref<1x125xi32, #tpu.memory_space<vmem>> -> memref<125xi32, #tpu.memory_space<vmem>>
    %dma_start3A_33 = arith.constant 0 : i32
    %dma_start3A_34 = arith.constant 0 : i32
    %dma_start3A_35 = tpu.memref_slice %arg2[%arg0, %dma_start3A_33, %dma_start3A_34] : memref<2x10000x128xf32, #tpu.memory_space<hbm>> -> memref<1x10000x128xf32, #tpu.memory_space<hbm>>
    %dma_start3A_36 = tpu.memref_squeeze %dma_start3A_35 : memref<1x10000x128xf32, #tpu.memory_space<hbm>> -> memref<10000x128xf32, #tpu.memory_space<hbm>>
    %dma_start3A_37 = arith.constant 0 : i32
    %dma_start3A_38 = arith.constant 0 : i32
    %dma_start3A_39 = tpu.memref_slice %dma_start3A_36[%dma_start3A_37, %dma_start3A_38] : memref<10000x128xf32, #tpu.memory_space<hbm>> -> memref<10000x128xf32, #tpu.memory_space<hbm>>
    tpu.enqueue_indirect_dma source(%dma_start3A_39 : memref<10000x128xf32, #tpu.memory_space<hbm>>) target(%dma_start3A_29 : memref<125x128xf32, #tpu.memory_space<vmem>>) offsets(%dma_start3A_32 : memref<125xi32, #tpu.memory_space<vmem>>) semaphore(%arg9 : memref<!tpu.dma_semaphore, #tpu.memory_space<semaphore_mem>>)
    %dma_start3A_40 = arith.constant 1 : i32
    %dma_start3A_41 = arith.constant 1 : i32
    %dma_start3A_42 = arith.constant 0 : i32
    %dma_start3A_43 = arith.constant 0 : i32
    %dma_start3A_44 = tpu.memref_slice %arg7[%dma_start3A_41, %dma_start3A_42, %dma_start3A_43] : memref<2x125x128xf32, #tpu.memory_space<vmem>> -> memref<1x125x128xf32, #tpu.memory_space<vmem>>
    %dma_start3A_45 = tpu.memref_squeeze %dma_start3A_44 : memref<1x125x128xf32, #tpu.memory_space<vmem>> -> memref<125x128xf32, #tpu.memory_space<vmem>>
    %dma_start3A_46 = arith.constant 0 : i32
    %dma_start3A_47 = tpu.memref_slice %arg5[%dma_start3A_40, %dma_start3A_46] : memref<40x125xi32, #tpu.memory_space<vmem>> -> memref<1x125xi32, #tpu.memory_space<vmem>>
    %dma_start3A_48 = tpu.memref_squeeze %dma_start3A_47 : memref<1x125xi32, #tpu.memory_space<vmem>> -> memref<125xi32, #tpu.memory_space<vmem>>
    %dma_start3A_49 = arith.constant 0 : i32
    %dma_start3A_50 = arith.constant 0 : i32
    %dma_start3A_51 = tpu.memref_slice %arg2[%arg0, %dma_start3A_49, %dma_start3A_50] : memref<2x10000x128xf32, #tpu.memory_space<hbm>> -> memref<1x10000x128xf32, #tpu.memory_space<hbm>>
    %dma_start3A_52 = tpu.memref_squeeze %dma_start3A_51 : memref<1x10000x128xf32, #tpu.memory_space<hbm>> -> memref<10000x128xf32, #tpu.memory_space<hbm>>
    %dma_start3A_53 = arith.constant 0 : i32
    %dma_start3A_54 = arith.constant 0 : i32
    %dma_start3A_55 = tpu.memref_slice %dma_start3A_52[%dma_start3A_53, %dma_start3A_54] : memref<10000x128xf32, #tpu.memory_space<hbm>> -> memref<10000x128xf32, #tpu.memory_space<hbm>>
    tpu.enqueue_indirect_dma source(%dma_start3A_55 : memref<10000x128xf32, #tpu.memory_space<hbm>>) target(%dma_start3A_45 : memref<125x128xf32, #tpu.memory_space<vmem>>) offsets(%dma_start3A_48 : memref<125xi32, #tpu.memory_space<vmem>>) semaphore(%arg10 : memref<!tpu.dma_semaphore, #tpu.memory_space<semaphore_mem>>)
    %barrier3A = arith.constant 0 : index
    tpu.barrier barrier_id(%barrier3A)
    %scan3A = arith.constant 0 : i32
    %scan3A_56 = arith.constant 1 : i32
    %scan3A_57 = arith.constant 0 : i32
    %scan3A_58 = arith.constant 19 : i32
    %scan3A_59 = arith.addi %scan3A_57, %scan3A_58 : i32
    %scan3A_60 = arith.constant 1 : i32
    scf.for %scan3A_185 = %scan3A_57 to %scan3A_59 step %scan3A_60  : i32 {
      %mul3A_186 = arith.constant 2 : i32
      %mul3A_187 = arith.muli %scan3A_185, %mul3A_186 : i32
      %add3A = arith.constant 0 : i32
      %add3A_188 = arith.addi %add3A, %mul3A_187 : i32
      %dma_wait3A_189 = arith.constant 0 : i32
      %dma_wait3A_190 = arith.constant 0 : i32
      %dma_wait3A_191 = tpu.memref_slice %arg7[%scan3A, %dma_wait3A_189, %dma_wait3A_190] : memref<2x125x128xf32, #tpu.memory_space<vmem>> -> memref<1x125x128xf32, #tpu.memory_space<vmem>>
      %dma_wait3A_192 = tpu.memref_squeeze %dma_wait3A_191 : memref<1x125x128xf32, #tpu.memory_space<vmem>> -> memref<125x128xf32, #tpu.memory_space<vmem>>
      %dma_wait3A_193 = arith.constant 0 : i32
      %dma_wait3A_194 = tpu.memref_slice %arg5[%add3A_188, %dma_wait3A_193] : memref<40x125xi32, #tpu.memory_space<vmem>> -> memref<1x125xi32, #tpu.memory_space<vmem>>
      %dma_wait3A_195 = tpu.memref_squeeze %dma_wait3A_194 : memref<1x125xi32, #tpu.memory_space<vmem>> -> memref<125xi32, #tpu.memory_space<vmem>>
      %dma_wait3A_196 = arith.constant 0 : i32
      %dma_wait3A_197 = arith.constant 0 : i32
      %dma_wait3A_198 = tpu.memref_slice %arg2[%arg0, %dma_wait3A_196, %dma_wait3A_197] : memref<2x10000x128xf32, #tpu.memory_space<hbm>> -> memref<1x10000x128xf32, #tpu.memory_space<hbm>>
      %dma_wait3A_199 = tpu.memref_squeeze %dma_wait3A_198 : memref<1x10000x128xf32, #tpu.memory_space<hbm>> -> memref<10000x128xf32, #tpu.memory_space<hbm>>
      %dma_wait3A_200 = arith.constant 0 : i32
      %dma_wait3A_201 = arith.constant 0 : i32
      %dma_wait3A_202 = tpu.memref_slice %dma_wait3A_199[%dma_wait3A_200, %dma_wait3A_201] : memref<10000x128xf32, #tpu.memory_space<hbm>> -> memref<10000x128xf32, #tpu.memory_space<hbm>>
      tpu.wait_indirect_dma semaphore(%arg9 : memref<!tpu.dma_semaphore, #tpu.memory_space<semaphore_mem>>) src(%dma_wait3A_202 : memref<10000x128xf32, #tpu.memory_space<hbm>>) dst(%dma_wait3A_192 : memref<125x128xf32, #tpu.memory_space<vmem>>)
      "tpu.region"() ({
        %run_scoped3A_253 = tpu.sem_alloc : memref<!tpu.dma_semaphore, #tpu.memory_space<semaphore_mem>>
        %dma_start3A_254 = arith.constant 0 : i32
        %dma_start3A_255 = arith.constant 0 : i32
        %dma_start3A_256 = tpu.memref_slice %arg7[%scan3A, %dma_start3A_254, %dma_start3A_255] : memref<2x125x128xf32, #tpu.memory_space<vmem>> -> memref<1x125x128xf32, #tpu.memory_space<vmem>>
        %dma_start3A_257 = tpu.memref_squeeze %dma_start3A_256 : memref<1x125x128xf32, #tpu.memory_space<vmem>> -> memref<125x128xf32, #tpu.memory_space<vmem>>
        %dma_start3A_258 = arith.constant 0 : i32
        %dma_start3A_259 = tpu.memref_slice %arg6[%add3A_188, %dma_start3A_258] : memref<40x125xi32, #tpu.memory_space<vmem>> -> memref<1x125xi32, #tpu.memory_space<vmem>>
        %dma_start3A_260 = tpu.memref_squeeze %dma_start3A_259 : memref<1x125xi32, #tpu.memory_space<vmem>> -> memref<125xi32, #tpu.memory_space<vmem>>
        %dma_start3A_261 = arith.constant 0 : i32
        %dma_start3A_262 = arith.constant 0 : i32
        %dma_start3A_263 = tpu.memref_slice %arg8[%dma_start3A_261, %dma_start3A_262] : memref<10000x128xf32, #tpu.memory_space<vmem_shared>> -> memref<10000x128xf32, #tpu.memory_space<vmem_shared>>
        tpu.enqueue_indirect_dma source(%dma_start3A_257 : memref<125x128xf32, #tpu.memory_space<vmem>>) target(%dma_start3A_263 : memref<10000x128xf32, #tpu.memory_space<vmem_shared>>) offsets(%dma_start3A_260 : memref<125xi32, #tpu.memory_space<vmem>>) semaphore(%run_scoped3A_253 : memref<!tpu.dma_semaphore, #tpu.memory_space<semaphore_mem>>) {add = true}
        %dma_wait3A_264 = arith.constant 0 : i32
        %dma_wait3A_265 = arith.constant 0 : i32
        %dma_wait3A_266 = tpu.memref_slice %arg7[%scan3A, %dma_wait3A_264, %dma_wait3A_265] : memref<2x125x128xf32, #tpu.memory_space<vmem>> -> memref<1x125x128xf32, #tpu.memory_space<vmem>>
        %dma_wait3A_267 = tpu.memref_squeeze %dma_wait3A_266 : memref<1x125x128xf32, #tpu.memory_space<vmem>> -> memref<125x128xf32, #tpu.memory_space<vmem>>
        %dma_wait3A_268 = arith.constant 0 : i32
        %dma_wait3A_269 = tpu.memref_slice %arg6[%add3A_188, %dma_wait3A_268] : memref<40x125xi32, #tpu.memory_space<vmem>> -> memref<1x125xi32, #tpu.memory_space<vmem>>
        %dma_wait3A_270 = tpu.memref_squeeze %dma_wait3A_269 : memref<1x125xi32, #tpu.memory_space<vmem>> -> memref<125xi32, #tpu.memory_space<vmem>>
        %dma_wait3A_271 = arith.constant 0 : i32
        %dma_wait3A_272 = arith.constant 0 : i32
        %dma_wait3A_273 = tpu.memref_slice %arg8[%dma_wait3A_271, %dma_wait3A_272] : memref<10000x128xf32, #tpu.memory_space<vmem_shared>> -> memref<10000x128xf32, #tpu.memory_space<vmem_shared>>
        tpu.wait_indirect_dma semaphore(%run_scoped3A_253 : memref<!tpu.dma_semaphore, #tpu.memory_space<semaphore_mem>>) src(%dma_wait3A_267 : memref<125x128xf32, #tpu.memory_space<vmem>>) dst(%dma_wait3A_273 : memref<10000x128xf32, #tpu.memory_space<vmem_shared>>)
        tpu.yield
      }) : () -> ()
      %add3A_203 = arith.constant 2 : i32
      %add3A_204 = arith.addi %add3A_188, %add3A_203 : i32
      %dma_start3A_205 = arith.constant 0 : i32
      %dma_start3A_206 = arith.constant 0 : i32
      %dma_start3A_207 = tpu.memref_slice %arg7[%scan3A, %dma_start3A_205, %dma_start3A_206] : memref<2x125x128xf32, #tpu.memory_space<vmem>> -> memref<1x125x128xf32, #tpu.memory_space<vmem>>
      %dma_start3A_208 = tpu.memref_squeeze %dma_start3A_207 : memref<1x125x128xf32, #tpu.memory_space<vmem>> -> memref<125x128xf32, #tpu.memory_space<vmem>>
      %dma_start3A_209 = arith.constant 0 : i32
      %dma_start3A_210 = tpu.memref_slice %arg5[%add3A_204, %dma_start3A_209] : memref<40x125xi32, #tpu.memory_space<vmem>> -> memref<1x125xi32, #tpu.memory_space<vmem>>
      %dma_start3A_211 = tpu.memref_squeeze %dma_start3A_210 : memref<1x125xi32, #tpu.memory_space<vmem>> -> memref<125xi32, #tpu.memory_space<vmem>>
      %dma_start3A_212 = arith.constant 0 : i32
      %dma_start3A_213 = arith.constant 0 : i32
      %dma_start3A_214 = tpu.memref_slice %arg2[%arg0, %dma_start3A_212, %dma_start3A_213] : memref<2x10000x128xf32, #tpu.memory_space<hbm>> -> memref<1x10000x128xf32, #tpu.memory_space<hbm>>
      %dma_start3A_215 = tpu.memref_squeeze %dma_start3A_214 : memref<1x10000x128xf32, #tpu.memory_space<hbm>> -> memref<10000x128xf32, #tpu.memory_space<hbm>>
      %dma_start3A_216 = arith.constant 0 : i32
      %dma_start3A_217 = arith.constant 0 : i32
      %dma_start3A_218 = tpu.memref_slice %dma_start3A_215[%dma_start3A_216, %dma_start3A_217] : memref<10000x128xf32, #tpu.memory_space<hbm>> -> memref<10000x128xf32, #tpu.memory_space<hbm>>
      tpu.enqueue_indirect_dma source(%dma_start3A_218 : memref<10000x128xf32, #tpu.memory_space<hbm>>) target(%dma_start3A_208 : memref<125x128xf32, #tpu.memory_space<vmem>>) offsets(%dma_start3A_211 : memref<125xi32, #tpu.memory_space<vmem>>) semaphore(%arg9 : memref<!tpu.dma_semaphore, #tpu.memory_space<semaphore_mem>>)
      %add3A_219 = arith.constant 1 : i32
      %add3A_220 = arith.addi %add3A_188, %add3A_219 : i32
      %dma_wait3A_221 = arith.constant 0 : i32
      %dma_wait3A_222 = arith.constant 0 : i32
      %dma_wait3A_223 = tpu.memref_slice %arg7[%scan3A_56, %dma_wait3A_221, %dma_wait3A_222] : memref<2x125x128xf32, #tpu.memory_space<vmem>> -> memref<1x125x128xf32, #tpu.memory_space<vmem>>
      %dma_wait3A_224 = tpu.memref_squeeze %dma_wait3A_223 : memref<1x125x128xf32, #tpu.memory_space<vmem>> -> memref<125x128xf32, #tpu.memory_space<vmem>>
      %dma_wait3A_225 = arith.constant 0 : i32
      %dma_wait3A_226 = tpu.memref_slice %arg5[%add3A_220, %dma_wait3A_225] : memref<40x125xi32, #tpu.memory_space<vmem>> -> memref<1x125xi32, #tpu.memory_space<vmem>>
      %dma_wait3A_227 = tpu.memref_squeeze %dma_wait3A_226 : memref<1x125xi32, #tpu.memory_space<vmem>> -> memref<125xi32, #tpu.memory_space<vmem>>
      %dma_wait3A_228 = arith.constant 0 : i32
      %dma_wait3A_229 = arith.constant 0 : i32
      %dma_wait3A_230 = tpu.memref_slice %arg2[%arg0, %dma_wait3A_228, %dma_wait3A_229] : memref<2x10000x128xf32, #tpu.memory_space<hbm>> -> memref<1x10000x128xf32, #tpu.memory_space<hbm>>
      %dma_wait3A_231 = tpu.memref_squeeze %dma_wait3A_230 : memref<1x10000x128xf32, #tpu.memory_space<hbm>> -> memref<10000x128xf32, #tpu.memory_space<hbm>>
      %dma_wait3A_232 = arith.constant 0 : i32
      %dma_wait3A_233 = arith.constant 0 : i32
      %dma_wait3A_234 = tpu.memref_slice %dma_wait3A_231[%dma_wait3A_232, %dma_wait3A_233] : memref<10000x128xf32, #tpu.memory_space<hbm>> -> memref<10000x128xf32, #tpu.memory_space<hbm>>
      tpu.wait_indirect_dma semaphore(%arg10 : memref<!tpu.dma_semaphore, #tpu.memory_space<semaphore_mem>>) src(%dma_wait3A_234 : memref<10000x128xf32, #tpu.memory_space<hbm>>) dst(%dma_wait3A_224 : memref<125x128xf32, #tpu.memory_space<vmem>>)
      %add3A_235 = arith.constant 1 : i32
      %add3A_236 = arith.addi %add3A_188, %add3A_235 : i32
      "tpu.region"() ({
        %run_scoped3A_253 = tpu.sem_alloc : memref<!tpu.dma_semaphore, #tpu.memory_space<semaphore_mem>>
        %dma_start3A_254 = arith.constant 0 : i32
        %dma_start3A_255 = arith.constant 0 : i32
        %dma_start3A_256 = tpu.memref_slice %arg7[%scan3A_56, %dma_start3A_254, %dma_start3A_255] : memref<2x125x128xf32, #tpu.memory_space<vmem>> -> memref<1x125x128xf32, #tpu.memory_space<vmem>>
        %dma_start3A_257 = tpu.memref_squeeze %dma_start3A_256 : memref<1x125x128xf32, #tpu.memory_space<vmem>> -> memref<125x128xf32, #tpu.memory_space<vmem>>
        %dma_start3A_258 = arith.constant 0 : i32
        %dma_start3A_259 = tpu.memref_slice %arg6[%add3A_236, %dma_start3A_258] : memref<40x125xi32, #tpu.memory_space<vmem>> -> memref<1x125xi32, #tpu.memory_space<vmem>>
        %dma_start3A_260 = tpu.memref_squeeze %dma_start3A_259 : memref<1x125xi32, #tpu.memory_space<vmem>> -> memref<125xi32, #tpu.memory_space<vmem>>
        %dma_start3A_261 = arith.constant 0 : i32
        %dma_start3A_262 = arith.constant 0 : i32
        %dma_start3A_263 = tpu.memref_slice %arg8[%dma_start3A_261, %dma_start3A_262] : memref<10000x128xf32, #tpu.memory_space<vmem_shared>> -> memref<10000x128xf32, #tpu.memory_space<vmem_shared>>
        tpu.enqueue_indirect_dma source(%dma_start3A_257 : memref<125x128xf32, #tpu.memory_space<vmem>>) target(%dma_start3A_263 : memref<10000x128xf32, #tpu.memory_space<vmem_shared>>) offsets(%dma_start3A_260 : memref<125xi32, #tpu.memory_space<vmem>>) semaphore(%run_scoped3A_253 : memref<!tpu.dma_semaphore, #tpu.memory_space<semaphore_mem>>) {add = true}
        %dma_wait3A_264 = arith.constant 0 : i32
        %dma_wait3A_265 = arith.constant 0 : i32
        %dma_wait3A_266 = tpu.memref_slice %arg7[%scan3A_56, %dma_wait3A_264, %dma_wait3A_265] : memref<2x125x128xf32, #tpu.memory_space<vmem>> -> memref<1x125x128xf32, #tpu.memory_space<vmem>>
        %dma_wait3A_267 = tpu.memref_squeeze %dma_wait3A_266 : memref<1x125x128xf32, #tpu.memory_space<vmem>> -> memref<125x128xf32, #tpu.memory_space<vmem>>
        %dma_wait3A_268 = arith.constant 0 : i32
        %dma_wait3A_269 = tpu.memref_slice %arg6[%add3A_236, %dma_wait3A_268] : memref<40x125xi32, #tpu.memory_space<vmem>> -> memref<1x125xi32, #tpu.memory_space<vmem>>
        %dma_wait3A_270 = tpu.memref_squeeze %dma_wait3A_269 : memref<1x125xi32, #tpu.memory_space<vmem>> -> memref<125xi32, #tpu.memory_space<vmem>>
        %dma_wait3A_271 = arith.constant 0 : i32
        %dma_wait3A_272 = arith.constant 0 : i32
        %dma_wait3A_273 = tpu.memref_slice %arg8[%dma_wait3A_271, %dma_wait3A_272] : memref<10000x128xf32, #tpu.memory_space<vmem_shared>> -> memref<10000x128xf32, #tpu.memory_space<vmem_shared>>
        tpu.wait_indirect_dma semaphore(%run_scoped3A_253 : memref<!tpu.dma_semaphore, #tpu.memory_space<semaphore_mem>>) src(%dma_wait3A_267 : memref<125x128xf32, #tpu.memory_space<vmem>>) dst(%dma_wait3A_273 : memref<10000x128xf32, #tpu.memory_space<vmem_shared>>)
        tpu.yield
      }) : () -> ()
      %add3A_237 = arith.constant 3 : i32
      %add3A_238 = arith.addi %add3A_188, %add3A_237 : i32
      %dma_start3A_239 = arith.constant 0 : i32
      %dma_start3A_240 = arith.constant 0 : i32
      %dma_start3A_241 = tpu.memref_slice %arg7[%scan3A_56, %dma_start3A_239, %dma_start3A_240] : memref<2x125x128xf32, #tpu.memory_space<vmem>> -> memref<1x125x128xf32, #tpu.memory_space<vmem>>
      %dma_start3A_242 = tpu.memref_squeeze %dma_start3A_241 : memref<1x125x128xf32, #tpu.memory_space<vmem>> -> memref<125x128xf32, #tpu.memory_space<vmem>>
      %dma_start3A_243 = arith.constant 0 : i32
      %dma_start3A_244 = tpu.memref_slice %arg5[%add3A_238, %dma_start3A_243] : memref<40x125xi32, #tpu.memory_space<vmem>> -> memref<1x125xi32, #tpu.memory_space<vmem>>
      %dma_start3A_245 = tpu.memref_squeeze %dma_start3A_244 : memref<1x125xi32, #tpu.memory_space<vmem>> -> memref<125xi32, #tpu.memory_space<vmem>>
      %dma_start3A_246 = arith.constant 0 : i32
      %dma_start3A_247 = arith.constant 0 : i32
      %dma_start3A_248 = tpu.memref_slice %arg2[%arg0, %dma_start3A_246, %dma_start3A_247] : memref<2x10000x128xf32, #tpu.memory_space<hbm>> -> memref<1x10000x128xf32, #tpu.memory_space<hbm>>
      %dma_start3A_249 = tpu.memref_squeeze %dma_start3A_248 : memref<1x10000x128xf32, #tpu.memory_space<hbm>> -> memref<10000x128xf32, #tpu.memory_space<hbm>>
      %dma_start3A_250 = arith.constant 0 : i32
      %dma_start3A_251 = arith.constant 0 : i32
      %dma_start3A_252 = tpu.memref_slice %dma_start3A_249[%dma_start3A_250, %dma_start3A_251] : memref<10000x128xf32, #tpu.memory_space<hbm>> -> memref<10000x128xf32, #tpu.memory_space<hbm>>
      tpu.enqueue_indirect_dma source(%dma_start3A_252 : memref<10000x128xf32, #tpu.memory_space<hbm>>) target(%dma_start3A_242 : memref<125x128xf32, #tpu.memory_space<vmem>>) offsets(%dma_start3A_245 : memref<125xi32, #tpu.memory_space<vmem>>) semaphore(%arg10 : memref<!tpu.dma_semaphore, #tpu.memory_space<semaphore_mem>>)
    }
    %scan3A_61 = arith.constant 19 : i32
    %dma_wait3A_62 = arith.constant 38 : i32
    %dma_wait3A_63 = arith.constant 0 : i32
    %dma_wait3A_64 = arith.constant 0 : i32
    %dma_wait3A_65 = arith.constant 0 : i32
    %dma_wait3A_66 = tpu.memref_slice %arg7[%dma_wait3A_63, %dma_wait3A_64, %dma_wait3A_65] : memref<2x125x128xf32, #tpu.memory_space<vmem>> -> memref<1x125x128xf32, #tpu.memory_space<vmem>>
    %dma_wait3A_67 = tpu.memref_squeeze %dma_wait3A_66 : memref<1x125x128xf32, #tpu.memory_space<vmem>> -> memref<125x128xf32, #tpu.memory_space<vmem>>
    %dma_wait3A_68 = arith.constant 0 : i32
    %dma_wait3A_69 = tpu.memref_slice %arg5[%dma_wait3A_62, %dma_wait3A_68] : memref<40x125xi32, #tpu.memory_space<vmem>> -> memref<1x125xi32, #tpu.memory_space<vmem>>
    %dma_wait3A_70 = tpu.memref_squeeze %dma_wait3A_69 : memref<1x125xi32, #tpu.memory_space<vmem>> -> memref<125xi32, #tpu.memory_space<vmem>>
    %dma_wait3A_71 = arith.constant 0 : i32
    %dma_wait3A_72 = arith.constant 0 : i32
    %dma_wait3A_73 = tpu.memref_slice %arg2[%arg0, %dma_wait3A_71, %dma_wait3A_72] : memref<2x10000x128xf32, #tpu.memory_space<hbm>> -> memref<1x10000x128xf32, #tpu.memory_space<hbm>>
    %dma_wait3A_74 = tpu.memref_squeeze %dma_wait3A_73 : memref<1x10000x128xf32, #tpu.memory_space<hbm>> -> memref<10000x128xf32, #tpu.memory_space<hbm>>
    %dma_wait3A_75 = arith.constant 0 : i32
    %dma_wait3A_76 = arith.constant 0 : i32
    %dma_wait3A_77 = tpu.memref_slice %dma_wait3A_74[%dma_wait3A_75, %dma_wait3A_76] : memref<10000x128xf32, #tpu.memory_space<hbm>> -> memref<10000x128xf32, #tpu.memory_space<hbm>>
    tpu.wait_indirect_dma semaphore(%arg9 : memref<!tpu.dma_semaphore, #tpu.memory_space<semaphore_mem>>) src(%dma_wait3A_77 : memref<10000x128xf32, #tpu.memory_space<hbm>>) dst(%dma_wait3A_67 : memref<125x128xf32, #tpu.memory_space<vmem>>)
    %run_scoped3A_78 = arith.constant 0 : i32
    %run_scoped3A_79 = arith.constant 38 : i32
    "tpu.region"() ({
      %run_scoped3A_185 = tpu.sem_alloc : memref<!tpu.dma_semaphore, #tpu.memory_space<semaphore_mem>>
      %dma_start3A_186 = arith.constant 0 : i32
      %dma_start3A_187 = arith.constant 0 : i32
      %dma_start3A_188 = tpu.memref_slice %arg7[%run_scoped3A_78, %dma_start3A_186, %dma_start3A_187] : memref<2x125x128xf32, #tpu.memory_space<vmem>> -> memref<1x125x128xf32, #tpu.memory_space<vmem>>
      %dma_start3A_189 = tpu.memref_squeeze %dma_start3A_188 : memref<1x125x128xf32, #tpu.memory_space<vmem>> -> memref<125x128xf32, #tpu.memory_space<vmem>>
      %dma_start3A_190 = arith.constant 0 : i32
      %dma_start3A_191 = tpu.memref_slice %arg6[%run_scoped3A_79, %dma_start3A_190] : memref<40x125xi32, #tpu.memory_space<vmem>> -> memref<1x125xi32, #tpu.memory_space<vmem>>
      %dma_start3A_192 = tpu.memref_squeeze %dma_start3A_191 : memref<1x125xi32, #tpu.memory_space<vmem>> -> memref<125xi32, #tpu.memory_space<vmem>>
      %dma_start3A_193 = arith.constant 0 : i32
      %dma_start3A_194 = arith.constant 0 : i32
      %dma_start3A_195 = tpu.memref_slice %arg8[%dma_start3A_193, %dma_start3A_194] : memref<10000x128xf32, #tpu.memory_space<vmem_shared>> -> memref<10000x128xf32, #tpu.memory_space<vmem_shared>>
      tpu.enqueue_indirect_dma source(%dma_start3A_189 : memref<125x128xf32, #tpu.memory_space<vmem>>) target(%dma_start3A_195 : memref<10000x128xf32, #tpu.memory_space<vmem_shared>>) offsets(%dma_start3A_192 : memref<125xi32, #tpu.memory_space<vmem>>) semaphore(%run_scoped3A_185 : memref<!tpu.dma_semaphore, #tpu.memory_space<semaphore_mem>>) {add = true}
      %dma_wait3A_196 = arith.constant 0 : i32
      %dma_wait3A_197 = arith.constant 0 : i32
      %dma_wait3A_198 = tpu.memref_slice %arg7[%run_scoped3A_78, %dma_wait3A_196, %dma_wait3A_197] : memref<2x125x128xf32, #tpu.memory_space<vmem>> -> memref<1x125x128xf32, #tpu.memory_space<vmem>>
      %dma_wait3A_199 = tpu.memref_squeeze %dma_wait3A_198 : memref<1x125x128xf32, #tpu.memory_space<vmem>> -> memref<125x128xf32, #tpu.memory_space<vmem>>
      %dma_wait3A_200 = arith.constant 0 : i32
      %dma_wait3A_201 = tpu.memref_slice %arg6[%run_scoped3A_79, %dma_wait3A_200] : memref<40x125xi32, #tpu.memory_space<vmem>> -> memref<1x125xi32, #tpu.memory_space<vmem>>
      %dma_wait3A_202 = tpu.memref_squeeze %dma_wait3A_201 : memref<1x125xi32, #tpu.memory_space<vmem>> -> memref<125xi32, #tpu.memory_space<vmem>>
      %dma_wait3A_203 = arith.constant 0 : i32
      %dma_wait3A_204 = arith.constant 0 : i32
      %dma_wait3A_205 = tpu.memref_slice %arg8[%dma_wait3A_203, %dma_wait3A_204] : memref<10000x128xf32, #tpu.memory_space<vmem_shared>> -> memref<10000x128xf32, #tpu.memory_space<vmem_shared>>
      tpu.wait_indirect_dma semaphore(%run_scoped3A_185 : memref<!tpu.dma_semaphore, #tpu.memory_space<semaphore_mem>>) src(%dma_wait3A_199 : memref<125x128xf32, #tpu.memory_space<vmem>>) dst(%dma_wait3A_205 : memref<10000x128xf32, #tpu.memory_space<vmem_shared>>)
      tpu.yield
    }) : () -> ()
    %dma_wait3A_80 = arith.constant 39 : i32
    %dma_wait3A_81 = arith.constant 1 : i32
    %dma_wait3A_82 = arith.constant 0 : i32
    %dma_wait3A_83 = arith.constant 0 : i32
    %dma_wait3A_84 = tpu.memref_slice %arg7[%dma_wait3A_81, %dma_wait3A_82, %dma_wait3A_83] : memref<2x125x128xf32, #tpu.memory_space<vmem>> -> memref<1x125x128xf32, #tpu.memory_space<vmem>>
    %dma_wait3A_85 = tpu.memref_squeeze %dma_wait3A_84 : memref<1x125x128xf32, #tpu.memory_space<vmem>> -> memref<125x128xf32, #tpu.memory_space<vmem>>
    %dma_wait3A_86 = arith.constant 0 : i32
    %dma_wait3A_87 = tpu.memref_slice %arg5[%dma_wait3A_80, %dma_wait3A_86] : memref<40x125xi32, #tpu.memory_space<vmem>> -> memref<1x125xi32, #tpu.memory_space<vmem>>
    %dma_wait3A_88 = tpu.memref_squeeze %dma_wait3A_87 : memref<1x125xi32, #tpu.memory_space<vmem>> -> memref<125xi32, #tpu.memory_space<vmem>>
    %dma_wait3A_89 = arith.constant 0 : i32
    %dma_wait3A_90 = arith.constant 0 : i32
    %dma_wait3A_91 = tpu.memref_slice %arg2[%arg0, %dma_wait3A_89, %dma_wait3A_90] : memref<2x10000x128xf32, #tpu.memory_space<hbm>> -> memref<1x10000x128xf32, #tpu.memory_space<hbm>>
    %dma_wait3A_92 = tpu.memref_squeeze %dma_wait3A_91 : memref<1x10000x128xf32, #tpu.memory_space<hbm>> -> memref<10000x128xf32, #tpu.memory_space<hbm>>
    %dma_wait3A_93 = arith.constant 0 : i32
    %dma_wait3A_94 = arith.constant 0 : i32
    %dma_wait3A_95 = tpu.memref_slice %dma_wait3A_92[%dma_wait3A_93, %dma_wait3A_94] : memref<10000x128xf32, #tpu.memory_space<hbm>> -> memref<10000x128xf32, #tpu.memory_space<hbm>>
    tpu.wait_indirect_dma semaphore(%arg10 : memref<!tpu.dma_semaphore, #tpu.memory_space<semaphore_mem>>) src(%dma_wait3A_95 : memref<10000x128xf32, #tpu.memory_space<hbm>>) dst(%dma_wait3A_85 : memref<125x128xf32, #tpu.memory_space<vmem>>)
    %run_scoped3A_96 = arith.constant 1 : i32
    %run_scoped3A_97 = arith.constant 39 : i32
    "tpu.region"() ({
      %run_scoped3A_185 = tpu.sem_alloc : memref<!tpu.dma_semaphore, #tpu.memory_space<semaphore_mem>>
      %dma_start3A_186 = arith.constant 0 : i32
      %dma_start3A_187 = arith.constant 0 : i32
      %dma_start3A_188 = tpu.memref_slice %arg7[%run_scoped3A_96, %dma_start3A_186, %dma_start3A_187] : memref<2x125x128xf32, #tpu.memory_space<vmem>> -> memref<1x125x128xf32, #tpu.memory_space<vmem>>
      %dma_start3A_189 = tpu.memref_squeeze %dma_start3A_188 : memref<1x125x128xf32, #tpu.memory_space<vmem>> -> memref<125x128xf32, #tpu.memory_space<vmem>>
      %dma_start3A_190 = arith.constant 0 : i32
      %dma_start3A_191 = tpu.memref_slice %arg6[%run_scoped3A_97, %dma_start3A_190] : memref<40x125xi32, #tpu.memory_space<vmem>> -> memref<1x125xi32, #tpu.memory_space<vmem>>
      %dma_start3A_192 = tpu.memref_squeeze %dma_start3A_191 : memref<1x125xi32, #tpu.memory_space<vmem>> -> memref<125xi32, #tpu.memory_space<vmem>>
      %dma_start3A_193 = arith.constant 0 : i32
      %dma_start3A_194 = arith.constant 0 : i32
      %dma_start3A_195 = tpu.memref_slice %arg8[%dma_start3A_193, %dma_start3A_194] : memref<10000x128xf32, #tpu.memory_space<vmem_shared>> -> memref<10000x128xf32, #tpu.memory_space<vmem_shared>>
      tpu.enqueue_indirect_dma source(%dma_start3A_189 : memref<125x128xf32, #tpu.memory_space<vmem>>) target(%dma_start3A_195 : memref<10000x128xf32, #tpu.memory_space<vmem_shared>>) offsets(%dma_start3A_192 : memref<125xi32, #tpu.memory_space<vmem>>) semaphore(%run_scoped3A_185 : memref<!tpu.dma_semaphore, #tpu.memory_space<semaphore_mem>>) {add = true}
      %dma_wait3A_196 = arith.constant 0 : i32
      %dma_wait3A_197 = arith.constant 0 : i32
      %dma_wait3A_198 = tpu.memref_slice %arg7[%run_scoped3A_96, %dma_wait3A_196, %dma_wait3A_197] : memref<2x125x128xf32, #tpu.memory_space<vmem>> -> memref<1x125x128xf32, #tpu.memory_space<vmem>>
      %dma_wait3A_199 = tpu.memref_squeeze %dma_wait3A_198 : memref<1x125x128xf32, #tpu.memory_space<vmem>> -> memref<125x128xf32, #tpu.memory_space<vmem>>
      %dma_wait3A_200 = arith.constant 0 : i32
      %dma_wait3A_201 = tpu.memref_slice %arg6[%run_scoped3A_97, %dma_wait3A_200] : memref<40x125xi32, #tpu.memory_space<vmem>> -> memref<1x125xi32, #tpu.memory_space<vmem>>
      %dma_wait3A_202 = tpu.memref_squeeze %dma_wait3A_201 : memref<1x125xi32, #tpu.memory_space<vmem>> -> memref<125xi32, #tpu.memory_space<vmem>>
      %dma_wait3A_203 = arith.constant 0 : i32
      %dma_wait3A_204 = arith.constant 0 : i32
      %dma_wait3A_205 = tpu.memref_slice %arg8[%dma_wait3A_203, %dma_wait3A_204] : memref<10000x128xf32, #tpu.memory_space<vmem_shared>> -> memref<10000x128xf32, #tpu.memory_space<vmem_shared>>
      tpu.wait_indirect_dma semaphore(%run_scoped3A_185 : memref<!tpu.dma_semaphore, #tpu.memory_space<semaphore_mem>>) src(%dma_wait3A_199 : memref<125x128xf32, #tpu.memory_space<vmem>>) dst(%dma_wait3A_205 : memref<10000x128xf32, #tpu.memory_space<vmem_shared>>)
      tpu.yield
    }) : () -> ()
    %run_scoped3A_98 = arith.constant 0 : i32
    "tpu.region"() ({
      %run_scoped3A_185 = tpu.sem_alloc : memref<!tpu.dma_semaphore, #tpu.memory_space<semaphore_mem>>
      %dma_start3A_186 = arith.constant 40 : i32
      %dma_start3A_187 = arith.constant 0 : i32
      %dma_start3A_188 = tpu.memref_slice %arg3[%run_scoped3A_98, %arg1, %dma_start3A_186, %dma_start3A_187] : memref<2x16x80x125xi32, #tpu.memory_space<hbm>> -> memref<1x1x40x125xi32, #tpu.memory_space<hbm>>
      %dma_start3A_189 = tpu.memref_squeeze %dma_start3A_188 : memref<1x1x40x125xi32, #tpu.memory_space<hbm>> -> memref<40x125xi32, #tpu.memory_space<hbm>>
      %dma_start3A_190 = arith.constant 40 : i32
      %dma_start3A_191 = arith.constant 0 : i32
      %dma_start3A_192 = tpu.memref_slice %arg3[%run_scoped3A_98, %arg1, %dma_start3A_190, %dma_start3A_191] : memref<2x16x80x125xi32, #tpu.memory_space<hbm>> -> memref<1x1x40x125xi32, #tpu.memory_space<hbm>>
      %dma_start3A_193 = tpu.memref_squeeze %dma_start3A_192 : memref<1x1x40x125xi32, #tpu.memory_space<hbm>> -> memref<40x125xi32, #tpu.memory_space<hbm>>
      tpu.enqueue_dma source(%dma_start3A_193 : memref<40x125xi32, #tpu.memory_space<hbm>>) target(%arg5 : memref<40x125xi32, #tpu.memory_space<vmem>>) target_semaphore(%run_scoped3A_185 : memref<!tpu.dma_semaphore, #tpu.memory_space<semaphore_mem>>)
      %dma_wait3A_194 = arith.constant 40 : i32
      %dma_wait3A_195 = arith.constant 0 : i32
      %dma_wait3A_196 = tpu.memref_slice %arg3[%run_scoped3A_98, %arg1, %dma_wait3A_194, %dma_wait3A_195] : memref<2x16x80x125xi32, #tpu.memory_space<hbm>> -> memref<1x1x40x125xi32, #tpu.memory_space<hbm>>
      %dma_wait3A_197 = tpu.memref_squeeze %dma_wait3A_196 : memref<1x1x40x125xi32, #tpu.memory_space<hbm>> -> memref<40x125xi32, #tpu.memory_space<hbm>>
      %dma_wait3A_198 = arith.constant 40 : i32
      %dma_wait3A_199 = arith.constant 0 : i32
      %dma_wait3A_200 = tpu.memref_slice %arg3[%run_scoped3A_98, %arg1, %dma_wait3A_198, %dma_wait3A_199] : memref<2x16x80x125xi32, #tpu.memory_space<hbm>> -> memref<1x1x40x125xi32, #tpu.memory_space<hbm>>
      %dma_wait3A_201 = tpu.memref_squeeze %dma_wait3A_200 : memref<1x1x40x125xi32, #tpu.memory_space<hbm>> -> memref<40x125xi32, #tpu.memory_space<hbm>>
      tpu.wait_dma2 semaphore(%run_scoped3A_185 : memref<!tpu.dma_semaphore, #tpu.memory_space<semaphore_mem>>) src(%dma_wait3A_201 : memref<40x125xi32, #tpu.memory_space<hbm>>) dst(%arg5 : memref<40x125xi32, #tpu.memory_space<vmem>>)
      tpu.yield
    }) : () -> ()
    %run_scoped3A_99 = arith.constant 1 : i32
    "tpu.region"() ({
      %run_scoped3A_185 = tpu.sem_alloc : memref<!tpu.dma_semaphore, #tpu.memory_space<semaphore_mem>>
      %dma_start3A_186 = arith.constant 40 : i32
      %dma_start3A_187 = arith.constant 0 : i32
      %dma_start3A_188 = tpu.memref_slice %arg3[%run_scoped3A_99, %arg1, %dma_start3A_186, %dma_start3A_187] : memref<2x16x80x125xi32, #tpu.memory_space<hbm>> -> memref<1x1x40x125xi32, #tpu.memory_space<hbm>>
      %dma_start3A_189 = tpu.memref_squeeze %dma_start3A_188 : memref<1x1x40x125xi32, #tpu.memory_space<hbm>> -> memref<40x125xi32, #tpu.memory_space<hbm>>
      %dma_start3A_190 = arith.constant 40 : i32
      %dma_start3A_191 = arith.constant 0 : i32
      %dma_start3A_192 = tpu.memref_slice %arg3[%run_scoped3A_99, %arg1, %dma_start3A_190, %dma_start3A_191] : memref<2x16x80x125xi32, #tpu.memory_space<hbm>> -> memref<1x1x40x125xi32, #tpu.memory_space<hbm>>
      %dma_start3A_193 = tpu.memref_squeeze %dma_start3A_192 : memref<1x1x40x125xi32, #tpu.memory_space<hbm>> -> memref<40x125xi32, #tpu.memory_space<hbm>>
      tpu.enqueue_dma source(%dma_start3A_193 : memref<40x125xi32, #tpu.memory_space<hbm>>) target(%arg6 : memref<40x125xi32, #tpu.memory_space<vmem>>) target_semaphore(%run_scoped3A_185 : memref<!tpu.dma_semaphore, #tpu.memory_space<semaphore_mem>>)
      %dma_wait3A_194 = arith.constant 40 : i32
      %dma_wait3A_195 = arith.constant 0 : i32
      %dma_wait3A_196 = tpu.memref_slice %arg3[%run_scoped3A_99, %arg1, %dma_wait3A_194, %dma_wait3A_195] : memref<2x16x80x125xi32, #tpu.memory_space<hbm>> -> memref<1x1x40x125xi32, #tpu.memory_space<hbm>>
      %dma_wait3A_197 = tpu.memref_squeeze %dma_wait3A_196 : memref<1x1x40x125xi32, #tpu.memory_space<hbm>> -> memref<40x125xi32, #tpu.memory_space<hbm>>
      %dma_wait3A_198 = arith.constant 40 : i32
      %dma_wait3A_199 = arith.constant 0 : i32
      %dma_wait3A_200 = tpu.memref_slice %arg3[%run_scoped3A_99, %arg1, %dma_wait3A_198, %dma_wait3A_199] : memref<2x16x80x125xi32, #tpu.memory_space<hbm>> -> memref<1x1x40x125xi32, #tpu.memory_space<hbm>>
      %dma_wait3A_201 = tpu.memref_squeeze %dma_wait3A_200 : memref<1x1x40x125xi32, #tpu.memory_space<hbm>> -> memref<40x125xi32, #tpu.memory_space<hbm>>
      tpu.wait_dma2 semaphore(%run_scoped3A_185 : memref<!tpu.dma_semaphore, #tpu.memory_space<semaphore_mem>>) src(%dma_wait3A_201 : memref<40x125xi32, #tpu.memory_space<hbm>>) dst(%arg6 : memref<40x125xi32, #tpu.memory_space<vmem>>)
      tpu.yield
    }) : () -> ()
    %dma_start3A_100 = arith.constant 0 : i32
    %dma_start3A_101 = arith.constant 0 : i32
    %dma_start3A_102 = arith.constant 0 : i32
    %dma_start3A_103 = arith.constant 0 : i32
    %dma_start3A_104 = tpu.memref_slice %arg7[%dma_start3A_101, %dma_start3A_102, %dma_start3A_103] : memref<2x125x128xf32, #tpu.memory_space<vmem>> -> memref<1x125x128xf32, #tpu.memory_space<vmem>>
    %dma_start3A_105 = tpu.memref_squeeze %dma_start3A_104 : memref<1x125x128xf32, #tpu.memory_space<vmem>> -> memref<125x128xf32, #tpu.memory_space<vmem>>
    %dma_start3A_106 = arith.constant 0 : i32
    %dma_start3A_107 = tpu.memref_slice %arg5[%dma_start3A_100, %dma_start3A_106] : memref<40x125xi32, #tpu.memory_space<vmem>> -> memref<1x125xi32, #tpu.memory_space<vmem>>
    %dma_start3A_108 = tpu.memref_squeeze %dma_start3A_107 : memref<1x125xi32, #tpu.memory_space<vmem>> -> memref<125xi32, #tpu.memory_space<vmem>>
    %dma_start3A_109 = arith.constant 0 : i32
    %dma_start3A_110 = arith.constant 0 : i32
    %dma_start3A_111 = tpu.memref_slice %arg2[%arg0, %dma_start3A_109, %dma_start3A_110] : memref<2x10000x128xf32, #tpu.memory_space<hbm>> -> memref<1x10000x128xf32, #tpu.memory_space<hbm>>
    %dma_start3A_112 = tpu.memref_squeeze %dma_start3A_111 : memref<1x10000x128xf32, #tpu.memory_space<hbm>> -> memref<10000x128xf32, #tpu.memory_space<hbm>>
    %dma_start3A_113 = arith.constant 0 : i32
    %dma_start3A_114 = arith.constant 0 : i32
    %dma_start3A_115 = tpu.memref_slice %dma_start3A_112[%dma_start3A_113, %dma_start3A_114] : memref<10000x128xf32, #tpu.memory_space<hbm>> -> memref<10000x128xf32, #tpu.memory_space<hbm>>
    tpu.enqueue_indirect_dma source(%dma_start3A_115 : memref<10000x128xf32, #tpu.memory_space<hbm>>) target(%dma_start3A_105 : memref<125x128xf32, #tpu.memory_space<vmem>>) offsets(%dma_start3A_108 : memref<125xi32, #tpu.memory_space<vmem>>) semaphore(%arg9 : memref<!tpu.dma_semaphore, #tpu.memory_space<semaphore_mem>>)
    %dma_start3A_116 = arith.constant 1 : i32
    %dma_start3A_117 = arith.constant 1 : i32
    %dma_start3A_118 = arith.constant 0 : i32
    %dma_start3A_119 = arith.constant 0 : i32
    %dma_start3A_120 = tpu.memref_slice %arg7[%dma_start3A_117, %dma_start3A_118, %dma_start3A_119] : memref<2x125x128xf32, #tpu.memory_space<vmem>> -> memref<1x125x128xf32, #tpu.memory_space<vmem>>
    %dma_start3A_121 = tpu.memref_squeeze %dma_start3A_120 : memref<1x125x128xf32, #tpu.memory_space<vmem>> -> memref<125x128xf32, #tpu.memory_space<vmem>>
    %dma_start3A_122 = arith.constant 0 : i32
    %dma_start3A_123 = tpu.memref_slice %arg5[%dma_start3A_116, %dma_start3A_122] : memref<40x125xi32, #tpu.memory_space<vmem>> -> memref<1x125xi32, #tpu.memory_space<vmem>>
    %dma_start3A_124 = tpu.memref_squeeze %dma_start3A_123 : memref<1x125xi32, #tpu.memory_space<vmem>> -> memref<125xi32, #tpu.memory_space<vmem>>
    %dma_start3A_125 = arith.constant 0 : i32
    %dma_start3A_126 = arith.constant 0 : i32
    %dma_start3A_127 = tpu.memref_slice %arg2[%arg0, %dma_start3A_125, %dma_start3A_126] : memref<2x10000x128xf32, #tpu.memory_space<hbm>> -> memref<1x10000x128xf32, #tpu.memory_space<hbm>>
    %dma_start3A_128 = tpu.memref_squeeze %dma_start3A_127 : memref<1x10000x128xf32, #tpu.memory_space<hbm>> -> memref<10000x128xf32, #tpu.memory_space<hbm>>
    %dma_start3A_129 = arith.constant 0 : i32
    %dma_start3A_130 = arith.constant 0 : i32
    %dma_start3A_131 = tpu.memref_slice %dma_start3A_128[%dma_start3A_129, %dma_start3A_130] : memref<10000x128xf32, #tpu.memory_space<hbm>> -> memref<10000x128xf32, #tpu.memory_space<hbm>>
    tpu.enqueue_indirect_dma source(%dma_start3A_131 : memref<10000x128xf32, #tpu.memory_space<hbm>>) target(%dma_start3A_121 : memref<125x128xf32, #tpu.memory_space<vmem>>) offsets(%dma_start3A_124 : memref<125xi32, #tpu.memory_space<vmem>>) semaphore(%arg10 : memref<!tpu.dma_semaphore, #tpu.memory_space<semaphore_mem>>)
    %scan3A_132 = arith.constant 0 : i32
    %scan3A_133 = arith.constant 1 : i32
    %scan3A_134 = arith.constant 0 : i32
    %scan3A_135 = arith.constant 19 : i32
    %scan3A_136 = arith.addi %scan3A_134, %scan3A_135 : i32
    %scan3A_137 = arith.constant 1 : i32
    scf.for %scan3A_185 = %scan3A_134 to %scan3A_136 step %scan3A_137  : i32 {
      %mul3A_186 = arith.constant 2 : i32
      %mul3A_187 = arith.muli %scan3A_185, %mul3A_186 : i32
      %add3A = arith.constant 0 : i32
      %add3A_188 = arith.addi %add3A, %mul3A_187 : i32
      %dma_wait3A_189 = arith.constant 0 : i32
      %dma_wait3A_190 = arith.constant 0 : i32
      %dma_wait3A_191 = tpu.memref_slice %arg7[%scan3A_132, %dma_wait3A_189, %dma_wait3A_190] : memref<2x125x128xf32, #tpu.memory_space<vmem>> -> memref<1x125x128xf32, #tpu.memory_space<vmem>>
      %dma_wait3A_192 = tpu.memref_squeeze %dma_wait3A_191 : memref<1x125x128xf32, #tpu.memory_space<vmem>> -> memref<125x128xf32, #tpu.memory_space<vmem>>
      %dma_wait3A_193 = arith.constant 0 : i32
      %dma_wait3A_194 = tpu.memref_slice %arg5[%add3A_188, %dma_wait3A_193] : memref<40x125xi32, #tpu.memory_space<vmem>> -> memref<1x125xi32, #tpu.memory_space<vmem>>
      %dma_wait3A_195 = tpu.memref_squeeze %dma_wait3A_194 : memref<1x125xi32, #tpu.memory_space<vmem>> -> memref<125xi32, #tpu.memory_space<vmem>>
      %dma_wait3A_196 = arith.constant 0 : i32
      %dma_wait3A_197 = arith.constant 0 : i32
      %dma_wait3A_198 = tpu.memref_slice %arg2[%arg0, %dma_wait3A_196, %dma_wait3A_197] : memref<2x10000x128xf32, #tpu.memory_space<hbm>> -> memref<1x10000x128xf32, #tpu.memory_space<hbm>>
      %dma_wait3A_199 = tpu.memref_squeeze %dma_wait3A_198 : memref<1x10000x128xf32, #tpu.memory_space<hbm>> -> memref<10000x128xf32, #tpu.memory_space<hbm>>
      %dma_wait3A_200 = arith.constant 0 : i32
      %dma_wait3A_201 = arith.constant 0 : i32
      %dma_wait3A_202 = tpu.memref_slice %dma_wait3A_199[%dma_wait3A_200, %dma_wait3A_201] : memref<10000x128xf32, #tpu.memory_space<hbm>> -> memref<10000x128xf32, #tpu.memory_space<hbm>>
      tpu.wait_indirect_dma semaphore(%arg9 : memref<!tpu.dma_semaphore, #tpu.memory_space<semaphore_mem>>) src(%dma_wait3A_202 : memref<10000x128xf32, #tpu.memory_space<hbm>>) dst(%dma_wait3A_192 : memref<125x128xf32, #tpu.memory_space<vmem>>)
      "tpu.region"() ({
        %run_scoped3A_253 = tpu.sem_alloc : memref<!tpu.dma_semaphore, #tpu.memory_space<semaphore_mem>>
        %dma_start3A_254 = arith.constant 0 : i32
        %dma_start3A_255 = arith.constant 0 : i32
        %dma_start3A_256 = tpu.memref_slice %arg7[%scan3A_132, %dma_start3A_254, %dma_start3A_255] : memref<2x125x128xf32, #tpu.memory_space<vmem>> -> memref<1x125x128xf32, #tpu.memory_space<vmem>>
        %dma_start3A_257 = tpu.memref_squeeze %dma_start3A_256 : memref<1x125x128xf32, #tpu.memory_space<vmem>> -> memref<125x128xf32, #tpu.memory_space<vmem>>
        %dma_start3A_258 = arith.constant 0 : i32
        %dma_start3A_259 = tpu.memref_slice %arg6[%add3A_188, %dma_start3A_258] : memref<40x125xi32, #tpu.memory_space<vmem>> -> memref<1x125xi32, #tpu.memory_space<vmem>>
        %dma_start3A_260 = tpu.memref_squeeze %dma_start3A_259 : memref<1x125xi32, #tpu.memory_space<vmem>> -> memref<125xi32, #tpu.memory_space<vmem>>
        %dma_start3A_261 = arith.constant 0 : i32
        %dma_start3A_262 = arith.constant 0 : i32
        %dma_start3A_263 = tpu.memref_slice %arg8[%dma_start3A_261, %dma_start3A_262] : memref<10000x128xf32, #tpu.memory_space<vmem_shared>> -> memref<10000x128xf32, #tpu.memory_space<vmem_shared>>
        tpu.enqueue_indirect_dma source(%dma_start3A_257 : memref<125x128xf32, #tpu.memory_space<vmem>>) target(%dma_start3A_263 : memref<10000x128xf32, #tpu.memory_space<vmem_shared>>) offsets(%dma_start3A_260 : memref<125xi32, #tpu.memory_space<vmem>>) semaphore(%run_scoped3A_253 : memref<!tpu.dma_semaphore, #tpu.memory_space<semaphore_mem>>) {add = true}
        %dma_wait3A_264 = arith.constant 0 : i32
        %dma_wait3A_265 = arith.constant 0 : i32
        %dma_wait3A_266 = tpu.memref_slice %arg7[%scan3A_132, %dma_wait3A_264, %dma_wait3A_265] : memref<2x125x128xf32, #tpu.memory_space<vmem>> -> memref<1x125x128xf32, #tpu.memory_space<vmem>>
        %dma_wait3A_267 = tpu.memref_squeeze %dma_wait3A_266 : memref<1x125x128xf32, #tpu.memory_space<vmem>> -> memref<125x128xf32, #tpu.memory_space<vmem>>
        %dma_wait3A_268 = arith.constant 0 : i32
        %dma_wait3A_269 = tpu.memref_slice %arg6[%add3A_188, %dma_wait3A_268] : memref<40x125xi32, #tpu.memory_space<vmem>> -> memref<1x125xi32, #tpu.memory_space<vmem>>
        %dma_wait3A_270 = tpu.memref_squeeze %dma_wait3A_269 : memref<1x125xi32, #tpu.memory_space<vmem>> -> memref<125xi32, #tpu.memory_space<vmem>>
        %dma_wait3A_271 = arith.constant 0 : i32
        %dma_wait3A_272 = arith.constant 0 : i32
        %dma_wait3A_273 = tpu.memref_slice %arg8[%dma_wait3A_271, %dma_wait3A_272] : memref<10000x128xf32, #tpu.memory_space<vmem_shared>> -> memref<10000x128xf32, #tpu.memory_space<vmem_shared>>
        tpu.wait_indirect_dma semaphore(%run_scoped3A_253 : memref<!tpu.dma_semaphore, #tpu.memory_space<semaphore_mem>>) src(%dma_wait3A_267 : memref<125x128xf32, #tpu.memory_space<vmem>>) dst(%dma_wait3A_273 : memref<10000x128xf32, #tpu.memory_space<vmem_shared>>)
        tpu.yield
      }) : () -> ()
      %add3A_203 = arith.constant 2 : i32
      %add3A_204 = arith.addi %add3A_188, %add3A_203 : i32
      %dma_start3A_205 = arith.constant 0 : i32
      %dma_start3A_206 = arith.constant 0 : i32
      %dma_start3A_207 = tpu.memref_slice %arg7[%scan3A_132, %dma_start3A_205, %dma_start3A_206] : memref<2x125x128xf32, #tpu.memory_space<vmem>> -> memref<1x125x128xf32, #tpu.memory_space<vmem>>
      %dma_start3A_208 = tpu.memref_squeeze %dma_start3A_207 : memref<1x125x128xf32, #tpu.memory_space<vmem>> -> memref<125x128xf32, #tpu.memory_space<vmem>>
      %dma_start3A_209 = arith.constant 0 : i32
      %dma_start3A_210 = tpu.memref_slice %arg5[%add3A_204, %dma_start3A_209] : memref<40x125xi32, #tpu.memory_space<vmem>> -> memref<1x125xi32, #tpu.memory_space<vmem>>
      %dma_start3A_211 = tpu.memref_squeeze %dma_start3A_210 : memref<1x125xi32, #tpu.memory_space<vmem>> -> memref<125xi32, #tpu.memory_space<vmem>>
      %dma_start3A_212 = arith.constant 0 : i32
      %dma_start3A_213 = arith.constant 0 : i32
      %dma_start3A_214 = tpu.memref_slice %arg2[%arg0, %dma_start3A_212, %dma_start3A_213] : memref<2x10000x128xf32, #tpu.memory_space<hbm>> -> memref<1x10000x128xf32, #tpu.memory_space<hbm>>
      %dma_start3A_215 = tpu.memref_squeeze %dma_start3A_214 : memref<1x10000x128xf32, #tpu.memory_space<hbm>> -> memref<10000x128xf32, #tpu.memory_space<hbm>>
      %dma_start3A_216 = arith.constant 0 : i32
      %dma_start3A_217 = arith.constant 0 : i32
      %dma_start3A_218 = tpu.memref_slice %dma_start3A_215[%dma_start3A_216, %dma_start3A_217] : memref<10000x128xf32, #tpu.memory_space<hbm>> -> memref<10000x128xf32, #tpu.memory_space<hbm>>
      tpu.enqueue_indirect_dma source(%dma_start3A_218 : memref<10000x128xf32, #tpu.memory_space<hbm>>) target(%dma_start3A_208 : memref<125x128xf32, #tpu.memory_space<vmem>>) offsets(%dma_start3A_211 : memref<125xi32, #tpu.memory_space<vmem>>) semaphore(%arg9 : memref<!tpu.dma_semaphore, #tpu.memory_space<semaphore_mem>>)
      %add3A_219 = arith.constant 1 : i32
      %add3A_220 = arith.addi %add3A_188, %add3A_219 : i32
      %dma_wait3A_221 = arith.constant 0 : i32
      %dma_wait3A_222 = arith.constant 0 : i32
      %dma_wait3A_223 = tpu.memref_slice %arg7[%scan3A_133, %dma_wait3A_221, %dma_wait3A_222] : memref<2x125x128xf32, #tpu.memory_space<vmem>> -> memref<1x125x128xf32, #tpu.memory_space<vmem>>
      %dma_wait3A_224 = tpu.memref_squeeze %dma_wait3A_223 : memref<1x125x128xf32, #tpu.memory_space<vmem>> -> memref<125x128xf32, #tpu.memory_space<vmem>>
      %dma_wait3A_225 = arith.constant 0 : i32
      %dma_wait3A_226 = tpu.memref_slice %arg5[%add3A_220, %dma_wait3A_225] : memref<40x125xi32, #tpu.memory_space<vmem>> -> memref<1x125xi32, #tpu.memory_space<vmem>>
      %dma_wait3A_227 = tpu.memref_squeeze %dma_wait3A_226 : memref<1x125xi32, #tpu.memory_space<vmem>> -> memref<125xi32, #tpu.memory_space<vmem>>
      %dma_wait3A_228 = arith.constant 0 : i32
      %dma_wait3A_229 = arith.constant 0 : i32
      %dma_wait3A_230 = tpu.memref_slice %arg2[%arg0, %dma_wait3A_228, %dma_wait3A_229] : memref<2x10000x128xf32, #tpu.memory_space<hbm>> -> memref<1x10000x128xf32, #tpu.memory_space<hbm>>
      %dma_wait3A_231 = tpu.memref_squeeze %dma_wait3A_230 : memref<1x10000x128xf32, #tpu.memory_space<hbm>> -> memref<10000x128xf32, #tpu.memory_space<hbm>>
      %dma_wait3A_232 = arith.constant 0 : i32
      %dma_wait3A_233 = arith.constant 0 : i32
      %dma_wait3A_234 = tpu.memref_slice %dma_wait3A_231[%dma_wait3A_232, %dma_wait3A_233] : memref<10000x128xf32, #tpu.memory_space<hbm>> -> memref<10000x128xf32, #tpu.memory_space<hbm>>
      tpu.wait_indirect_dma semaphore(%arg10 : memref<!tpu.dma_semaphore, #tpu.memory_space<semaphore_mem>>) src(%dma_wait3A_234 : memref<10000x128xf32, #tpu.memory_space<hbm>>) dst(%dma_wait3A_224 : memref<125x128xf32, #tpu.memory_space<vmem>>)
      %add3A_235 = arith.constant 1 : i32
      %add3A_236 = arith.addi %add3A_188, %add3A_235 : i32
      "tpu.region"() ({
        %run_scoped3A_253 = tpu.sem_alloc : memref<!tpu.dma_semaphore, #tpu.memory_space<semaphore_mem>>
        %dma_start3A_254 = arith.constant 0 : i32
        %dma_start3A_255 = arith.constant 0 : i32
        %dma_start3A_256 = tpu.memref_slice %arg7[%scan3A_133, %dma_start3A_254, %dma_start3A_255] : memref<2x125x128xf32, #tpu.memory_space<vmem>> -> memref<1x125x128xf32, #tpu.memory_space<vmem>>
        %dma_start3A_257 = tpu.memref_squeeze %dma_start3A_256 : memref<1x125x128xf32, #tpu.memory_space<vmem>> -> memref<125x128xf32, #tpu.memory_space<vmem>>
        %dma_start3A_258 = arith.constant 0 : i32
        %dma_start3A_259 = tpu.memref_slice %arg6[%add3A_236, %dma_start3A_258] : memref<40x125xi32, #tpu.memory_space<vmem>> -> memref<1x125xi32, #tpu.memory_space<vmem>>
        %dma_start3A_260 = tpu.memref_squeeze %dma_start3A_259 : memref<1x125xi32, #tpu.memory_space<vmem>> -> memref<125xi32, #tpu.memory_space<vmem>>
        %dma_start3A_261 = arith.constant 0 : i32
        %dma_start3A_262 = arith.constant 0 : i32
        %dma_start3A_263 = tpu.memref_slice %arg8[%dma_start3A_261, %dma_start3A_262] : memref<10000x128xf32, #tpu.memory_space<vmem_shared>> -> memref<10000x128xf32, #tpu.memory_space<vmem_shared>>
        tpu.enqueue_indirect_dma source(%dma_start3A_257 : memref<125x128xf32, #tpu.memory_space<vmem>>) target(%dma_start3A_263 : memref<10000x128xf32, #tpu.memory_space<vmem_shared>>) offsets(%dma_start3A_260 : memref<125xi32, #tpu.memory_space<vmem>>) semaphore(%run_scoped3A_253 : memref<!tpu.dma_semaphore, #tpu.memory_space<semaphore_mem>>) {add = true}
        %dma_wait3A_264 = arith.constant 0 : i32
        %dma_wait3A_265 = arith.constant 0 : i32
        %dma_wait3A_266 = tpu.memref_slice %arg7[%scan3A_133, %dma_wait3A_264, %dma_wait3A_265] : memref<2x125x128xf32, #tpu.memory_space<vmem>> -> memref<1x125x128xf32, #tpu.memory_space<vmem>>
        %dma_wait3A_267 = tpu.memref_squeeze %dma_wait3A_266 : memref<1x125x128xf32, #tpu.memory_space<vmem>> -> memref<125x128xf32, #tpu.memory_space<vmem>>
        %dma_wait3A_268 = arith.constant 0 : i32
        %dma_wait3A_269 = tpu.memref_slice %arg6[%add3A_236, %dma_wait3A_268] : memref<40x125xi32, #tpu.memory_space<vmem>> -> memref<1x125xi32, #tpu.memory_space<vmem>>
        %dma_wait3A_270 = tpu.memref_squeeze %dma_wait3A_269 : memref<1x125xi32, #tpu.memory_space<vmem>> -> memref<125xi32, #tpu.memory_space<vmem>>
        %dma_wait3A_271 = arith.constant 0 : i32
        %dma_wait3A_272 = arith.constant 0 : i32
        %dma_wait3A_273 = tpu.memref_slice %arg8[%dma_wait3A_271, %dma_wait3A_272] : memref<10000x128xf32, #tpu.memory_space<vmem_shared>> -> memref<10000x128xf32, #tpu.memory_space<vmem_shared>>
        tpu.wait_indirect_dma semaphore(%run_scoped3A_253 : memref<!tpu.dma_semaphore, #tpu.memory_space<semaphore_mem>>) src(%dma_wait3A_267 : memref<125x128xf32, #tpu.memory_space<vmem>>) dst(%dma_wait3A_273 : memref<10000x128xf32, #tpu.memory_space<vmem_shared>>)
        tpu.yield
      }) : () -> ()
      %add3A_237 = arith.constant 3 : i32
      %add3A_238 = arith.addi %add3A_188, %add3A_237 : i32
      %dma_start3A_239 = arith.constant 0 : i32
      %dma_start3A_240 = arith.constant 0 : i32
      %dma_start3A_241 = tpu.memref_slice %arg7[%scan3A_133, %dma_start3A_239, %dma_start3A_240] : memref<2x125x128xf32, #tpu.memory_space<vmem>> -> memref<1x125x128xf32, #tpu.memory_space<vmem>>
      %dma_start3A_242 = tpu.memref_squeeze %dma_start3A_241 : memref<1x125x128xf32, #tpu.memory_space<vmem>> -> memref<125x128xf32, #tpu.memory_space<vmem>>
      %dma_start3A_243 = arith.constant 0 : i32
      %dma_start3A_244 = tpu.memref_slice %arg5[%add3A_238, %dma_start3A_243] : memref<40x125xi32, #tpu.memory_space<vmem>> -> memref<1x125xi32, #tpu.memory_space<vmem>>
      %dma_start3A_245 = tpu.memref_squeeze %dma_start3A_244 : memref<1x125xi32, #tpu.memory_space<vmem>> -> memref<125xi32, #tpu.memory_space<vmem>>
      %dma_start3A_246 = arith.constant 0 : i32
      %dma_start3A_247 = arith.constant 0 : i32
      %dma_start3A_248 = tpu.memref_slice %arg2[%arg0, %dma_start3A_246, %dma_start3A_247] : memref<2x10000x128xf32, #tpu.memory_space<hbm>> -> memref<1x10000x128xf32, #tpu.memory_space<hbm>>
      %dma_start3A_249 = tpu.memref_squeeze %dma_start3A_248 : memref<1x10000x128xf32, #tpu.memory_space<hbm>> -> memref<10000x128xf32, #tpu.memory_space<hbm>>
      %dma_start3A_250 = arith.constant 0 : i32
      %dma_start3A_251 = arith.constant 0 : i32
      %dma_start3A_252 = tpu.memref_slice %dma_start3A_249[%dma_start3A_250, %dma_start3A_251] : memref<10000x128xf32, #tpu.memory_space<hbm>> -> memref<10000x128xf32, #tpu.memory_space<hbm>>
      tpu.enqueue_indirect_dma source(%dma_start3A_252 : memref<10000x128xf32, #tpu.memory_space<hbm>>) target(%dma_start3A_242 : memref<125x128xf32, #tpu.memory_space<vmem>>) offsets(%dma_start3A_245 : memref<125xi32, #tpu.memory_space<vmem>>) semaphore(%arg10 : memref<!tpu.dma_semaphore, #tpu.memory_space<semaphore_mem>>)
    }
    %scan3A_138 = arith.constant 19 : i32
    %dma_wait3A_139 = arith.constant 38 : i32
    %dma_wait3A_140 = arith.constant 0 : i32
    %dma_wait3A_141 = arith.constant 0 : i32
    %dma_wait3A_142 = arith.constant 0 : i32
    %dma_wait3A_143 = tpu.memref_slice %arg7[%dma_wait3A_140, %dma_wait3A_141, %dma_wait3A_142] : memref<2x125x128xf32, #tpu.memory_space<vmem>> -> memref<1x125x128xf32, #tpu.memory_space<vmem>>
    %dma_wait3A_144 = tpu.memref_squeeze %dma_wait3A_143 : memref<1x125x128xf32, #tpu.memory_space<vmem>> -> memref<125x128xf32, #tpu.memory_space<vmem>>
    %dma_wait3A_145 = arith.constant 0 : i32
    %dma_wait3A_146 = tpu.memref_slice %arg5[%dma_wait3A_139, %dma_wait3A_145] : memref<40x125xi32, #tpu.memory_space<vmem>> -> memref<1x125xi32, #tpu.memory_space<vmem>>
    %dma_wait3A_147 = tpu.memref_squeeze %dma_wait3A_146 : memref<1x125xi32, #tpu.memory_space<vmem>> -> memref<125xi32, #tpu.memory_space<vmem>>
    %dma_wait3A_148 = arith.constant 0 : i32
    %dma_wait3A_149 = arith.constant 0 : i32
    %dma_wait3A_150 = tpu.memref_slice %arg2[%arg0, %dma_wait3A_148, %dma_wait3A_149] : memref<2x10000x128xf32, #tpu.memory_space<hbm>> -> memref<1x10000x128xf32, #tpu.memory_space<hbm>>
    %dma_wait3A_151 = tpu.memref_squeeze %dma_wait3A_150 : memref<1x10000x128xf32, #tpu.memory_space<hbm>> -> memref<10000x128xf32, #tpu.memory_space<hbm>>
    %dma_wait3A_152 = arith.constant 0 : i32
    %dma_wait3A_153 = arith.constant 0 : i32
    %dma_wait3A_154 = tpu.memref_slice %dma_wait3A_151[%dma_wait3A_152, %dma_wait3A_153] : memref<10000x128xf32, #tpu.memory_space<hbm>> -> memref<10000x128xf32, #tpu.memory_space<hbm>>
    tpu.wait_indirect_dma semaphore(%arg9 : memref<!tpu.dma_semaphore, #tpu.memory_space<semaphore_mem>>) src(%dma_wait3A_154 : memref<10000x128xf32, #tpu.memory_space<hbm>>) dst(%dma_wait3A_144 : memref<125x128xf32, #tpu.memory_space<vmem>>)
    %run_scoped3A_155 = arith.constant 0 : i32
    %run_scoped3A_156 = arith.constant 38 : i32
    "tpu.region"() ({
      %run_scoped3A_185 = tpu.sem_alloc : memref<!tpu.dma_semaphore, #tpu.memory_space<semaphore_mem>>
      %dma_start3A_186 = arith.constant 0 : i32
      %dma_start3A_187 = arith.constant 0 : i32
      %dma_start3A_188 = tpu.memref_slice %arg7[%run_scoped3A_155, %dma_start3A_186, %dma_start3A_187] : memref<2x125x128xf32, #tpu.memory_space<vmem>> -> memref<1x125x128xf32, #tpu.memory_space<vmem>>
      %dma_start3A_189 = tpu.memref_squeeze %dma_start3A_188 : memref<1x125x128xf32, #tpu.memory_space<vmem>> -> memref<125x128xf32, #tpu.memory_space<vmem>>
      %dma_start3A_190 = arith.constant 0 : i32
      %dma_start3A_191 = tpu.memref_slice %arg6[%run_scoped3A_156, %dma_start3A_190] : memref<40x125xi32, #tpu.memory_space<vmem>> -> memref<1x125xi32, #tpu.memory_space<vmem>>
      %dma_start3A_192 = tpu.memref_squeeze %dma_start3A_191 : memref<1x125xi32, #tpu.memory_space<vmem>> -> memref<125xi32, #tpu.memory_space<vmem>>
      %dma_start3A_193 = arith.constant 0 : i32
      %dma_start3A_194 = arith.constant 0 : i32
      %dma_start3A_195 = tpu.memref_slice %arg8[%dma_start3A_193, %dma_start3A_194] : memref<10000x128xf32, #tpu.memory_space<vmem_shared>> -> memref<10000x128xf32, #tpu.memory_space<vmem_shared>>
      tpu.enqueue_indirect_dma source(%dma_start3A_189 : memref<125x128xf32, #tpu.memory_space<vmem>>) target(%dma_start3A_195 : memref<10000x128xf32, #tpu.memory_space<vmem_shared>>) offsets(%dma_start3A_192 : memref<125xi32, #tpu.memory_space<vmem>>) semaphore(%run_scoped3A_185 : memref<!tpu.dma_semaphore, #tpu.memory_space<semaphore_mem>>) {add = true}
      %dma_wait3A_196 = arith.constant 0 : i32
      %dma_wait3A_197 = arith.constant 0 : i32
      %dma_wait3A_198 = tpu.memref_slice %arg7[%run_scoped3A_155, %dma_wait3A_196, %dma_wait3A_197] : memref<2x125x128xf32, #tpu.memory_space<vmem>> -> memref<1x125x128xf32, #tpu.memory_space<vmem>>
      %dma_wait3A_199 = tpu.memref_squeeze %dma_wait3A_198 : memref<1x125x128xf32, #tpu.memory_space<vmem>> -> memref<125x128xf32, #tpu.memory_space<vmem>>
      %dma_wait3A_200 = arith.constant 0 : i32
      %dma_wait3A_201 = tpu.memref_slice %arg6[%run_scoped3A_156, %dma_wait3A_200] : memref<40x125xi32, #tpu.memory_space<vmem>> -> memref<1x125xi32, #tpu.memory_space<vmem>>
      %dma_wait3A_202 = tpu.memref_squeeze %dma_wait3A_201 : memref<1x125xi32, #tpu.memory_space<vmem>> -> memref<125xi32, #tpu.memory_space<vmem>>
      %dma_wait3A_203 = arith.constant 0 : i32
      %dma_wait3A_204 = arith.constant 0 : i32
      %dma_wait3A_205 = tpu.memref_slice %arg8[%dma_wait3A_203, %dma_wait3A_204] : memref<10000x128xf32, #tpu.memory_space<vmem_shared>> -> memref<10000x128xf32, #tpu.memory_space<vmem_shared>>
      tpu.wait_indirect_dma semaphore(%run_scoped3A_185 : memref<!tpu.dma_semaphore, #tpu.memory_space<semaphore_mem>>) src(%dma_wait3A_199 : memref<125x128xf32, #tpu.memory_space<vmem>>) dst(%dma_wait3A_205 : memref<10000x128xf32, #tpu.memory_space<vmem_shared>>)
      tpu.yield
    }) : () -> ()
    %dma_wait3A_157 = arith.constant 39 : i32
    %dma_wait3A_158 = arith.constant 1 : i32
    %dma_wait3A_159 = arith.constant 0 : i32
    %dma_wait3A_160 = arith.constant 0 : i32
    %dma_wait3A_161 = tpu.memref_slice %arg7[%dma_wait3A_158, %dma_wait3A_159, %dma_wait3A_160] : memref<2x125x128xf32, #tpu.memory_space<vmem>> -> memref<1x125x128xf32, #tpu.memory_space<vmem>>
    %dma_wait3A_162 = tpu.memref_squeeze %dma_wait3A_161 : memref<1x125x128xf32, #tpu.memory_space<vmem>> -> memref<125x128xf32, #tpu.memory_space<vmem>>
    %dma_wait3A_163 = arith.constant 0 : i32
    %dma_wait3A_164 = tpu.memref_slice %arg5[%dma_wait3A_157, %dma_wait3A_163] : memref<40x125xi32, #tpu.memory_space<vmem>> -> memref<1x125xi32, #tpu.memory_space<vmem>>
    %dma_wait3A_165 = tpu.memref_squeeze %dma_wait3A_164 : memref<1x125xi32, #tpu.memory_space<vmem>> -> memref<125xi32, #tpu.memory_space<vmem>>
    %dma_wait3A_166 = arith.constant 0 : i32
    %dma_wait3A_167 = arith.constant 0 : i32
    %dma_wait3A_168 = tpu.memref_slice %arg2[%arg0, %dma_wait3A_166, %dma_wait3A_167] : memref<2x10000x128xf32, #tpu.memory_space<hbm>> -> memref<1x10000x128xf32, #tpu.memory_space<hbm>>
    %dma_wait3A_169 = tpu.memref_squeeze %dma_wait3A_168 : memref<1x10000x128xf32, #tpu.memory_space<hbm>> -> memref<10000x128xf32, #tpu.memory_space<hbm>>
    %dma_wait3A_170 = arith.constant 0 : i32
    %dma_wait3A_171 = arith.constant 0 : i32
    %dma_wait3A_172 = tpu.memref_slice %dma_wait3A_169[%dma_wait3A_170, %dma_wait3A_171] : memref<10000x128xf32, #tpu.memory_space<hbm>> -> memref<10000x128xf32, #tpu.memory_space<hbm>>
    tpu.wait_indirect_dma semaphore(%arg10 : memref<!tpu.dma_semaphore, #tpu.memory_space<semaphore_mem>>) src(%dma_wait3A_172 : memref<10000x128xf32, #tpu.memory_space<hbm>>) dst(%dma_wait3A_162 : memref<125x128xf32, #tpu.memory_space<vmem>>)
    %run_scoped3A_173 = arith.constant 1 : i32
    %run_scoped3A_174 = arith.constant 39 : i32
    "tpu.region"() ({
      %run_scoped3A_185 = tpu.sem_alloc : memref<!tpu.dma_semaphore, #tpu.memory_space<semaphore_mem>>
      %dma_start3A_186 = arith.constant 0 : i32
      %dma_start3A_187 = arith.constant 0 : i32
      %dma_start3A_188 = tpu.memref_slice %arg7[%run_scoped3A_173, %dma_start3A_186, %dma_start3A_187] : memref<2x125x128xf32, #tpu.memory_space<vmem>> -> memref<1x125x128xf32, #tpu.memory_space<vmem>>
      %dma_start3A_189 = tpu.memref_squeeze %dma_start3A_188 : memref<1x125x128xf32, #tpu.memory_space<vmem>> -> memref<125x128xf32, #tpu.memory_space<vmem>>
      %dma_start3A_190 = arith.constant 0 : i32
      %dma_start3A_191 = tpu.memref_slice %arg6[%run_scoped3A_174, %dma_start3A_190] : memref<40x125xi32, #tpu.memory_space<vmem>> -> memref<1x125xi32, #tpu.memory_space<vmem>>
      %dma_start3A_192 = tpu.memref_squeeze %dma_start3A_191 : memref<1x125xi32, #tpu.memory_space<vmem>> -> memref<125xi32, #tpu.memory_space<vmem>>
      %dma_start3A_193 = arith.constant 0 : i32
      %dma_start3A_194 = arith.constant 0 : i32
      %dma_start3A_195 = tpu.memref_slice %arg8[%dma_start3A_193, %dma_start3A_194] : memref<10000x128xf32, #tpu.memory_space<vmem_shared>> -> memref<10000x128xf32, #tpu.memory_space<vmem_shared>>
      tpu.enqueue_indirect_dma source(%dma_start3A_189 : memref<125x128xf32, #tpu.memory_space<vmem>>) target(%dma_start3A_195 : memref<10000x128xf32, #tpu.memory_space<vmem_shared>>) offsets(%dma_start3A_192 : memref<125xi32, #tpu.memory_space<vmem>>) semaphore(%run_scoped3A_185 : memref<!tpu.dma_semaphore, #tpu.memory_space<semaphore_mem>>) {add = true}
      %dma_wait3A_196 = arith.constant 0 : i32
      %dma_wait3A_197 = arith.constant 0 : i32
      %dma_wait3A_198 = tpu.memref_slice %arg7[%run_scoped3A_173, %dma_wait3A_196, %dma_wait3A_197] : memref<2x125x128xf32, #tpu.memory_space<vmem>> -> memref<1x125x128xf32, #tpu.memory_space<vmem>>
      %dma_wait3A_199 = tpu.memref_squeeze %dma_wait3A_198 : memref<1x125x128xf32, #tpu.memory_space<vmem>> -> memref<125x128xf32, #tpu.memory_space<vmem>>
      %dma_wait3A_200 = arith.constant 0 : i32
      %dma_wait3A_201 = tpu.memref_slice %arg6[%run_scoped3A_174, %dma_wait3A_200] : memref<40x125xi32, #tpu.memory_space<vmem>> -> memref<1x125xi32, #tpu.memory_space<vmem>>
      %dma_wait3A_202 = tpu.memref_squeeze %dma_wait3A_201 : memref<1x125xi32, #tpu.memory_space<vmem>> -> memref<125xi32, #tpu.memory_space<vmem>>
      %dma_wait3A_203 = arith.constant 0 : i32
      %dma_wait3A_204 = arith.constant 0 : i32
      %dma_wait3A_205 = tpu.memref_slice %arg8[%dma_wait3A_203, %dma_wait3A_204] : memref<10000x128xf32, #tpu.memory_space<vmem_shared>> -> memref<10000x128xf32, #tpu.memory_space<vmem_shared>>
      tpu.wait_indirect_dma semaphore(%run_scoped3A_185 : memref<!tpu.dma_semaphore, #tpu.memory_space<semaphore_mem>>) src(%dma_wait3A_199 : memref<125x128xf32, #tpu.memory_space<vmem>>) dst(%dma_wait3A_205 : memref<10000x128xf32, #tpu.memory_space<vmem_shared>>)
      tpu.yield
    }) : () -> ()
    %barrier3A_175 = arith.constant 0 : index
    tpu.barrier barrier_id(%barrier3A_175)
    %mul3A_176 = arith.constant 624 : i32
    %mul3A_177 = arith.muli %arg1, %mul3A_176 : i32
    %mul3A_178 = arith.constant 624 : i32
    %mul3A_179 = arith.muli %arg1, %mul3A_178 : i32
    "tpu.region"() ({
      %run_scoped3A_185 = tpu.sem_alloc : memref<!tpu.dma_semaphore, #tpu.memory_space<semaphore_mem>>
      %dma_start3A_186 = arith.constant 0 : i32
      %dma_start3A_187 = tpu.memref_slice %arg4[%arg0, %mul3A_179, %dma_start3A_186] : memref<2x10000x128xf32, #tpu.memory_space<hbm>> -> memref<1x624x128xf32, #tpu.memory_space<hbm>>
      %dma_start3A_188 = tpu.memref_squeeze %dma_start3A_187 : memref<1x624x128xf32, #tpu.memory_space<hbm>> -> memref<624x128xf32, #tpu.memory_space<hbm>>
      %dma_start3A_189 = arith.constant 0 : i32
      %dma_start3A_190 = tpu.memref_slice %arg8[%mul3A_177, %dma_start3A_189] : memref<10000x128xf32, #tpu.memory_space<vmem_shared>> -> memref<624x128xf32, #tpu.memory_space<vmem_shared>>
      tpu.enqueue_dma source(%dma_start3A_190 : memref<624x128xf32, #tpu.memory_space<vmem_shared>>) target(%dma_start3A_188 : memref<624x128xf32, #tpu.memory_space<hbm>>) target_semaphore(%run_scoped3A_185 : memref<!tpu.dma_semaphore, #tpu.memory_space<semaphore_mem>>)
      %dma_wait3A_191 = arith.constant 0 : i32
      %dma_wait3A_192 = tpu.memref_slice %arg4[%arg0, %mul3A_179, %dma_wait3A_191] : memref<2x10000x128xf32, #tpu.memory_space<hbm>> -> memref<1x624x128xf32, #tpu.memory_space<hbm>>
      %dma_wait3A_193 = tpu.memref_squeeze %dma_wait3A_192 : memref<1x624x128xf32, #tpu.memory_space<hbm>> -> memref<624x128xf32, #tpu.memory_space<hbm>>
      %dma_wait3A_194 = arith.constant 0 : i32
      %dma_wait3A_195 = tpu.memref_slice %arg8[%mul3A_177, %dma_wait3A_194] : memref<10000x128xf32, #tpu.memory_space<vmem_shared>> -> memref<624x128xf32, #tpu.memory_space<vmem_shared>>
      tpu.wait_dma2 semaphore(%run_scoped3A_185 : memref<!tpu.dma_semaphore, #tpu.memory_space<semaphore_mem>>) src(%dma_wait3A_195 : memref<624x128xf32, #tpu.memory_space<vmem_shared>>) dst(%dma_wait3A_193 : memref<624x128xf32, #tpu.memory_space<hbm>>)
      tpu.yield
    }) : () -> ()
    %eq3A_180 = arith.constant 15 : i32
    %eq3A_181 = arith.cmpi eq, %arg1, %eq3A_180 : i32
    %convert_element_type3A_182 = arith.extui %eq3A_181 : i1 to i32
    %cond3A_183 = arith.constant 0 : i32
    %cond3A_184 = arith.cmpi ne, %convert_element_type3A_182, %cond3A_183 : i32
    scf.if %cond3A_184 {
      "tpu.region"() ({
        %run_scoped3A_185 = tpu.sem_alloc : memref<!tpu.dma_semaphore, #tpu.memory_space<semaphore_mem>>
        %dma_start3A_186 = arith.constant 9984 : i32
        %dma_start3A_187 = arith.constant 0 : i32
        %dma_start3A_188 = tpu.memref_slice %arg4[%arg0, %dma_start3A_186, %dma_start3A_187] : memref<2x10000x128xf32, #tpu.memory_space<hbm>> -> memref<1x16x128xf32, #tpu.memory_space<hbm>>
        %dma_start3A_189 = tpu.memref_squeeze %dma_start3A_188 : memref<1x16x128xf32, #tpu.memory_space<hbm>> -> memref<16x128xf32, #tpu.memory_space<hbm>>
        %dma_start3A_190 = arith.constant 9984 : i32
        %dma_start3A_191 = arith.constant 0 : i32
        %dma_start3A_192 = tpu.memref_slice %arg8[%dma_start3A_190, %dma_start3A_191] : memref<10000x128xf32, #tpu.memory_space<vmem_shared>> -> memref<16x128xf32, #tpu.memory_space<vmem_shared>>
        tpu.enqueue_dma source(%dma_start3A_192 : memref<16x128xf32, #tpu.memory_space<vmem_shared>>) target(%dma_start3A_189 : memref<16x128xf32, #tpu.memory_space<hbm>>) target_semaphore(%run_scoped3A_185 : memref<!tpu.dma_semaphore, #tpu.memory_space<semaphore_mem>>)
        %dma_wait3A_193 = arith.constant 9984 : i32
        %dma_wait3A_194 = arith.constant 0 : i32
        %dma_wait3A_195 = tpu.memref_slice %arg4[%arg0, %dma_wait3A_193, %dma_wait3A_194] : memref<2x10000x128xf32, #tpu.memory_space<hbm>> -> memref<1x16x128xf32, #tpu.memory_space<hbm>>
        %dma_wait3A_196 = tpu.memref_squeeze %dma_wait3A_195 : memref<1x16x128xf32, #tpu.memory_space<hbm>> -> memref<16x128xf32, #tpu.memory_space<hbm>>
        %dma_wait3A_197 = arith.constant 9984 : i32
        %dma_wait3A_198 = arith.constant 0 : i32
        %dma_wait3A_199 = tpu.memref_slice %arg8[%dma_wait3A_197, %dma_wait3A_198] : memref<10000x128xf32, #tpu.memory_space<vmem_shared>> -> memref<16x128xf32, #tpu.memory_space<vmem_shared>>
        tpu.wait_dma2 semaphore(%run_scoped3A_185 : memref<!tpu.dma_semaphore, #tpu.memory_space<semaphore_mem>>) src(%dma_wait3A_199 : memref<16x128xf32, #tpu.memory_space<vmem_shared>>) dst(%dma_wait3A_196 : memref<16x128xf32, #tpu.memory_space<hbm>>)
        tpu.yield
      }) : () -> ()
    } else {
    }
    return
  }
}

module attributes {stable_mosaic.version = 14 : i64} {
  func.func @_mm1_body(%arg0: i32, %arg1: memref<1000x256xf32, #tpu.memory_space<vmem>>, %arg2: memref<256x256xf32, #tpu.memory_space<vmem>>, %arg3: memref<1000x1xf32, #tpu.memory_space<vmem>>, %arg4: memref<2x1000x128xf32, #tpu.memory_space<vmem>>) attributes {dimension_semantics = [#tpu.dimension_semantics<arbitrary>], iteration_bounds = array<i64: 10>, scalar_prefetch = 0 : i64, scratch_operands = 0 : i64, tpu.core_type = #tpu.core_type<tc>, window_params = [{transform_indices = @transform_0, window_bounds = array<i64: 1000, 256>}, {pipeline_mode = #tpu.pipeline_mode<synchronous>, transform_indices = @transform_1, window_bounds = array<i64: 256, 256>}, {transform_indices = @transform_2, window_bounds = array<i64: 1000, 1>}, {transform_indices = @transform_3, window_bounds = array<i64: 2, 1000, 128>}]} {
    %get3A = arith.constant 0 : index
    %get3A_0 = arith.constant 0 : index
    %get3A_1 = vector.load %arg1[%get3A, %get3A_0] : memref<1000x256xf32, #tpu.memory_space<vmem>>, vector<1000x256xf32>
    %get3A_2 = arith.constant 0 : index
    %get3A_3 = arith.constant 0 : index
    %get3A_4 = vector.load %arg2[%get3A_2, %get3A_3] : memref<256x256xf32, #tpu.memory_space<vmem>>, vector<256x256xf32>
    %dot_general3A = arith.constant dense<0.000000e+00> : vector<1000x256xf32>
    %dot_general3A_5 = tpu.matmul %get3A_1, %get3A_4, %dot_general3A {dimension_numbers = #tpu.dot_dimension_numbers<[1], [0], [0], [1], [0, 0, 1, 1], [], []>, transpose_lhs_hint = false} : vector<1000x256xf32>, vector<256x256xf32>, vector<1000x256xf32> -> vector<1000x256xf32>
    %get3A_6 = arith.constant 0 : index
    %get3A_7 = arith.constant 0 : index
    %get3A_8 = vector.load %arg3[%get3A_6, %get3A_7] : memref<1000x1xf32, #tpu.memory_space<vmem>>, vector<1000x1xf32>
    %slice3A = vector.extract_strided_slice %dot_general3A_5 {offsets = [0, 0], sizes = [1000, 128], strides = [1, 1]} : vector<1000x256xf32> to vector<1000x128xf32>
    %mul3A = vector.broadcast %get3A_8 : vector<1000x1xf32> to vector<1000x128xf32>
    %mul3A_9 = arith.mulf %slice3A, %mul3A : vector<1000x128xf32>
    %swap3A = arith.constant 0 : index
    %swap3A_10 = arith.constant 0 : index
    %swap3A_11 = arith.constant 0 : index
    %swap3A_12 = vector.load %arg4[%swap3A, %swap3A_10, %swap3A_11] : memref<2x1000x128xf32, #tpu.memory_space<vmem>>, vector<1x1000x128xf32>
    %swap3A_13 = vector.shape_cast %swap3A_12 : vector<1x1000x128xf32> to vector<1000x128xf32>
    %swap3A_14 = vector.shape_cast %mul3A_9 : vector<1000x128xf32> to vector<1x1000x128xf32>
    tpu.vector_store %arg4[%swap3A, %swap3A_10, %swap3A_11], %swap3A_14 {strides = array<i32>} : memref<2x1000x128xf32, #tpu.memory_space<vmem>>, vector<1x1000x128xf32>,
    %slice3A_15 = vector.extract_strided_slice %dot_general3A_5 {offsets = [0, 128], sizes = [1000, 128], strides = [1, 1]} : vector<1000x256xf32> to vector<1000x128xf32>
    %mul3A_16 = vector.broadcast %get3A_8 : vector<1000x1xf32> to vector<1000x128xf32>
    %mul3A_17 = arith.mulf %slice3A_15, %mul3A_16 : vector<1000x128xf32>
    %swap3A_18 = arith.constant 1 : index
    %swap3A_19 = arith.constant 0 : index
    %swap3A_20 = arith.constant 0 : index
    %swap3A_21 = vector.load %arg4[%swap3A_18, %swap3A_19, %swap3A_20] : memref<2x1000x128xf32, #tpu.memory_space<vmem>>, vector<1x1000x128xf32>
    %swap3A_22 = vector.shape_cast %swap3A_21 : vector<1x1000x128xf32> to vector<1000x128xf32>
    %swap3A_23 = vector.shape_cast %mul3A_17 : vector<1000x128xf32> to vector<1x1000x128xf32>
    tpu.vector_store %arg4[%swap3A_18, %swap3A_19, %swap3A_20], %swap3A_23 {strides = array<i32>} : memref<2x1000x128xf32, #tpu.memory_space<vmem>>, vector<1x1000x128xf32>,
    return
  }
  func.func @transform_0(%arg0: i32) -> (i32, i32) {
    %c0_i32 = arith.constant 0 : i32
    %c0_i32_0 = arith.constant 0 : i32
    return %arg0, %c0_i32 : i32, i32
  }
  func.func @transform_1(%arg0: i32) -> (i32, i32) {
    %c0_i32 = arith.constant 0 : i32
    %c0_i32_0 = arith.constant 0 : i32
    %c0_i32_1 = arith.constant 0 : i32
    return %c0_i32, %c0_i32_0 : i32, i32
  }
  func.func @transform_2(%arg0: i32) -> (i32, i32) {
    %c0_i32 = arith.constant 0 : i32
    %c0_i32_0 = arith.constant 0 : i32
    return %arg0, %c0_i32 : i32, i32
  }
  func.func @transform_3(%arg0: i32) -> (i32, i32, i32) {
    %c0_i32 = arith.constant 0 : i32
    %c0_i32_0 = arith.constant 0 : i32
    %c0_i32_1 = arith.constant 0 : i32
    return %c0_i32, %arg0, %c0_i32_0 : i32, i32, i32
  }
}

module attributes {stable_mosaic.version = 14 : i64} {
  func.func @_dcol_body(%arg0: memref<32x10240xf32, #tpu.memory_space<vmem>>, %arg1: memref<10000x1xf32, #tpu.memory_space<vmem>>) attributes {dimension_semantics = [], scalar_prefetch = 0 : i64, scratch_operands = 0 : i64, tpu.core_type = #tpu.core_type<tc>} {
    %broadcast_in_dim3A = arith.constant 1.000000e+00 : f32
    %broadcast_in_dim3A_0 = vector.broadcast %broadcast_in_dim3A : f32 to vector<32x1xf32>
    %get3A = arith.constant 0 : index
    %get3A_1 = arith.constant 0 : index
    %get3A_2 = vector.load %arg0[%get3A, %get3A_1] : memref<32x10240xf32, #tpu.memory_space<vmem>>, vector<32x10240xf32>
    %dot_general3A = arith.constant dense<0.000000e+00> : vector<10240x1xf32>
    %dot_general3A_3 = tpu.matmul %get3A_2, %broadcast_in_dim3A_0, %dot_general3A {dimension_numbers = #tpu.dot_dimension_numbers<[0], [0], [1], [1], [0, 1, 1, 1], [], []>, transpose_lhs_hint = false} : vector<32x10240xf32>, vector<32x1xf32>, vector<10240x1xf32> -> vector<10240x1xf32>
    %slice3A = vector.extract_strided_slice %dot_general3A_3 {offsets = [0, 0], sizes = [10000, 1], strides = [1, 1]} : vector<10240x1xf32> to vector<10000x1xf32>
    %add3A = arith.constant 1.000000e+00 : f32
    %add3A_4 = vector.broadcast %add3A : f32 to vector<10000x1xf32>
    %add3A_5 = arith.addf %add3A_4, %slice3A : vector<10000x1xf32>
    %rsqrt3A = math.rsqrt %add3A_5 : vector<10000x1xf32>
    %swap3A = arith.constant 0 : index
    %swap3A_6 = arith.constant 0 : index
    %swap3A_7 = vector.load %arg1[%swap3A, %swap3A_6] : memref<10000x1xf32, #tpu.memory_space<vmem>>, vector<10000x1xf32>
    tpu.vector_store %arg1[%swap3A, %swap3A_6], %rsqrt3A {strides = array<i32>} : memref<10000x1xf32, #tpu.memory_space<vmem>>, vector<10000x1xf32>,
    return
  }
}

module attributes {stable_mosaic.version = 14 : i64} {
  func.func @_mid_body(%arg0: i32, %arg1: memref<2x1000x128xf32, #tpu.memory_space<vmem>>, %arg2: memref<1000x1xf32, #tpu.memory_space<vmem>>, %arg3: memref<1x256xf32, #tpu.memory_space<vmem>>, %arg4: memref<256x256xf32, #tpu.memory_space<vmem>>, %arg5: memref<2x1000x128xf32, #tpu.memory_space<vmem>>) attributes {dimension_semantics = [#tpu.dimension_semantics<arbitrary>], iteration_bounds = array<i64: 10>, scalar_prefetch = 0 : i64, scratch_operands = 0 : i64, tpu.core_type = #tpu.core_type<tc>, window_params = [{transform_indices = @transform_0, window_bounds = array<i64: 2, 1000, 128>}, {transform_indices = @transform_1, window_bounds = array<i64: 1000, 1>}, {pipeline_mode = #tpu.pipeline_mode<synchronous>, transform_indices = @transform_2, window_bounds = array<i64: 1, 256>}, {pipeline_mode = #tpu.pipeline_mode<synchronous>, transform_indices = @transform_3, window_bounds = array<i64: 256, 256>}, {transform_indices = @transform_4, window_bounds = array<i64: 2, 1000, 128>}]} {
    %get3A = arith.constant 0 : index
    %get3A_0 = arith.constant 0 : index
    %get3A_1 = vector.load %arg2[%get3A, %get3A_0] : memref<1000x1xf32, #tpu.memory_space<vmem>>, vector<1000x1xf32>
    %get3A_2 = arith.constant 0 : index
    %get3A_3 = arith.constant 0 : index
    %get3A_4 = arith.constant 0 : index
    %get3A_5 = vector.load %arg1[%get3A_2, %get3A_3, %get3A_4] : memref<2x1000x128xf32, #tpu.memory_space<vmem>>, vector<1x1000x128xf32>
    %get3A_6 = vector.shape_cast %get3A_5 : vector<1x1000x128xf32> to vector<1000x128xf32>
    %mul3A = vector.broadcast %get3A_1 : vector<1000x1xf32> to vector<1000x128xf32>
    %mul3A_7 = arith.mulf %get3A_6, %mul3A : vector<1000x128xf32>
    %get3A_8 = arith.constant 0 : index
    %get3A_9 = arith.constant 0 : index
    %get3A_10 = vector.load %arg3[%get3A_8, %get3A_9] : memref<1x256xf32, #tpu.memory_space<vmem>>, vector<1x128xf32>
    %get3A_11 = vector.shape_cast %get3A_10 : vector<1x128xf32> to vector<128xf32>
    %broadcast_in_dim3A = vector.shape_cast %get3A_11 : vector<128xf32> to vector<1x128xf32>
    %add3A = vector.broadcast %broadcast_in_dim3A : vector<1x128xf32> to vector<1000x128xf32>
    %add3A_12 = arith.addf %mul3A_7, %add3A : vector<1000x128xf32>
    %max3A = arith.constant 0.000000e+00 : f32
    %max3A_13 = vector.broadcast %max3A : f32 to vector<1000x128xf32>
    %max3A_14 = arith.maximumf %add3A_12, %max3A_13 : vector<1000x128xf32>
    %get3A_15 = arith.constant 1 : index
    %get3A_16 = arith.constant 0 : index
    %get3A_17 = arith.constant 0 : index
    %get3A_18 = vector.load %arg1[%get3A_15, %get3A_16, %get3A_17] : memref<2x1000x128xf32, #tpu.memory_space<vmem>>, vector<1x1000x128xf32>
    %get3A_19 = vector.shape_cast %get3A_18 : vector<1x1000x128xf32> to vector<1000x128xf32>
    %mul3A_20 = vector.broadcast %get3A_1 : vector<1000x1xf32> to vector<1000x128xf32>
    %mul3A_21 = arith.mulf %get3A_19, %mul3A_20 : vector<1000x128xf32>
    %get3A_22 = arith.constant 0 : index
    %get3A_23 = arith.constant 128 : index
    %get3A_24 = vector.load %arg3[%get3A_22, %get3A_23] : memref<1x256xf32, #tpu.memory_space<vmem>>, vector<1x128xf32>
    %get3A_25 = vector.shape_cast %get3A_24 : vector<1x128xf32> to vector<128xf32>
    %broadcast_in_dim3A_26 = vector.shape_cast %get3A_25 : vector<128xf32> to vector<1x128xf32>
    %add3A_27 = vector.broadcast %broadcast_in_dim3A_26 : vector<1x128xf32> to vector<1000x128xf32>
    %add3A_28 = arith.addf %mul3A_21, %add3A_27 : vector<1000x128xf32>
    %max3A_29 = arith.constant 0.000000e+00 : f32
    %max3A_30 = vector.broadcast %max3A_29 : f32 to vector<1000x128xf32>
    %max3A_31 = arith.maximumf %add3A_28, %max3A_30 : vector<1000x128xf32>
    %concatenate3A = tpu.concatenate %max3A_14, %max3A_31 in 1 : vector<1000x128xf32>, vector<1000x128xf32> -> vector<1000x256xf32>
    %get3A_32 = arith.constant 0 : index
    %get3A_33 = arith.constant 0 : index
    %get3A_34 = vector.load %arg4[%get3A_32, %get3A_33] : memref<256x256xf32, #tpu.memory_space<vmem>>, vector<256x256xf32>
    %dot_general3A = arith.constant dense<0.000000e+00> : vector<1000x256xf32>
    %dot_general3A_35 = tpu.matmul %concatenate3A, %get3A_34, %dot_general3A {dimension_numbers = #tpu.dot_dimension_numbers<[1], [0], [0], [1], [0, 0, 1, 1], [], []>, transpose_lhs_hint = false} : vector<1000x256xf32>, vector<256x256xf32>, vector<1000x256xf32> -> vector<1000x256xf32>
    %slice3A = vector.extract_strided_slice %dot_general3A_35 {offsets = [0, 0], sizes = [1000, 128], strides = [1, 1]} : vector<1000x256xf32> to vector<1000x128xf32>
    %mul3A_36 = vector.broadcast %get3A_1 : vector<1000x1xf32> to vector<1000x128xf32>
    %mul3A_37 = arith.mulf %slice3A, %mul3A_36 : vector<1000x128xf32>
    %swap3A = arith.constant 0 : index
    %swap3A_38 = arith.constant 0 : index
    %swap3A_39 = arith.constant 0 : index
    %swap3A_40 = vector.load %arg5[%swap3A, %swap3A_38, %swap3A_39] : memref<2x1000x128xf32, #tpu.memory_space<vmem>>, vector<1x1000x128xf32>
    %swap3A_41 = vector.shape_cast %swap3A_40 : vector<1x1000x128xf32> to vector<1000x128xf32>
    %swap3A_42 = vector.shape_cast %mul3A_37 : vector<1000x128xf32> to vector<1x1000x128xf32>
    tpu.vector_store %arg5[%swap3A, %swap3A_38, %swap3A_39], %swap3A_42 {strides = array<i32>} : memref<2x1000x128xf32, #tpu.memory_space<vmem>>, vector<1x1000x128xf32>,
    %slice3A_43 = vector.extract_strided_slice %dot_general3A_35 {offsets = [0, 128], sizes = [1000, 128], strides = [1, 1]} : vector<1000x256xf32> to vector<1000x128xf32>
    %mul3A_44 = vector.broadcast %get3A_1 : vector<1000x1xf32> to vector<1000x128xf32>
    %mul3A_45 = arith.mulf %slice3A_43, %mul3A_44 : vector<1000x128xf32>
    %swap3A_46 = arith.constant 1 : index
    %swap3A_47 = arith.constant 0 : index
    %swap3A_48 = arith.constant 0 : index
    %swap3A_49 = vector.load %arg5[%swap3A_46, %swap3A_47, %swap3A_48] : memref<2x1000x128xf32, #tpu.memory_space<vmem>>, vector<1x1000x128xf32>
    %swap3A_50 = vector.shape_cast %swap3A_49 : vector<1x1000x128xf32> to vector<1000x128xf32>
    %swap3A_51 = vector.shape_cast %mul3A_45 : vector<1000x128xf32> to vector<1x1000x128xf32>
    tpu.vector_store %arg5[%swap3A_46, %swap3A_47, %swap3A_48], %swap3A_51 {strides = array<i32>} : memref<2x1000x128xf32, #tpu.memory_space<vmem>>, vector<1x1000x128xf32>,
    return
  }
  func.func @transform_0(%arg0: i32) -> (i32, i32, i32) {
    %c0_i32 = arith.constant 0 : i32
    %c0_i32_0 = arith.constant 0 : i32
    %c0_i32_1 = arith.constant 0 : i32
    return %c0_i32, %arg0, %c0_i32_0 : i32, i32, i32
  }
  func.func @transform_1(%arg0: i32) -> (i32, i32) {
    %c0_i32 = arith.constant 0 : i32
    %c0_i32_0 = arith.constant 0 : i32
    return %arg0, %c0_i32 : i32, i32
  }
  func.func @transform_2(%arg0: i32) -> (i32, i32) {
    %c0_i32 = arith.constant 0 : i32
    %c0_i32_0 = arith.constant 0 : i32
    %c0_i32_1 = arith.constant 0 : i32
    return %c0_i32, %c0_i32_0 : i32, i32
  }
  func.func @transform_3(%arg0: i32) -> (i32, i32) {
    %c0_i32 = arith.constant 0 : i32
    %c0_i32_0 = arith.constant 0 : i32
    %c0_i32_1 = arith.constant 0 : i32
    return %c0_i32, %c0_i32_0 : i32, i32
  }
  func.func @transform_4(%arg0: i32) -> (i32, i32, i32) {
    %c0_i32 = arith.constant 0 : i32
    %c0_i32_0 = arith.constant 0 : i32
    %c0_i32_1 = arith.constant 0 : i32
    return %c0_i32, %arg0, %c0_i32_0 : i32, i32, i32
  }
}

module attributes {stable_mosaic.version = 14 : i64} {
  func.func @_fin_body(%arg0: i32, %arg1: memref<2x1000x128xf32, #tpu.memory_space<vmem>>, %arg2: memref<1000x1xf32, #tpu.memory_space<vmem>>, %arg3: memref<1x256xf32, #tpu.memory_space<vmem>>, %arg4: memref<512x1xf32, #tpu.memory_space<vmem>>, %arg5: memref<1x256xf32, #tpu.memory_space<vmem>>, %arg6: memref<1x1xf32, #tpu.memory_space<vmem>>, %arg7: memref<1000x1xf32, #tpu.memory_space<vmem>>) attributes {dimension_semantics = [#tpu.dimension_semantics<arbitrary>], iteration_bounds = array<i64: 10>, scalar_prefetch = 0 : i64, scratch_operands = 0 : i64, tpu.core_type = #tpu.core_type<tc>, window_params = [{transform_indices = @transform_0, window_bounds = array<i64: 2, 1000, 128>}, {transform_indices = @transform_1, window_bounds = array<i64: 1000, 1>}, {pipeline_mode = #tpu.pipeline_mode<synchronous>, transform_indices = @transform_2, window_bounds = array<i64: 1, 256>}, {pipeline_mode = #tpu.pipeline_mode<synchronous>, transform_indices = @transform_3, window_bounds = array<i64: 512, 1>}, {pipeline_mode = #tpu.pipeline_mode<synchronous>, transform_indices = @transform_4, window_bounds = array<i64: 1, 256>}, {pipeline_mode = #tpu.pipeline_mode<synchronous>, transform_indices = @transform_5, window_bounds = array<i64: 1, 1>}, {transform_indices = @transform_6, window_bounds = array<i64: 1000, 1>}]} {
    %get3A = arith.constant 0 : index
    %get3A_0 = arith.constant 0 : index
    %get3A_1 = vector.load %arg2[%get3A, %get3A_0] : memref<1000x1xf32, #tpu.memory_space<vmem>>, vector<1000x1xf32>
    %get3A_2 = arith.constant 0 : index
    %get3A_3 = arith.constant 0 : index
    %get3A_4 = arith.constant 0 : index
    %get3A_5 = vector.load %arg1[%get3A_2, %get3A_3, %get3A_4] : memref<2x1000x128xf32, #tpu.memory_space<vmem>>, vector<1x1000x128xf32>
    %get3A_6 = vector.shape_cast %get3A_5 : vector<1x1000x128xf32> to vector<1000x128xf32>
    %mul3A = vector.broadcast %get3A_1 : vector<1000x1xf32> to vector<1000x128xf32>
    %mul3A_7 = arith.mulf %get3A_6, %mul3A : vector<1000x128xf32>
    %get3A_8 = arith.constant 0 : index
    %get3A_9 = arith.constant 0 : index
    %get3A_10 = vector.load %arg3[%get3A_8, %get3A_9] : memref<1x256xf32, #tpu.memory_space<vmem>>, vector<1x128xf32>
    %get3A_11 = vector.shape_cast %get3A_10 : vector<1x128xf32> to vector<128xf32>
    %broadcast_in_dim3A = vector.shape_cast %get3A_11 : vector<128xf32> to vector<1x128xf32>
    %add3A = vector.broadcast %broadcast_in_dim3A : vector<1x128xf32> to vector<1000x128xf32>
    %add3A_12 = arith.addf %mul3A_7, %add3A : vector<1000x128xf32>
    %max3A = arith.constant 0.000000e+00 : f32
    %max3A_13 = vector.broadcast %max3A : f32 to vector<1000x128xf32>
    %max3A_14 = arith.maximumf %add3A_12, %max3A_13 : vector<1000x128xf32>
    %get3A_15 = arith.constant 1 : index
    %get3A_16 = arith.constant 0 : index
    %get3A_17 = arith.constant 0 : index
    %get3A_18 = vector.load %arg1[%get3A_15, %get3A_16, %get3A_17] : memref<2x1000x128xf32, #tpu.memory_space<vmem>>, vector<1x1000x128xf32>
    %get3A_19 = vector.shape_cast %get3A_18 : vector<1x1000x128xf32> to vector<1000x128xf32>
    %mul3A_20 = vector.broadcast %get3A_1 : vector<1000x1xf32> to vector<1000x128xf32>
    %mul3A_21 = arith.mulf %get3A_19, %mul3A_20 : vector<1000x128xf32>
    %get3A_22 = arith.constant 0 : index
    %get3A_23 = arith.constant 128 : index
    %get3A_24 = vector.load %arg3[%get3A_22, %get3A_23] : memref<1x256xf32, #tpu.memory_space<vmem>>, vector<1x128xf32>
    %get3A_25 = vector.shape_cast %get3A_24 : vector<1x128xf32> to vector<128xf32>
    %broadcast_in_dim3A_26 = vector.shape_cast %get3A_25 : vector<128xf32> to vector<1x128xf32>
    %add3A_27 = vector.broadcast %broadcast_in_dim3A_26 : vector<1x128xf32> to vector<1000x128xf32>
    %add3A_28 = arith.addf %mul3A_21, %add3A_27 : vector<1000x128xf32>
    %max3A_29 = arith.constant 0.000000e+00 : f32
    %max3A_30 = vector.broadcast %max3A_29 : f32 to vector<1000x128xf32>
    %max3A_31 = arith.maximumf %add3A_28, %max3A_30 : vector<1000x128xf32>
    %concatenate3A = tpu.concatenate %max3A_14, %max3A_31 in 1 : vector<1000x128xf32>, vector<1000x128xf32> -> vector<1000x256xf32>
    %get3A_32 = arith.constant 0 : index
    %get3A_33 = arith.constant 0 : index
    %get3A_34 = vector.load %arg4[%get3A_32, %get3A_33] : memref<512x1xf32, #tpu.memory_space<vmem>>, vector<256x1xf32>
    %dot_general3A = arith.constant dense<0.000000e+00> : vector<1000x1xf32>
    %dot_general3A_35 = tpu.matmul %concatenate3A, %get3A_34, %dot_general3A {dimension_numbers = #tpu.dot_dimension_numbers<[1], [0], [0], [1], [0, 0, 1, 1], [], []>, transpose_lhs_hint = false} : vector<1000x256xf32>, vector<256x1xf32>, vector<1000x1xf32> -> vector<1000x1xf32>
    %get3A_36 = arith.constant 0 : index
    %get3A_37 = arith.constant 0 : index
    %get3A_38 = vector.load %arg5[%get3A_36, %get3A_37] : memref<1x256xf32, #tpu.memory_space<vmem>>, vector<1x256xf32>
    %get3A_39 = arith.constant 256 : index
    %get3A_40 = arith.constant 0 : index
    %get3A_41 = vector.load %arg4[%get3A_39, %get3A_40] : memref<512x1xf32, #tpu.memory_space<vmem>>, vector<256x1xf32>
    %dot_general3A_42 = arith.constant dense<0.000000e+00> : vector<1x1xf32>
    %dot_general3A_43 = tpu.matmul %get3A_38, %get3A_41, %dot_general3A_42 {dimension_numbers = #tpu.dot_dimension_numbers<[1], [0], [0], [1], [0, 0, 1, 1], [], []>, transpose_lhs_hint = false} : vector<1x256xf32>, vector<256x1xf32>, vector<1x1xf32> -> vector<1x1xf32>
    %squeeze3A = vector.extract %dot_general3A_43[0, 0] : f32 from vector<1x1xf32>
    %get3A_44 = arith.constant 0 : index
    %get3A_45 = arith.constant 0 : index
    %get3A_46 = vector.load %arg6[%get3A_44, %get3A_45] : memref<1x1xf32, #tpu.memory_space<vmem>>, vector<1x1xf32>
    %get3A_47 = vector.extract %get3A_46[0, 0] : f32 from vector<1x1xf32>
    %add3A_48 = arith.addf %squeeze3A, %get3A_47 : f32
    %add3A_49 = vector.broadcast %add3A_48 : f32 to vector<1000x1xf32>
    %add3A_50 = arith.addf %dot_general3A_35, %add3A_49 : vector<1000x1xf32>
    %swap3A = arith.constant 0 : index
    %swap3A_51 = arith.constant 0 : index
    %swap3A_52 = vector.load %arg7[%swap3A, %swap3A_51] : memref<1000x1xf32, #tpu.memory_space<vmem>>, vector<1000x1xf32>
    tpu.vector_store %arg7[%swap3A, %swap3A_51], %add3A_50 {strides = array<i32>} : memref<1000x1xf32, #tpu.memory_space<vmem>>, vector<1000x1xf32>,
    return
  }
  func.func @transform_0(%arg0: i32) -> (i32, i32, i32) {
    %c0_i32 = arith.constant 0 : i32
    %c0_i32_0 = arith.constant 0 : i32
    %c0_i32_1 = arith.constant 0 : i32
    return %c0_i32, %arg0, %c0_i32_0 : i32, i32, i32
  }
  func.func @transform_1(%arg0: i32) -> (i32, i32) {
    %c0_i32 = arith.constant 0 : i32
    %c0_i32_0 = arith.constant 0 : i32
    return %arg0, %c0_i32 : i32, i32
  }
  func.func @transform_2(%arg0: i32) -> (i32, i32) {
    %c0_i32 = arith.constant 0 : i32
    %c0_i32_0 = arith.constant 0 : i32
    %c0_i32_1 = arith.constant 0 : i32
    return %c0_i32, %c0_i32_0 : i32, i32
  }
  func.func @transform_3(%arg0: i32) -> (i32, i32) {
    %c0_i32 = arith.constant 0 : i32
    %c0_i32_0 = arith.constant 0 : i32
    %c0_i32_1 = arith.constant 0 : i32
    return %c0_i32, %c0_i32_0 : i32, i32
  }
  func.func @transform_4(%arg0: i32) -> (i32, i32) {
    %c0_i32 = arith.constant 0 : i32
    %c0_i32_0 = arith.constant 0 : i32
    %c0_i32_1 = arith.constant 0 : i32
    return %c0_i32, %c0_i32_0 : i32, i32
  }
  func.func @transform_5(%arg0: i32) -> (i32, i32) {
    %c0_i32 = arith.constant 0 : i32
    %c0_i32_0 = arith.constant 0 : i32
    %c0_i32_1 = arith.constant 0 : i32
    return %c0_i32, %c0_i32_0 : i32, i32
  }
  func.func @transform_6(%arg0: i32) -> (i32, i32) {
    %c0_i32 = arith.constant 0 : i32
    %c0_i32_0 = arith.constant 0 : i32
    return %arg0, %c0_i32 : i32, i32
  }
}

</mosaic_0001>

<sc_bundles>
// kernel: kernel.12.cloned.1.call-start
scs
__scs_entry_jumppad:
0x0: {  	(pc) =	sbr.rel $0x88, $3  }
0x1: {  	(tag) =	ssettag $0x0;
	lr =	simm.s32 $0x1  }
0x2: {  	[smem:$0x3F98] =	sst lr;
	_ =	strace $0xD0000000  }
0x3: {  	_ = 	snop  }
0x4: {  	_ = 	snop  }
0x5: {  	_ = 	snop  }
0x6: {  	_ = 	snop  }
0x7: {  	_ = 	snop  }
__scs_overlays_trampoline_lowered:
0x8: {  	[smem:$0x3FA7] =	sst s0  }
0x9: {  	[smem:$0x3FA8] =	sst s1  }
0xa: {  	[smem:$0x3FA9] =	sst s2  }
0xb: {  	[smem:$0x3FAA] =	sst s3  }
0xc: {  	[smem:$0x3FAB] =	sst s4  }
0xd: {  	[smem:$0x3FAC] =	sst s5  }
0xe: {  	[smem:$0x3FAD] =	sst s6  }
0xf: {  	[smem:$0x3FAE] =	sst s7  }
0x10: {  	[smem:$0x3FAF] =	sst s8  }
0x11: {  	[smem:$0x3FB0] =	sst s9;
	s0 =	simm.s32 @!p0 $0x0  }
0x12: {  	s1 =	sld [smem:$0x3F96];
	s0 =	simm.s32 @p0 $0x1  }
0x13: {  	[smem:$0x3FB1] =	sst s0;
	s0 =	simm.s32 @!p1 $0x0  }
0x14: {  	s2 =	sld [smem:$0x3F95];
	s0 =	simm.s32 @p1 $0x1  }
0x15: {  	[smem:$0x3FB2] =	sst s0;
	s0 =	simm.s32 @!p2 $0x0  }
0x16: {  	s3 =	sld [smem:$0x3FDB];
	s0 =	simm.s32 @p2 $0x1  }
0x17: {  	s4 =	simm.s32 $0x1BF5;
	[smem:$0x3FB4] =	sst s0  }
0x18: {  	s0 =	sld [smem:$0x3F97];
	_ =	swait.ge [sflag:s4], $0x0  }
0x19: {  	s7 =	sld [smem:$0x3F98]  }
0x1a: {  	s8 =	sadd.s32 $0xFFFFE003, lr  }
0x1b: {  	s9 =	sadd.s32 $0xFFFFFEF7, lr;
	s5 =	simm.s32 $0xFFFFFFFF;
	p2 =	slt.u32 s8, $0xFFFFF086  }
0x1c: {  	p1 =	slt.u32 s9, $0xF7A;
	s5 =	simm.s32 @!p2 $0x0  }
0x1d: {  	s5 =	simm.s32 @p1 $0x1;
	p0 =	seq.s32 s7, s2  }
0x1e: {  	s7 =	smul.u32 @!p0 $0xF7A, s2;
	p2 =	seq.s32 @!p0 s5, $0x0  }
0x1f: {  	s9 =	smul.u32 $0xF7A, s1;
	s8 =	simm.s32 @!p0 $0x1BF5;
	p2 =	por !p2, p0  }
0x20: {  	[sflag:s8] =	ssyncset.s32 @!p0 $0xFFFFF086;
	s6 =	sadd.s32 @!p0 s3, s7;
	s7 =	simm.s32 @!p0 $0x108  }
0x21: {  	s3 =	sadd.s32 s3, s9;
	s6 =	sadd.s32 @!p0 $0x88, s6;
	s7 =	simm.s32 @p2 $0x1082  }
0x22: {  	[simem:s7], [sflag:s8] =	dma.local @!p0 [hbm:s6], $0xF7A  }
0x23: {  	s9 =	sor.u32 $0xD0000000, s2;
	s6 =	simm.s32 $0x108;
	_ =	swait.ge @!p0 [sflag:s8], $0x0  }
0x24: {  	s3 =	sadd.s32 $0x88, s3;
	s6 =	simm.s32 @!p1 $0x1082;
	[sflag:s4] =	ssyncset.s32 $0xFFFFF086  }
0x25: {  	[simem:s6], [sflag:s4] =	dma.local [hbm:s3], $0xF7A  }
0x26: {  	[smem:$0x3F98] =	sst s1;
	(tag) =	ssettag s2;
	_ =	strace s9  }
0x27: {  	s1 =	sld [smem:$0x3FA8]  }
0x28: {  	s2 =	sld [smem:$0x3FA9]  }
0x29: {  	s4 =	sld [smem:$0x3FAB]  }
0x2a: {  	p0 =	seq.s32 s5, $0x0;
	s5 =	sld [smem:$0x3FAC]  }
0x2b: {  	s6 =	sld [smem:$0x3FAD]  }
0x2c: {  	s7 =	sld [smem:$0x3FAE]  }
0x2d: {  	s3 =	simm.s32 $0x108;
	s8 =	sld [smem:$0x3FAF]  }
0x2e: {  	s3 =	simm.s32 @!p0 $0x1082;
	s9 =	sld [smem:$0x3FB0]  }
0x2f: {  	lr =	sadd.s32 s0, s3;
	s0 =	sld [smem:$0x3FA7]  }
0x30: {  	s3 =	sld [smem:$0x3FAA]  }
0x31: {  	[smem:$0x3FB3] =	sst s10  }
0x32: {  	s10 =	sld [smem:$0x3FB1];
	_ =	sdelay $0x3  }
0x33: {  	p0 =	seq.s32 s10, $0x1;
	s10 =	sld [smem:$0x3FB3];
	_ =	sdelay $0x3  }
0x34: {  	[smem:$0x3FB3] =	sst s10  }
0x35: {  	s10 =	sld [smem:$0x3FB2];
	_ =	sdelay $0x3  }
0x36: {  	p1 =	seq.s32 s10, $0x1;
	s10 =	sld [smem:$0x3FB3];
	_ =	sdelay $0x3  }
0x37: {  	[smem:$0x3FB3] =	sst s10  }
0x38: {  	s10 =	sld [smem:$0x3FB4]  }
0x39: {  	_ = 	snop;
	(pc) =	sbr.ind lr, $3  }
0x3a: {  	_ = 	snop  }
0x3b: {  	_ = 	snop  }
0x3c: {  	p2 =	seq.s32 s10, $0x1;
	s10 =	sld [smem:$0x3FB3]  }
0x3d: {  	_ =	shalt  }
0x3e: {  	_ =	shalt  }
0x3f: {  	_ =	shalt  }
0x40: {  	_ =	shalt  }
0x41: {  	_ =	shalt  }
0x42: {  	_ =	shalt  }
0x43: {  	_ =	shalt  }
0x44: {  	_ =	shalt  }
0x45: {  	_ =	shalt  }
0x46: {  	_ =	shalt  }
0x47: {  	_ =	shalt  }
0x48: {  	_ =	shalt  }
0x49: {  	_ =	shalt  }
0x4a: {  	_ =	shalt  }
0x4b: {  	_ =	shalt  }
0x4c: {  	_ =	shalt  }
0x4d: {  	_ =	shalt  }
0x4e: {  	_ =	shalt  }
0x4f: {  	_ =	shalt  }
0x50: {  	_ =	shalt  }
0x51: {  	_ =	shalt  }
0x52: {  	_ =	shalt  }
0x53: {  	_ =	shalt  }
0x54: {  	_ =	shalt  }
0x55: {  	_ =	shalt  }
0x56: {  	_ =	shalt  }
0x57: {  	_ =	shalt  }
0x58: {  	_ =	shalt  }
0x59: {  	_ =	shalt  }
0x5a: {  	_ =	shalt  }
0x5b: {  	_ =	shalt  }
0x5c: {  	_ =	shalt  }
0x5d: {  	_ =	shalt  }
0x5e: {  	_ =	shalt  }
0x5f: {  	_ =	shalt  }
0x60: {  	_ =	shalt  }
0x61: {  	_ =	shalt  }
0x62: {  	_ =	shalt  }
0x63: {  	_ =	shalt  }
0x64: {  	_ =	shalt  }
0x65: {  	_ =	shalt  }
0x66: {  	_ =	shalt  }
0x67: {  	_ =	shalt  }
0x68: {  	_ =	shalt  }
0x69: {  	_ =	shalt  }
0x6a: {  	_ =	shalt  }
0x6b: {  	_ =	shalt  }
0x6c: {  	_ =	shalt  }
0x6d: {  	_ =	shalt  }
0x6e: {  	_ =	shalt  }
0x6f: {  	_ =	shalt  }
0x70: {  	_ =	shalt  }
0x71: {  	_ =	shalt  }
0x72: {  	_ =	shalt  }
0x73: {  	_ =	shalt  }
0x74: {  	_ =	shalt  }
0x75: {  	_ =	shalt  }
0x76: {  	_ =	shalt  }
0x77: {  	_ =	shalt  }
0x78: {  	_ =	shalt  }
0x79: {  	_ =	shalt  }
0x7a: {  	_ =	shalt  }
0x7b: {  	_ =	shalt  }
0x7c: {  	_ =	shalt  }
0x7d: {  	_ =	shalt  }
0x7e: {  	_ =	shalt  }
0x7f: {  	_ =	shalt  }
0x80: {  	_ =	shalt  }
0x81: {  	_ =	shalt  }
0x82: {  	_ =	shalt  }
0x83: {  	_ =	shalt  }
0x84: {  	_ =	shalt  }
0x85: {  	_ =	shalt  }
0x86: {  	_ =	shalt  }
0x87: {  	_ =	shalt  }
.Lfunc_end0:
.L_simem_size_0:
called_computation.1_lowered:
.L_overlay_start_0:
0x88: {  	s2 =	sld [smem:$0x3FD9]  }
0x89: {  	s3 =	sld [smem:$0x3FFE];
	_ =	sdelay $0x1  }
0x8a: {  	s1 =	srdreg.scid  }
0x8b: {  	s0 =	sand.u32 $0x1, s1  }
0x8c: {  	s16 =	sshll.u32 s0, $0xA;
	s2 =	sadd.s32 s3, s2  }
0x8d: {  	s2 =	sadd.s32 s2, s16  }
0x8e: {  	[smem:$0x3FBF] =	sst s2  }
0x8f: {  	_ = 	snop  }
0x90: {  	(tm) =	ssettm $0x1  }
0x91: {  	s17 =	sld [smem:$0x3FFB];
	_ =	sdelay $0x3  }
0x92: {  	_ =	strace s17  }
0x93: {  	s2 =	sld [smem:$0x3FFC];
	_ =	sdelay $0x3  }
0x94: {  	_ =	strace s2  }
0x95: {  	s2 =	sld [smem:$0x3FFD];
	_ =	sdelay $0x3  }
0x96: {  	_ =	strace s2  }
0x97: {  	_ =	strace $0x8FFFFFFF  }
0x98: {  	s18 =	sld [smem:$0x3FDB];
	_ =	sdelay $0x1  }
0x99: {  	s19 =	simm.s32 $_scs_section_size  }
0x9a: {  	s4 =	simm.s32 $_size__tile_overlayer_lowered;
	s5 =	simm.s32 $_tile_overlayer_lowered  }
0x9b: {  	s22 =	simm.s32 $0x1BFF;
	s21 =	sshll.u32 s5, $0x1;
	s2 =	sadd.s32 s19, s18  }
0x9c: {  	s6 =	simm.s32 $0x0;
	s20 =	sshll.u32 s4, $0x1;
	s4 =	sadd.s32 s21, s2  }
0x9d: {  	[timem:s6], [sflag:s22] =	dma.local [hbm:s4], s20  }
0x9e: {  	_ =	swait.ge [sflag:s22], s20  }
0x9f: {  	s3 =	ssub.s32 $0x0, s20;
	[sflag:s22] =	ssyncset.done $0x0  }
0xa0: {  	[sflag:s22] =	ssyncadd.s32 s3;
	_ =	sdelay $0x1  }
0xa1: {  	s23 =	simm.s32 $0x1B8B  }
0xa2: {  	_ =	swait.ge [sflag:s23], $0x1  }
0xa3: {  	[sflag:s23] =	ssyncset.done $0x0  }
0xa4: {  	s25 =	simm.s32 $0x1B8E;
	s24 =	sld [smem:$0x3FFE];
	[sflag:s23] =	ssyncadd.s32 $0xFFFFFFFF  }
0xa5: {  	s26 =	simm.s32 $execute0_lowered;
	[smem:$0x3FD2] =	sst s25  }
0xa6: {  	s4 =	sshll.u32 s26, $0x1;
	_ =	strace $0x80000049;
	[dreg:$0x1] =	wrdreg $0xFFFFFFFF  }
0xa7: {  	s28 =	simm.s32 $_size_execute0_lowered;
	s2 =	sadd.s32 s2, s4;
	[dreg:$0x0] =	wrdreg $0x0  }
0xa8: {  	s4 =	sshll.u32 s28, $0x1;
	[dreg:$0x2] =	wrdreg s2  }
0xa9: {  	[dreg:$0x3] =	wrdreg s4  }
0xaa: {  	[dreg:$0x4] =	wrdreg $0xC0  }
0xab: {  	_ =	task [dreg:s6], $0x5FFFF  }
0xac: {  	[dreg:$0x1] =	wrdreg $0xFFFFFFFF  }
0xad: {  	[dreg:$0x0] =	wrdreg $0x60  }
0xae: {  	[dreg:$0x2] =	wrdreg s24  }
0xaf: {  	[dreg:$0x3] =	wrdreg $0xA8000  }
0xb0: {  	[dreg:$0x4] =	wrdreg $0x9  }
0xb1: {  	_ =	task.clear_ibuf [dreg:s6], $0x5FFFF;
	_ =	strace $0x90000049  }
0xb2: {  	s29 =	simm.s32 $0x9;
	_ =	strace $0x8000004B  }
0xb3: {  	_ =	swait.ge [sflag:s29], $0x1  }
0xb4: {  	[sflag:s29] =	ssyncadd.s32 $0xFFFFFFFF  }
0xb5: {  	_ =	strace $0x9000004B  }
0xb6: {  	_ =	sfence  }
0xb7: {  	s30 =	sld [smem:$0x0];
	_ =	sdelay $0x2  }
0xb8: {  	s31 =	sshll.u32 s1, $0xD;
	s1 =	sshrl.u32 s1, $0x2  }
0xb9: {  	s3 =	sand.u32 $0x4000, s31;
	s1 =	sadd.s32 s1, s30  }
0xba: {  	s0 =	sor.u32 s3, s0;
	s1 =	sshll.u32 s1, $0x11  }
0xbb: {  	s0 =	sor.u32 s1, s0  }
0xbc: {  	s0 =	sadd.s32 $0x8F2B, s0  }
0xbd: {  	[sflag:s0] =	ssyncadd.remote.s32 $0x1  }
0xbe: {  	_ =	sfence.sel $0xFFFF  }
0xbf: {  	[dreg:$0x0] =	wrdreg $0xFFFFFFFF;
	(pc) =	sbr.abs _section_cstart, $3  }
0xc0: {  	[dreg:$0x1] =	wrdreg $0xFFFFFFFF  }
0xc1: {  	_ =	task.clear_ibuf [dreg:s6], $0x2FFFF;
	_ =	strace $0x9FFFFFFF  }
0xc2: {  	(tm) =	ssettm $0x7FFFFFFF  }
0xc3: {  	_ =	shalt  }
tec
execute0_lowered:
.L_overlay_start_1:
0x0: {  	(tag) =	ssettag $0x1  }
0x1: {  	s4 =	rddreg [dreg:$0x0];
	s0 =	srdreg.scid  }
0x2: {  	s1 =	rddreg [dreg:$0x1];
	s3 =	simm.s32 $0x0;
	s2 =	stileid.u32  }
0x3: {  	s20 =	simm.s32 $0x1;
	s21 =	simm.s32 $0x7D;
	s22 =	simm.s32 $0x2800  }
0x4: {  	s23 =	simm.s32 $0x80;
	s24 =	simm.s32 $0x6800;
	s25 =	simm.s32 $0x2  }
0x5: {  	s26 =	simm.s32 $0x2700;
	s28 =	simm.s32 $0x2780;
	s6 =	smul.u32 $0x2800, s2  }
0x6: {  	s29 =	simm.s32 $0x0;
	s5 =	sand.u32 $0x1, s0;
	s7 =	smul.u32 $0x4E000, s2  }
0x7: {  	[smem:$0x7FF] =	sst s3;
	s13 =	smul.u32 $0x13800, s2;
	s15 =	sadd.s32 $0x6E000, s4  }
0x8: {  	s18 =	sadd.s32 $0x138000, s1;
	p0 =	sne.s32 s2, $0xF;
	s11 =	smul.u32 $0x138800, s5  }
0x9: {  	_ =	strace $0x8000004A;
	s5 =	ssub.s32 $0x2, s5;
	s6 =	sshrl.u32 s6, $0x3  }
0xa: {  	s9 =	sshrl.u32 s5, $0x1;
	s30 =	sshrl.u32 s7, $0x2;
	s31 =	sshrl.u32 s13, $0x3  }
0xb: {  	s12 =	sshrl.u32 s11, $0x3;
	s14 =	sadd.s32 s6, s4;
	s16 =	ssub.s32 s5, s9  }
0xc: {  	s17 =	sadd.s32 s30, s1;
	s6 =	sshll.u32 s2, $0x6;
	s13 =	sadd.s32 s13, s11  }
0xd: {  	s8 =	sadd.s32 s12, s4;
	s7 =	sor.u32 $0x1C01, s6;
	s9 =	sadd.s32 $0x15E00, s14  }
0xe: {  	s10 =	sadd.s32 $0x1AE00, s14;
	s11 =	sadd.s32 $0x16080, s14;
	s13 =	sshrl.u32 s13, $0x3  }
0xf: {  	s19 =	sadd.s32 s15, s12;
	s12 =	sadd.s32 $0x1B080, s14;
	s4 =	sadd.s32 $0x1FE00, s8  }
0x10: {  	s8 =	sadd.s32 $0x46E00, s8;
	s13 =	sadd.s32 s15, s13;
	s14 =	sadd.s32 $0x27000, s19  }
0x11: {  	s15 =	smax.u32 s16, $0x1;
	s16 =	sshrl.u32 s17, $0x3;
	s17 =	sshrl.u32 @!p0 s18, $0x3  }
0x12: {  	s18 =	simm.s32 $0x3;
	s19 =	simm.s32 $0x1400;
	s5 =	sadd.s32 s31, s4  }
.LBB2_1:
0x13: {  	[spmem:s16], [sflag:s7] =	dma.local [hbm:s5], $0x2700  }
0x14: {  	s30 =	simm.s32 @!p0 $0x1FC3  }
0x15: {  	[spmem:s17], [sflag:s30] =	dma.local @!p0 [hbm:s8], $0x100  }
0x16: {  	s30 =	simm.s32 @!p0 $0x3  }
0x17: {  	_ =	swait.ge @!p0 [sflag:s30], $0x100  }
0x18: {  	[sflag:s30] =	ssyncset.done @!p0 $0x0  }
0x19: {  	[sflag:s30] =	ssyncadd.s32 @!p0 $0xFFFFFF00  }
0x1a: {  	[tilespmem:s3], [sflag:$0x3] =	stream.linear.gather [hbm4b:s9+s3], $0x1400, $0x38;
	[tilespmem:$0x1E080] =	vst v63  }
0x1b: {  	_ =	swait.ge [sflag:s18], $0x1400  }
0x1c: {  	[sflag:s18] =	ssyncset.done $0x0  }
0x1d: {  	[sflag:s18] =	ssyncadd.s32 $0xFFFFEC00  }
0x1e: {  	[tilespmem:s19], [sflag:$0x3] =	stream.linear.gather [hbm4b:s10+s3], $0x1400, $0x38;
	[tilespmem:$0x1E080] =	vst v63  }
0x1f: {  	_ =	swait.ge [sflag:s18], $0x1400  }
0x20: {  	[sflag:s18] =	ssyncset.done $0x0  }
0x21: {  	[sflag:s18] =	ssyncadd.s32 $0xFFFFEC00  }
0x22: {  	_ =	swait.ge [sflag:s20], $0x2700  }
0x23: {  	[sflag:s20] =	ssyncset.done $0x0  }
0x24: {  	[sflag:s20] =	ssyncadd.s32 $0xFFFFD900  }
0x25: {  	[tilespmem:s22], [sflag:$0x1] =	stream.indirect.gather [hbm4b:s4+s21], $0x80, s3, s21, $0xb8;
	[tilespmem:$0x1E080] =	vst v63  }
0x26: {  	_ = 	snop  }
0x27: {  	[tilespmem:s24], [sflag:$0x2] =	stream.indirect.gather [hbm4b:s4+s21], $0x80, s23, s21, $0xb8;
	[tilespmem:$0x1E080] =	vst v63  }
0x28: {  	[bflag:$0x0] =	sbarrier.arrive $0xFFFF  }
0x29: {  	_ =	swait.ge [sflag:s20], $0x3E80  }
0x2a: {  	[sflag:s20] =	ssyncset.done $0x0  }
0x2b: {  	s30 =	simm.s32 $0x1400;
	[sflag:s20] =	ssyncadd.s32 $0xFFFFC180  }
0x2c: {  	[spmem:s1] =	stream.indirect.scatter.add.f32 [tilespmem:s22], [sflag:$0x3], $0x80, s30, s21, $0xb8;
	[tilespmem:$0x1E080] =	vst v63  }
0x2d: {  	_ =	swait.ge [sflag:s18], $0x3E80  }
0x2e: {  	[sflag:s18] =	ssyncset.done $0x0  }
0x2f: {  	s30 =	simm.s32 $0x100;
	[sflag:s18] =	ssyncadd.s32 $0xFFFFC180  }
0x30: {  	[tilespmem:s22], [sflag:$0x1] =	stream.indirect.gather [hbm4b:s4+s21], $0x80, s30, s21, $0xb8;
	[tilespmem:$0x1E080] =	vst v63  }
0x31: {  	_ =	swait.ge [sflag:s25], $0x3E80  }
0x32: {  	[sflag:s25] =	ssyncset.done $0x0  }
0x33: {  	s30 =	simm.s32 $0x1480;
	[sflag:s25] =	ssyncadd.s32 $0xFFFFC180  }
0x34: {  	[spmem:s1] =	stream.indirect.scatter.add.f32 [tilespmem:s24], [sflag:$0x3], $0x80, s30, s21, $0xb8;
	[tilespmem:$0x1E080] =	vst v63  }
0x35: {  	_ =	swait.ge [sflag:s18], $0x3E80  }
0x36: {  	[sflag:s18] =	ssyncset.done $0x0  }
0x37: {  	s31 =	simm.s32 $0x180;
	s30 =	simm.s32 $0x400;
	[sflag:s18] =	ssyncadd.s32 $0xFFFFC180  }
.LBB2_2:
0x38: {  	[tilespmem:s24], [sflag:$0x2] =	stream.indirect.gather [hbm4b:s4+s21], $0x80, s31, s21, $0xb8;
	[tilespmem:$0x1E080] =	vst v63  }
0x39: {  	s31 =	smov.u32 s30  }
0x3a: {  	p1 =	sne.s32 s30, $0x4800;
	s30 =	sadd.s32 $0x400, s30;
	_ =	swait.ge [sflag:s20], $0x3E80  }
0x3b: {  	s31 =	sshra.s32 s31, $0x2;
	[sflag:s20] =	ssyncset.done $0x0  }
0x3c: {  	s0 =	sadd.s32 $0x1400, s31;
	[sflag:s20] =	ssyncadd.s32 $0xFFFFC180  }
0x3d: {  	[spmem:s1] =	stream.indirect.scatter.add.f32 [tilespmem:s22], [sflag:$0x3], $0x80, s0, s21, $0xb8;
	[tilespmem:$0x1E080] =	vst v63  }
0x3e: {  	_ =	swait.ge [sflag:s18], $0x3E80  }
0x3f: {  	[sflag:s18] =	ssyncset.done $0x0  }
0x40: {  	s0 =	sadd.s32 $0x100, s31;
	[sflag:s18] =	ssyncadd.s32 $0xFFFFC180  }
0x41: {  	[tilespmem:s22], [sflag:$0x1] =	stream.indirect.gather [hbm4b:s4+s21], $0x80, s0, s21, $0xb8;
	[tilespmem:$0x1E080] =	vst v63  }
0x42: {  	_ =	swait.ge [sflag:s25], $0x3E80  }
0x43: {  	[sflag:s25] =	ssyncset.done $0x0  }
.Ltmp0:
0x44: {  	s0 =	sadd.s32 $0x1480, s31;
	[sflag:s25] =	ssyncadd.s32 $0xFFFFC180;
	(pc) =	sbr.rel @p1 .LBB2_2-.Ltmp0, $4  }
0x45: {  	[spmem:s1] =	stream.indirect.scatter.add.f32 [tilespmem:s24], [sflag:$0x3], $0x80, s0, s21, $0xb8;
	[tilespmem:$0x1E080] =	vst v63  }
0x46: {  	_ =	swait.ge [sflag:s18], $0x3E80  }
0x47: {  	[sflag:s18] =	ssyncset.done $0x0  }
0x48: {  	s31 =	sadd.s32 $0x180, s31;
	[sflag:s18] =	ssyncadd.s32 $0xFFFFC180  }
0x49: {  	[tilespmem:s24], [sflag:$0x2] =	stream.indirect.gather [hbm4b:s4+s21], $0x80, s31, s21, $0xb8;
	[tilespmem:$0x1E080] =	vst v63  }
0x4a: {  	_ =	swait.ge [sflag:s20], $0x3E80  }
0x4b: {  	[sflag:s20] =	ssyncset.done $0x0  }
0x4c: {  	[sflag:s20] =	ssyncadd.s32 $0xFFFFC180  }
0x4d: {  	[spmem:s1] =	stream.indirect.scatter.add.f32 [tilespmem:s22], [sflag:$0x3], $0x80, s26, s21, $0xb8;
	[tilespmem:$0x1E080] =	vst v63  }
0x4e: {  	_ =	swait.ge [sflag:s18], $0x3E80  }
0x4f: {  	[sflag:s18] =	ssyncset.done $0x0  }
0x50: {  	[sflag:s18] =	ssyncadd.s32 $0xFFFFC180  }
0x51: {  	_ =	swait.ge [sflag:s25], $0x3E80  }
0x52: {  	[sflag:s25] =	ssyncset.done $0x0  }
0x53: {  	[sflag:s25] =	ssyncadd.s32 $0xFFFFC180  }
0x54: {  	[spmem:s1] =	stream.indirect.scatter.add.f32 [tilespmem:s24], [sflag:$0x3], $0x80, s28, s21, $0xb8;
	[tilespmem:$0x1E080] =	vst v63  }
0x55: {  	_ =	swait.ge [sflag:s18], $0x3E80  }
0x56: {  	[sflag:s18] =	ssyncset.done $0x0  }
0x57: {  	s0 =	simm.s32 $0x0;
	[sflag:s18] =	ssyncadd.s32 $0xFFFFC180  }
0x58: {  	[tilespmem:s0], [sflag:$0x3] =	stream.linear.gather [hbm4b:s11+s0], $0x1400, $0x38;
	[tilespmem:$0x1E080] =	vst v63  }
0x59: {  	_ =	swait.ge [sflag:s18], $0x1400  }
0x5a: {  	[sflag:s18] =	ssyncset.done $0x0  }
0x5b: {  	[sflag:s18] =	ssyncadd.s32 $0xFFFFEC00  }
0x5c: {  	[tilespmem:s19], [sflag:$0x3] =	stream.linear.gather [hbm4b:s12+s0], $0x1400, $0x38;
	[tilespmem:$0x1E080] =	vst v63  }
0x5d: {  	_ =	swait.ge [sflag:s18], $0x1400  }
0x5e: {  	[sflag:s18] =	ssyncset.done $0x0  }
0x5f: {  	[sflag:s18] =	ssyncadd.s32 $0xFFFFEC00  }
0x60: {  	[tilespmem:s22], [sflag:$0x1] =	stream.indirect.gather [hbm4b:s4+s21], $0x80, s0, s21, $0xb8;
	[tilespmem:$0x1E080] =	vst v63  }
0x61: {  	_ = 	snop  }
0x62: {  	[tilespmem:s24], [sflag:$0x2] =	stream.indirect.gather [hbm4b:s4+s21], $0x80, s23, s21, $0xb8;
	[tilespmem:$0x1E080] =	vst v63  }
0x63: {  	_ =	swait.ge [sflag:s20], $0x3E80  }
0x64: {  	[sflag:s20] =	ssyncset.done $0x0  }
0x65: {  	s0 =	simm.s32 $0x1400;
	[sflag:s20] =	ssyncadd.s32 $0xFFFFC180  }
0x66: {  	[spmem:s1] =	stream.indirect.scatter.add.f32 [tilespmem:s22], [sflag:$0x3], $0x80, s0, s21, $0xb8;
	[tilespmem:$0x1E080] =	vst v63  }
0x67: {  	_ =	swait.ge [sflag:s18], $0x3E80  }
0x68: {  	[sflag:s18] =	ssyncset.done $0x0  }
0x69: {  	s0 =	simm.s32 $0x100;
	[sflag:s18] =	ssyncadd.s32 $0xFFFFC180  }
0x6a: {  	[tilespmem:s22], [sflag:$0x1] =	stream.indirect.gather [hbm4b:s4+s21], $0x80, s0, s21, $0xb8;
	[tilespmem:$0x1E080] =	vst v63  }
0x6b: {  	_ =	swait.ge [sflag:s25], $0x3E80  }
0x6c: {  	[sflag:s25] =	ssyncset.done $0x0  }
0x6d: {  	s0 =	simm.s32 $0x1480;
	[sflag:s25] =	ssyncadd.s32 $0xFFFFC180  }
0x6e: {  	[spmem:s1] =	stream.indirect.scatter.add.f32 [tilespmem:s24], [sflag:$0x3], $0x80, s0, s21, $0xb8;
	[tilespmem:$0x1E080] =	vst v63  }
0x6f: {  	_ =	swait.ge [sflag:s18], $0x3E80  }
0x70: {  	[sflag:s18] =	ssyncset.done $0x0  }
0x71: {  	s30 =	simm.s32 $0x400;
	s31 =	simm.s32 $0x180;
	[sflag:s18] =	ssyncadd.s32 $0xFFFFC180  }
.LBB2_4:
0x72: {  	[tilespmem:s24], [sflag:$0x2] =	stream.indirect.gather [hbm4b:s4+s21], $0x80, s31, s21, $0xb8;
	[tilespmem:$0x1E080] =	vst v63  }
0x73: {  	s0 =	smov.u32 s30  }
0x74: {  	p1 =	sne.s32 s30, $0x4800;
	s30 =	sadd.s32 $0x400, s30;
	_ =	swait.ge [sflag:s20], $0x3E80  }
0x75: {  	s0 =	sshra.s32 s0, $0x2;
	[sflag:s20] =	ssyncset.done $0x0  }
0x76: {  	s31 =	sadd.s32 $0x1400, s0;
	[sflag:s20] =	ssyncadd.s32 $0xFFFFC180  }
0x77: {  	[spmem:s1] =	stream.indirect.scatter.add.f32 [tilespmem:s22], [sflag:$0x3], $0x80, s31, s21, $0xb8;
	[tilespmem:$0x1E080] =	vst v63  }
0x78: {  	_ =	swait.ge [sflag:s18], $0x3E80  }
0x79: {  	[sflag:s18] =	ssyncset.done $0x0  }
0x7a: {  	s31 =	sadd.s32 $0x100, s0;
	[sflag:s18] =	ssyncadd.s32 $0xFFFFC180  }
0x7b: {  	[tilespmem:s22], [sflag:$0x1] =	stream.indirect.gather [hbm4b:s4+s21], $0x80, s31, s21, $0xb8;
	[tilespmem:$0x1E080] =	vst v63  }
0x7c: {  	_ =	swait.ge [sflag:s25], $0x3E80  }
0x7d: {  	[sflag:s25] =	ssyncset.done $0x0  }
.Ltmp1:
0x7e: {  	s31 =	sadd.s32 $0x1480, s0;
	[sflag:s25] =	ssyncadd.s32 $0xFFFFC180;
	(pc) =	sbr.rel @p1 .LBB2_4-.Ltmp1, $4  }
0x7f: {  	[spmem:s1] =	stream.indirect.scatter.add.f32 [tilespmem:s24], [sflag:$0x3], $0x80, s31, s21, $0xb8;
	[tilespmem:$0x1E080] =	vst v63  }
0x80: {  	_ =	swait.ge [sflag:s18], $0x3E80  }
0x81: {  	[sflag:s18] =	ssyncset.done $0x0  }
0x82: {  	s31 =	sadd.s32 $0x180, s0;
	[sflag:s18] =	ssyncadd.s32 $0xFFFFC180  }
0x83: {  	[tilespmem:s24], [sflag:$0x2] =	stream.indirect.gather [hbm4b:s4+s21], $0x80, s31, s21, $0xb8;
	[tilespmem:$0x1E080] =	vst v63  }
0x84: {  	_ =	swait.ge [sflag:s20], $0x3E80  }
0x85: {  	[sflag:s20] =	ssyncset.done $0x0  }
0x86: {  	[sflag:s20] =	ssyncadd.s32 $0xFFFFC180  }
0x87: {  	[spmem:s1] =	stream.indirect.scatter.add.f32 [tilespmem:s22], [sflag:$0x3], $0x80, s26, s21, $0xb8;
	[tilespmem:$0x1E080] =	vst v63  }
0x88: {  	_ =	swait.ge [sflag:s18], $0x3E80  }
0x89: {  	[sflag:s18] =	ssyncset.done $0x0  }
0x8a: {  	[sflag:s18] =	ssyncadd.s32 $0xFFFFC180  }
0x8b: {  	_ =	swait.ge [sflag:s25], $0x3E80  }
0x8c: {  	[sflag:s25] =	ssyncset.done $0x0  }
0x8d: {  	[sflag:s25] =	ssyncadd.s32 $0xFFFFC180  }
0x8e: {  	[spmem:s1] =	stream.indirect.scatter.add.f32 [tilespmem:s24], [sflag:$0x3], $0x80, s28, s21, $0xb8;
	[tilespmem:$0x1E080] =	vst v63  }
0x8f: {  	_ =	swait.ge [sflag:s18], $0x3E80  }
0x90: {  	[sflag:s18] =	ssyncset.done $0x0  }
0x91: {  	[sflag:s18] =	ssyncadd.s32 $0xFFFFC180  }
0x92: {  	s0 =	sor.u32 $0x1C03, s6;
	[bflag:$0x0] =	sbarrier.arrive $0xFFFF  }
0x93: {  	[hbm:s13], [sflag:s0] =	dma.local [spmem:s16], $0x2700  }
0x94: {  	_ =	swait.ge [sflag:s18], $0x2700  }
0x95: {  	s29 =	sadd.s32 $0x1, s29;
	[sflag:s18] =	ssyncset.done $0x0  }
0x96: {  	p1 =	sne.s32 s29, s15;
	[sflag:s18] =	ssyncadd.s32 $0xFFFFD900  }
0x97: {  	[hbm:s14], [sflag:s0] =	dma.local @!p0 [spmem:s17], $0x100  }
.Ltmp2:
0x98: {  	_ = 	snop;
	(pc) =	sbr.rel @p1 .LBB2_1-.Ltmp2, $4  }
0x99: {  	s0 =	simm.s32 @!p0 $0x3  }
0x9a: {  	_ =	swait.ge @!p0 [sflag:s0], $0x100  }
0x9b: {  	[sflag:s0] =	ssyncset.done @!p0 $0x0  }
0x9c: {  	[sflag:s0] =	ssyncadd.s32 @!p0 $0xFFFFFF00  }
0x9d: {  	_ =	sfence.sel $0x180000  }
0x9e: {  	[bflag:$0x0] =	sbarrier.arrive $0xFFFF  }
0x9f: {  	_ =	strace $0x9000004A  }
0xa0: {  	[bflag:$0x2] =	sbarrier.arrive $0xFFFF  }
0xa1: {  	p0 =	sne.s32 s2, $0x0;
	s0 =	rddreg [dreg:$0x2]  }
0xa2: {  	s0 =	sadd.s32 @!p0 $0x100000, s0  }
0xa3: {  	[sflag:s0] =	ssyncadd.tile.s32 @!p0 $0x1;
	_ =	shalt  }
.Lfunc_end2:
_tile_overlayer_lowered:
.L_overlay_start_2:
0xa4: {  	(tag) =	ssettag $0x2  }
0xa5: {  	s0 =	rddreg [dreg:$0x0];
	s2 =	stileid.u32  }
0xa6: {  	s1 =	rddreg [dreg:$0x1];
	p0 =	sne.s32 s2, $0x0  }
0xa7: {  	s3 =	rddreg [dreg:$0x2];
	[bflag:$0x3] =	sbarrier.arrive $0xFFFF;
	s2 =	simm.s32 @!p0 $0x1C03  }
0xa8: {  	[timem:s3], [sflag:s2] =	dma.local @!p0 [hbm:s0], s1  }
0xa9: {  	s0 =	simm.s32 @!p0 $0x3  }
0xaa: {  	_ =	swait.ge @!p0 [sflag:s0], s1  }
0xab: {  	s1 =	ssub.s32 @!p0 $0x0, s1;
	[sflag:s0] =	ssyncset.done @!p0 $0x0  }
0xac: {  	[sflag:s0] =	ssyncadd.s32 @!p0 s1  }
0xad: {  	[bflag:$0x3] =	sbarrier.arrive $0xFFFF  }
0xae: {  	_ =	shalt  }

// kernel: kernel.15.cloned.1.call-start
scs
__scs_entry_jumppad:
0x0: {  	(pc) =	sbr.rel $0x88, $3  }
0x1: {  	(tag) =	ssettag $0x0;
	lr =	simm.s32 $0x1  }
0x2: {  	[smem:$0x3F98] =	sst lr;
	_ =	strace $0xD0000000  }
0x3: {  	_ = 	snop  }
0x4: {  	_ = 	snop  }
0x5: {  	_ = 	snop  }
0x6: {  	_ = 	snop  }
0x7: {  	_ = 	snop  }
__scs_overlays_trampoline_lowered:
0x8: {  	[smem:$0x3FA7] =	sst s0  }
0x9: {  	[smem:$0x3FA8] =	sst s1  }
0xa: {  	[smem:$0x3FA9] =	sst s2  }
0xb: {  	[smem:$0x3FAA] =	sst s3  }
0xc: {  	[smem:$0x3FAB] =	sst s4  }
0xd: {  	[smem:$0x3FAC] =	sst s5  }
0xe: {  	[smem:$0x3FAD] =	sst s6  }
0xf: {  	[smem:$0x3FAE] =	sst s7  }
0x10: {  	[smem:$0x3FAF] =	sst s8  }
0x11: {  	[smem:$0x3FB0] =	sst s9;
	s0 =	simm.s32 @!p0 $0x0  }
0x12: {  	s1 =	sld [smem:$0x3F96];
	s0 =	simm.s32 @p0 $0x1  }
0x13: {  	[smem:$0x3FB1] =	sst s0;
	s0 =	simm.s32 @!p1 $0x0  }
0x14: {  	s2 =	sld [smem:$0x3F95];
	s0 =	simm.s32 @p1 $0x1  }
0x15: {  	[smem:$0x3FB2] =	sst s0;
	s0 =	simm.s32 @!p2 $0x0  }
0x16: {  	s3 =	sld [smem:$0x3FDB];
	s0 =	simm.s32 @p2 $0x1  }
0x17: {  	s4 =	simm.s32 $0x1BF5;
	[smem:$0x3FB4] =	sst s0  }
0x18: {  	s0 =	sld [smem:$0x3F97];
	_ =	swait.ge [sflag:s4], $0x0  }
0x19: {  	s7 =	sld [smem:$0x3F98]  }
0x1a: {  	s8 =	sadd.s32 $0xFFFFE003, lr  }
0x1b: {  	s9 =	sadd.s32 $0xFFFFFEF7, lr;
	s5 =	simm.s32 $0xFFFFFFFF;
	p2 =	slt.u32 s8, $0xFFFFF086  }
0x1c: {  	p1 =	slt.u32 s9, $0xF7A;
	s5 =	simm.s32 @!p2 $0x0  }
0x1d: {  	s5 =	simm.s32 @p1 $0x1;
	p0 =	seq.s32 s7, s2  }
0x1e: {  	s7 =	smul.u32 @!p0 $0xF7A, s2;
	p2 =	seq.s32 @!p0 s5, $0x0  }
0x1f: {  	s9 =	smul.u32 $0xF7A, s1;
	s8 =	simm.s32 @!p0 $0x1BF5;
	p2 =	por !p2, p0  }
0x20: {  	[sflag:s8] =	ssyncset.s32 @!p0 $0xFFFFF086;
	s6 =	sadd.s32 @!p0 s3, s7;
	s7 =	simm.s32 @!p0 $0x108  }
0x21: {  	s3 =	sadd.s32 s3, s9;
	s6 =	sadd.s32 @!p0 $0x88, s6;
	s7 =	simm.s32 @p2 $0x1082  }
0x22: {  	[simem:s7], [sflag:s8] =	dma.local @!p0 [hbm:s6], $0xF7A  }
0x23: {  	s9 =	sor.u32 $0xD0000000, s2;
	s6 =	simm.s32 $0x108;
	_ =	swait.ge @!p0 [sflag:s8], $0x0  }
0x24: {  	s3 =	sadd.s32 $0x88, s3;
	s6 =	simm.s32 @!p1 $0x1082;
	[sflag:s4] =	ssyncset.s32 $0xFFFFF086  }
0x25: {  	[simem:s6], [sflag:s4] =	dma.local [hbm:s3], $0xF7A  }
0x26: {  	[smem:$0x3F98] =	sst s1;
	(tag) =	ssettag s2;
	_ =	strace s9  }
0x27: {  	s1 =	sld [smem:$0x3FA8]  }
0x28: {  	s2 =	sld [smem:$0x3FA9]  }
0x29: {  	s4 =	sld [smem:$0x3FAB]  }
0x2a: {  	p0 =	seq.s32 s5, $0x0;
	s5 =	sld [smem:$0x3FAC]  }
0x2b: {  	s6 =	sld [smem:$0x3FAD]  }
0x2c: {  	s7 =	sld [smem:$0x3FAE]  }
0x2d: {  	s3 =	simm.s32 $0x108;
	s8 =	sld [smem:$0x3FAF]  }
0x2e: {  	s3 =	simm.s32 @!p0 $0x1082;
	s9 =	sld [smem:$0x3FB0]  }
0x2f: {  	lr =	sadd.s32 s0, s3;
	s0 =	sld [smem:$0x3FA7]  }
0x30: {  	s3 =	sld [smem:$0x3FAA]  }
0x31: {  	[smem:$0x3FB3] =	sst s10  }
0x32: {  	s10 =	sld [smem:$0x3FB1];
	_ =	sdelay $0x3  }
0x33: {  	p0 =	seq.s32 s10, $0x1;
	s10 =	sld [smem:$0x3FB3];
	_ =	sdelay $0x3  }
0x34: {  	[smem:$0x3FB3] =	sst s10  }
0x35: {  	s10 =	sld [smem:$0x3FB2];
	_ =	sdelay $0x3  }
0x36: {  	p1 =	seq.s32 s10, $0x1;
	s10 =	sld [smem:$0x3FB3];
	_ =	sdelay $0x3  }
0x37: {  	[smem:$0x3FB3] =	sst s10  }
0x38: {  	s10 =	sld [smem:$0x3FB4]  }
0x39: {  	_ = 	snop;
	(pc) =	sbr.ind lr, $3  }
0x3a: {  	_ = 	snop  }
0x3b: {  	_ = 	snop  }
0x3c: {  	p2 =	seq.s32 s10, $0x1;
	s10 =	sld [smem:$0x3FB3]  }
0x3d: {  	_ =	shalt  }
0x3e: {  	_ =	shalt  }
0x3f: {  	_ =	shalt  }
0x40: {  	_ =	shalt  }
0x41: {  	_ =	shalt  }
0x42: {  	_ =	shalt  }
0x43: {  	_ =	shalt  }
0x44: {  	_ =	shalt  }
0x45: {  	_ =	shalt  }
0x46: {  	_ =	shalt  }
0x47: {  	_ =	shalt  }
0x48: {  	_ =	shalt  }
0x49: {  	_ =	shalt  }
0x4a: {  	_ =	shalt  }
0x4b: {  	_ =	shalt  }
0x4c: {  	_ =	shalt  }
0x4d: {  	_ =	shalt  }
0x4e: {  	_ =	shalt  }
0x4f: {  	_ =	shalt  }
0x50: {  	_ =	shalt  }
0x51: {  	_ =	shalt  }
0x52: {  	_ =	shalt  }
0x53: {  	_ =	shalt  }
0x54: {  	_ =	shalt  }
0x55: {  	_ =	shalt  }
0x56: {  	_ =	shalt  }
0x57: {  	_ =	shalt  }
0x58: {  	_ =	shalt  }
0x59: {  	_ =	shalt  }
0x5a: {  	_ =	shalt  }
0x5b: {  	_ =	shalt  }
0x5c: {  	_ =	shalt  }
0x5d: {  	_ =	shalt  }
0x5e: {  	_ =	shalt  }
0x5f: {  	_ =	shalt  }
0x60: {  	_ =	shalt  }
0x61: {  	_ =	shalt  }
0x62: {  	_ =	shalt  }
0x63: {  	_ =	shalt  }
0x64: {  	_ =	shalt  }
0x65: {  	_ =	shalt  }
0x66: {  	_ =	shalt  }
0x67: {  	_ =	shalt  }
0x68: {  	_ =	shalt  }
0x69: {  	_ =	shalt  }
0x6a: {  	_ =	shalt  }
0x6b: {  	_ =	shalt  }
0x6c: {  	_ =	shalt  }
0x6d: {  	_ =	shalt  }
0x6e: {  	_ =	shalt  }
0x6f: {  	_ =	shalt  }
0x70: {  	_ =	shalt  }
0x71: {  	_ =	shalt  }
0x72: {  	_ =	shalt  }
0x73: {  	_ =	shalt  }
0x74: {  	_ =	shalt  }
0x75: {  	_ =	shalt  }
0x76: {  	_ =	shalt  }
0x77: {  	_ =	shalt  }
0x78: {  	_ =	shalt  }
0x79: {  	_ =	shalt  }
0x7a: {  	_ =	shalt  }
0x7b: {  	_ =	shalt  }
0x7c: {  	_ =	shalt  }
0x7d: {  	_ =	shalt  }
0x7e: {  	_ =	shalt  }
0x7f: {  	_ =	shalt  }
0x80: {  	_ =	shalt  }
0x81: {  	_ =	shalt  }
0x82: {  	_ =	shalt  }
0x83: {  	_ =	shalt  }
0x84: {  	_ =	shalt  }
0x85: {  	_ =	shalt  }
0x86: {  	_ =	shalt  }
0x87: {  	_ =	shalt  }
.Lfunc_end0:
.L_simem_size_0:
called_computation.2_lowered:
.L_overlay_start_0:
0x88: {  	s2 =	sld [smem:$0x3FD9]  }
0x89: {  	s3 =	sld [smem:$0x3FFE];
	_ =	sdelay $0x1  }
0x8a: {  	s1 =	srdreg.scid  }
0x8b: {  	s0 =	sand.u32 $0x1, s1  }
0x8c: {  	s16 =	sshll.u32 s0, $0xA;
	s2 =	sadd.s32 s3, s2  }
0x8d: {  	s2 =	sadd.s32 s2, s16  }
0x8e: {  	[smem:$0x3FBF] =	sst s2  }
0x8f: {  	_ = 	snop  }
0x90: {  	(tm) =	ssettm $0x1  }
0x91: {  	s17 =	sld [smem:$0x3FFB];
	_ =	sdelay $0x3  }
0x92: {  	_ =	strace s17  }
0x93: {  	s2 =	sld [smem:$0x3FFC];
	_ =	sdelay $0x3  }
0x94: {  	_ =	strace s2  }
0x95: {  	s2 =	sld [smem:$0x3FFD];
	_ =	sdelay $0x3  }
0x96: {  	_ =	strace s2  }
0x97: {  	_ =	strace $0x8FFFFFFF  }
0x98: {  	s18 =	sld [smem:$0x3FDB];
	_ =	sdelay $0x1  }
0x99: {  	s19 =	simm.s32 $_scs_section_size  }
0x9a: {  	s4 =	simm.s32 $_size__tile_overlayer_lowered;
	s5 =	simm.s32 $_tile_overlayer_lowered  }
0x9b: {  	s22 =	simm.s32 $0x1BFF;
	s21 =	sshll.u32 s5, $0x1;
	s2 =	sadd.s32 s19, s18  }
0x9c: {  	s6 =	simm.s32 $0x0;
	s20 =	sshll.u32 s4, $0x1;
	s4 =	sadd.s32 s21, s2  }
0x9d: {  	[timem:s6], [sflag:s22] =	dma.local [hbm:s4], s20  }
0x9e: {  	_ =	swait.ge [sflag:s22], s20  }
0x9f: {  	s3 =	ssub.s32 $0x0, s20;
	[sflag:s22] =	ssyncset.done $0x0  }
0xa0: {  	[sflag:s22] =	ssyncadd.s32 s3;
	_ =	sdelay $0x1  }
0xa1: {  	s23 =	simm.s32 $0x1B8B  }
0xa2: {  	_ =	swait.ge [sflag:s23], $0x1  }
0xa3: {  	[sflag:s23] =	ssyncset.done $0x0  }
0xa4: {  	s25 =	simm.s32 $0x1B8E;
	s24 =	sld [smem:$0x3FFE];
	[sflag:s23] =	ssyncadd.s32 $0xFFFFFFFF  }
0xa5: {  	s26 =	simm.s32 $execute0_lowered;
	[smem:$0x3FD2] =	sst s25  }
0xa6: {  	s4 =	sshll.u32 s26, $0x1;
	_ =	strace $0x8000004C;
	[dreg:$0x1] =	wrdreg $0xFFFFFFFF  }
0xa7: {  	s28 =	simm.s32 $_size_execute0_lowered;
	s2 =	sadd.s32 s2, s4;
	[dreg:$0x0] =	wrdreg $0x0  }
0xa8: {  	s4 =	sshll.u32 s28, $0x1;
	[dreg:$0x2] =	wrdreg s2  }
0xa9: {  	[dreg:$0x3] =	wrdreg s4  }
0xaa: {  	[dreg:$0x4] =	wrdreg $0xC0  }
0xab: {  	_ =	task [dreg:s6], $0x5FFFF  }
0xac: {  	[dreg:$0x1] =	wrdreg $0xFFFFFFFF  }
0xad: {  	[dreg:$0x0] =	wrdreg $0x60  }
0xae: {  	[dreg:$0x2] =	wrdreg s24  }
0xaf: {  	[dreg:$0x3] =	wrdreg $0xA8000  }
0xb0: {  	[dreg:$0x4] =	wrdreg $0x9  }
0xb1: {  	_ =	task.clear_ibuf [dreg:s6], $0x5FFFF;
	_ =	strace $0x9000004C  }
0xb2: {  	s29 =	simm.s32 $0x9;
	_ =	strace $0x8000004E  }
0xb3: {  	_ =	swait.ge [sflag:s29], $0x1  }
0xb4: {  	[sflag:s29] =	ssyncadd.s32 $0xFFFFFFFF  }
0xb5: {  	_ =	strace $0x9000004E  }
0xb6: {  	_ =	sfence  }
0xb7: {  	s30 =	sld [smem:$0x0];
	_ =	sdelay $0x2  }
0xb8: {  	s31 =	sshll.u32 s1, $0xD;
	s1 =	sshrl.u32 s1, $0x2  }
0xb9: {  	s3 =	sand.u32 $0x4000, s31;
	s1 =	sadd.s32 s1, s30  }
0xba: {  	s0 =	sor.u32 s3, s0;
	s1 =	sshll.u32 s1, $0x11  }
0xbb: {  	s0 =	sor.u32 s1, s0  }
0xbc: {  	s0 =	sadd.s32 $0x8F2B, s0  }
0xbd: {  	[sflag:s0] =	ssyncadd.remote.s32 $0x1  }
0xbe: {  	_ =	sfence.sel $0xFFFF  }
0xbf: {  	[dreg:$0x0] =	wrdreg $0xFFFFFFFF;
	(pc) =	sbr.abs _section_cstart, $3  }
0xc0: {  	[dreg:$0x1] =	wrdreg $0xFFFFFFFF  }
0xc1: {  	_ =	task.clear_ibuf [dreg:s6], $0x2FFFF;
	_ =	strace $0x9FFFFFFF  }
0xc2: {  	(tm) =	ssettm $0x7FFFFFFF  }
0xc3: {  	_ =	shalt  }
tec
execute0_lowered:
.L_overlay_start_1:
0x0: {  	(tag) =	ssettag $0x1  }
0x1: {  	s4 =	rddreg [dreg:$0x0];
	s0 =	srdreg.scid  }
0x2: {  	s1 =	rddreg [dreg:$0x1];
	s3 =	simm.s32 $0x0;
	s2 =	stileid.u32  }
0x3: {  	s20 =	simm.s32 $0x1;
	s21 =	simm.s32 $0x7D;
	s22 =	simm.s32 $0x2800  }
0x4: {  	s23 =	simm.s32 $0x80;
	s24 =	simm.s32 $0x6800;
	s25 =	simm.s32 $0x2  }
0x5: {  	s26 =	simm.s32 $0x2700;
	s28 =	simm.s32 $0x2780;
	s6 =	smul.u32 $0x2800, s2  }
0x6: {  	s29 =	simm.s32 $0x0;
	s5 =	sand.u32 $0x1, s0;
	s7 =	smul.u32 $0x4E000, s2  }
0x7: {  	[smem:$0x7FF] =	sst s3;
	s13 =	smul.u32 $0x13800, s2;
	s15 =	sadd.s32 $0x6E000, s4  }
0x8: {  	s18 =	sadd.s32 $0x138000, s1;
	p0 =	sne.s32 s2, $0xF;
	s11 =	smul.u32 $0x138800, s5  }
0x9: {  	_ =	strace $0x8000004D;
	s5 =	ssub.s32 $0x2, s5;
	s6 =	sshrl.u32 s6, $0x3  }
0xa: {  	s9 =	sshrl.u32 s5, $0x1;
	s30 =	sshrl.u32 s7, $0x2;
	s31 =	sshrl.u32 s13, $0x3  }
0xb: {  	s12 =	sshrl.u32 s11, $0x3;
	s14 =	sadd.s32 s6, s4;
	s16 =	ssub.s32 s5, s9  }
0xc: {  	s17 =	sadd.s32 s30, s1;
	s6 =	sshll.u32 s2, $0x6;
	s13 =	sadd.s32 s13, s11  }
0xd: {  	s8 =	sadd.s32 s12, s4;
	s7 =	sor.u32 $0x1C01, s6;
	s9 =	sadd.s32 $0x15E00, s14  }
0xe: {  	s10 =	sadd.s32 $0x1AE00, s14;
	s11 =	sadd.s32 $0x16080, s14;
	s13 =	sshrl.u32 s13, $0x3  }
0xf: {  	s19 =	sadd.s32 s15, s12;
	s12 =	sadd.s32 $0x1B080, s14;
	s4 =	sadd.s32 $0x1FE00, s8  }
0x10: {  	s8 =	sadd.s32 $0x46E00, s8;
	s13 =	sadd.s32 s15, s13;
	s14 =	sadd.s32 $0x27000, s19  }
0x11: {  	s15 =	smax.u32 s16, $0x1;
	s16 =	sshrl.u32 s17, $0x3;
	s17 =	sshrl.u32 @!p0 s18, $0x3  }
0x12: {  	s18 =	simm.s32 $0x3;
	s19 =	simm.s32 $0x1400;
	s5 =	sadd.s32 s31, s4  }
.LBB2_1:
0x13: {  	[spmem:s16], [sflag:s7] =	dma.local [hbm:s5], $0x2700  }
0x14: {  	s30 =	simm.s32 @!p0 $0x1FC3  }
0x15: {  	[spmem:s17], [sflag:s30] =	dma.local @!p0 [hbm:s8], $0x100  }
0x16: {  	s30 =	simm.s32 @!p0 $0x3  }
0x17: {  	_ =	swait.ge @!p0 [sflag:s30], $0x100  }
0x18: {  	[sflag:s30] =	ssyncset.done @!p0 $0x0  }
0x19: {  	[sflag:s30] =	ssyncadd.s32 @!p0 $0xFFFFFF00  }
0x1a: {  	[tilespmem:s3], [sflag:$0x3] =	stream.linear.gather [hbm4b:s9+s3], $0x1400, $0x38;
	[tilespmem:$0x1E080] =	vst v63  }
0x1b: {  	_ =	swait.ge [sflag:s18], $0x1400  }
0x1c: {  	[sflag:s18] =	ssyncset.done $0x0  }
0x1d: {  	[sflag:s18] =	ssyncadd.s32 $0xFFFFEC00  }
0x1e: {  	[tilespmem:s19], [sflag:$0x3] =	stream.linear.gather [hbm4b:s10+s3], $0x1400, $0x38;
	[tilespmem:$0x1E080] =	vst v63  }
0x1f: {  	_ =	swait.ge [sflag:s18], $0x1400  }
0x20: {  	[sflag:s18] =	ssyncset.done $0x0  }
0x21: {  	[sflag:s18] =	ssyncadd.s32 $0xFFFFEC00  }
0x22: {  	_ =	swait.ge [sflag:s20], $0x2700  }
0x23: {  	[sflag:s20] =	ssyncset.done $0x0  }
0x24: {  	[sflag:s20] =	ssyncadd.s32 $0xFFFFD900  }
0x25: {  	[tilespmem:s22], [sflag:$0x1] =	stream.indirect.gather [hbm4b:s4+s21], $0x80, s3, s21, $0xb8;
	[tilespmem:$0x1E080] =	vst v63  }
0x26: {  	_ = 	snop  }
0x27: {  	[tilespmem:s24], [sflag:$0x2] =	stream.indirect.gather [hbm4b:s4+s21], $0x80, s23, s21, $0xb8;
	[tilespmem:$0x1E080] =	vst v63  }
0x28: {  	[bflag:$0x0] =	sbarrier.arrive $0xFFFF  }
0x29: {  	_ =	swait.ge [sflag:s20], $0x3E80  }
0x2a: {  	[sflag:s20] =	ssyncset.done $0x0  }
0x2b: {  	s30 =	simm.s32 $0x1400;
	[sflag:s20] =	ssyncadd.s32 $0xFFFFC180  }
0x2c: {  	[spmem:s1] =	stream.indirect.scatter.add.f32 [tilespmem:s22], [sflag:$0x3], $0x80, s30, s21, $0xb8;
	[tilespmem:$0x1E080] =	vst v63  }
0x2d: {  	_ =	swait.ge [sflag:s18], $0x3E80  }
0x2e: {  	[sflag:s18] =	ssyncset.done $0x0  }
0x2f: {  	s30 =	simm.s32 $0x100;
	[sflag:s18] =	ssyncadd.s32 $0xFFFFC180  }
0x30: {  	[tilespmem:s22], [sflag:$0x1] =	stream.indirect.gather [hbm4b:s4+s21], $0x80, s30, s21, $0xb8;
	[tilespmem:$0x1E080] =	vst v63  }
0x31: {  	_ =	swait.ge [sflag:s25], $0x3E80  }
0x32: {  	[sflag:s25] =	ssyncset.done $0x0  }
0x33: {  	s30 =	simm.s32 $0x1480;
	[sflag:s25] =	ssyncadd.s32 $0xFFFFC180  }
0x34: {  	[spmem:s1] =	stream.indirect.scatter.add.f32 [tilespmem:s24], [sflag:$0x3], $0x80, s30, s21, $0xb8;
	[tilespmem:$0x1E080] =	vst v63  }
0x35: {  	_ =	swait.ge [sflag:s18], $0x3E80  }
0x36: {  	[sflag:s18] =	ssyncset.done $0x0  }
0x37: {  	s31 =	simm.s32 $0x180;
	s30 =	simm.s32 $0x400;
	[sflag:s18] =	ssyncadd.s32 $0xFFFFC180  }
.LBB2_2:
0x38: {  	[tilespmem:s24], [sflag:$0x2] =	stream.indirect.gather [hbm4b:s4+s21], $0x80, s31, s21, $0xb8;
	[tilespmem:$0x1E080] =	vst v63  }
0x39: {  	s31 =	smov.u32 s30  }
0x3a: {  	p1 =	sne.s32 s30, $0x4800;
	s30 =	sadd.s32 $0x400, s30;
	_ =	swait.ge [sflag:s20], $0x3E80  }
0x3b: {  	s31 =	sshra.s32 s31, $0x2;
	[sflag:s20] =	ssyncset.done $0x0  }
0x3c: {  	s0 =	sadd.s32 $0x1400, s31;
	[sflag:s20] =	ssyncadd.s32 $0xFFFFC180  }
0x3d: {  	[spmem:s1] =	stream.indirect.scatter.add.f32 [tilespmem:s22], [sflag:$0x3], $0x80, s0, s21, $0xb8;
	[tilespmem:$0x1E080] =	vst v63  }
0x3e: {  	_ =	swait.ge [sflag:s18], $0x3E80  }
0x3f: {  	[sflag:s18] =	ssyncset.done $0x0  }
0x40: {  	s0 =	sadd.s32 $0x100, s31;
	[sflag:s18] =	ssyncadd.s32 $0xFFFFC180  }
0x41: {  	[tilespmem:s22], [sflag:$0x1] =	stream.indirect.gather [hbm4b:s4+s21], $0x80, s0, s21, $0xb8;
	[tilespmem:$0x1E080] =	vst v63  }
0x42: {  	_ =	swait.ge [sflag:s25], $0x3E80  }
0x43: {  	[sflag:s25] =	ssyncset.done $0x0  }
.Ltmp0:
0x44: {  	s0 =	sadd.s32 $0x1480, s31;
	[sflag:s25] =	ssyncadd.s32 $0xFFFFC180;
	(pc) =	sbr.rel @p1 .LBB2_2-.Ltmp0, $4  }
0x45: {  	[spmem:s1] =	stream.indirect.scatter.add.f32 [tilespmem:s24], [sflag:$0x3], $0x80, s0, s21, $0xb8;
	[tilespmem:$0x1E080] =	vst v63  }
0x46: {  	_ =	swait.ge [sflag:s18], $0x3E80  }
0x47: {  	[sflag:s18] =	ssyncset.done $0x0  }
0x48: {  	s31 =	sadd.s32 $0x180, s31;
	[sflag:s18] =	ssyncadd.s32 $0xFFFFC180  }
0x49: {  	[tilespmem:s24], [sflag:$0x2] =	stream.indirect.gather [hbm4b:s4+s21], $0x80, s31, s21, $0xb8;
	[tilespmem:$0x1E080] =	vst v63  }
0x4a: {  	_ =	swait.ge [sflag:s20], $0x3E80  }
0x4b: {  	[sflag:s20] =	ssyncset.done $0x0  }
0x4c: {  	[sflag:s20] =	ssyncadd.s32 $0xFFFFC180  }
0x4d: {  	[spmem:s1] =	stream.indirect.scatter.add.f32 [tilespmem:s22], [sflag:$0x3], $0x80, s26, s21, $0xb8;
	[tilespmem:$0x1E080] =	vst v63  }
0x4e: {  	_ =	swait.ge [sflag:s18], $0x3E80  }
0x4f: {  	[sflag:s18] =	ssyncset.done $0x0  }
0x50: {  	[sflag:s18] =	ssyncadd.s32 $0xFFFFC180  }
0x51: {  	_ =	swait.ge [sflag:s25], $0x3E80  }
0x52: {  	[sflag:s25] =	ssyncset.done $0x0  }
0x53: {  	[sflag:s25] =	ssyncadd.s32 $0xFFFFC180  }
0x54: {  	[spmem:s1] =	stream.indirect.scatter.add.f32 [tilespmem:s24], [sflag:$0x3], $0x80, s28, s21, $0xb8;
	[tilespmem:$0x1E080] =	vst v63  }
0x55: {  	_ =	swait.ge [sflag:s18], $0x3E80  }
0x56: {  	[sflag:s18] =	ssyncset.done $0x0  }
0x57: {  	s0 =	simm.s32 $0x0;
	[sflag:s18] =	ssyncadd.s32 $0xFFFFC180  }
0x58: {  	[tilespmem:s0], [sflag:$0x3] =	stream.linear.gather [hbm4b:s11+s0], $0x1400, $0x38;
	[tilespmem:$0x1E080] =	vst v63  }
0x59: {  	_ =	swait.ge [sflag:s18], $0x1400  }
0x5a: {  	[sflag:s18] =	ssyncset.done $0x0  }
0x5b: {  	[sflag:s18] =	ssyncadd.s32 $0xFFFFEC00  }
0x5c: {  	[tilespmem:s19], [sflag:$0x3] =	stream.linear.gather [hbm4b:s12+s0], $0x1400, $0x38;
	[tilespmem:$0x1E080] =	vst v63  }
0x5d: {  	_ =	swait.ge [sflag:s18], $0x1400  }
0x5e: {  	[sflag:s18] =	ssyncset.done $0x0  }
0x5f: {  	[sflag:s18] =	ssyncadd.s32 $0xFFFFEC00  }
0x60: {  	[tilespmem:s22], [sflag:$0x1] =	stream.indirect.gather [hbm4b:s4+s21], $0x80, s0, s21, $0xb8;
	[tilespmem:$0x1E080] =	vst v63  }
0x61: {  	_ = 	snop  }
0x62: {  	[tilespmem:s24], [sflag:$0x2] =	stream.indirect.gather [hbm4b:s4+s21], $0x80, s23, s21, $0xb8;
	[tilespmem:$0x1E080] =	vst v63  }
0x63: {  	_ =	swait.ge [sflag:s20], $0x3E80  }
0x64: {  	[sflag:s20] =	ssyncset.done $0x0  }
0x65: {  	s0 =	simm.s32 $0x1400;
	[sflag:s20] =	ssyncadd.s32 $0xFFFFC180  }
0x66: {  	[spmem:s1] =	stream.indirect.scatter.add.f32 [tilespmem:s22], [sflag:$0x3], $0x80, s0, s21, $0xb8;
	[tilespmem:$0x1E080] =	vst v63  }
0x67: {  	_ =	swait.ge [sflag:s18], $0x3E80  }
0x68: {  	[sflag:s18] =	ssyncset.done $0x0  }
0x69: {  	s0 =	simm.s32 $0x100;
	[sflag:s18] =	ssyncadd.s32 $0xFFFFC180  }
0x6a: {  	[tilespmem:s22], [sflag:$0x1] =	stream.indirect.gather [hbm4b:s4+s21], $0x80, s0, s21, $0xb8;
	[tilespmem:$0x1E080] =	vst v63  }
0x6b: {  	_ =	swait.ge [sflag:s25], $0x3E80  }
0x6c: {  	[sflag:s25] =	ssyncset.done $0x0  }
0x6d: {  	s0 =	simm.s32 $0x1480;
	[sflag:s25] =	ssyncadd.s32 $0xFFFFC180  }
0x6e: {  	[spmem:s1] =	stream.indirect.scatter.add.f32 [tilespmem:s24], [sflag:$0x3], $0x80, s0, s21, $0xb8;
	[tilespmem:$0x1E080] =	vst v63  }
0x6f: {  	_ =	swait.ge [sflag:s18], $0x3E80  }
0x70: {  	[sflag:s18] =	ssyncset.done $0x0  }
0x71: {  	s30 =	simm.s32 $0x400;
	s31 =	simm.s32 $0x180;
	[sflag:s18] =	ssyncadd.s32 $0xFFFFC180  }
.LBB2_4:
0x72: {  	[tilespmem:s24], [sflag:$0x2] =	stream.indirect.gather [hbm4b:s4+s21], $0x80, s31, s21, $0xb8;
	[tilespmem:$0x1E080] =	vst v63  }
0x73: {  	s0 =	smov.u32 s30  }
0x74: {  	p1 =	sne.s32 s30, $0x4800;
	s30 =	sadd.s32 $0x400, s30;
	_ =	swait.ge [sflag:s20], $0x3E80  }
0x75: {  	s0 =	sshra.s32 s0, $0x2;
	[sflag:s20] =	ssyncset.done $0x0  }
0x76: {  	s31 =	sadd.s32 $0x1400, s0;
	[sflag:s20] =	ssyncadd.s32 $0xFFFFC180  }
0x77: {  	[spmem:s1] =	stream.indirect.scatter.add.f32 [tilespmem:s22], [sflag:$0x3], $0x80, s31, s21, $0xb8;
	[tilespmem:$0x1E080] =	vst v63  }
0x78: {  	_ =	swait.ge [sflag:s18], $0x3E80  }
0x79: {  	[sflag:s18] =	ssyncset.done $0x0  }
0x7a: {  	s31 =	sadd.s32 $0x100, s0;
	[sflag:s18] =	ssyncadd.s32 $0xFFFFC180  }
0x7b: {  	[tilespmem:s22], [sflag:$0x1] =	stream.indirect.gather [hbm4b:s4+s21], $0x80, s31, s21, $0xb8;
	[tilespmem:$0x1E080] =	vst v63  }
0x7c: {  	_ =	swait.ge [sflag:s25], $0x3E80  }
0x7d: {  	[sflag:s25] =	ssyncset.done $0x0  }
.Ltmp1:
0x7e: {  	s31 =	sadd.s32 $0x1480, s0;
	[sflag:s25] =	ssyncadd.s32 $0xFFFFC180;
	(pc) =	sbr.rel @p1 .LBB2_4-.Ltmp1, $4  }
0x7f: {  	[spmem:s1] =	stream.indirect.scatter.add.f32 [tilespmem:s24], [sflag:$0x3], $0x80, s31, s21, $0xb8;
	[tilespmem:$0x1E080] =	vst v63  }
0x80: {  	_ =	swait.ge [sflag:s18], $0x3E80  }
0x81: {  	[sflag:s18] =	ssyncset.done $0x0  }
0x82: {  	s31 =	sadd.s32 $0x180, s0;
	[sflag:s18] =	ssyncadd.s32 $0xFFFFC180  }
0x83: {  	[tilespmem:s24], [sflag:$0x2] =	stream.indirect.gather [hbm4b:s4+s21], $0x80, s31, s21, $0xb8;
	[tilespmem:$0x1E080] =	vst v63  }
0x84: {  	_ =	swait.ge [sflag:s20], $0x3E80  }
0x85: {  	[sflag:s20] =	ssyncset.done $0x0  }
0x86: {  	[sflag:s20] =	ssyncadd.s32 $0xFFFFC180  }
0x87: {  	[spmem:s1] =	stream.indirect.scatter.add.f32 [tilespmem:s22], [sflag:$0x3], $0x80, s26, s21, $0xb8;
	[tilespmem:$0x1E080] =	vst v63  }
0x88: {  	_ =	swait.ge [sflag:s18], $0x3E80  }
0x89: {  	[sflag:s18] =	ssyncset.done $0x0  }
0x8a: {  	[sflag:s18] =	ssyncadd.s32 $0xFFFFC180  }
0x8b: {  	_ =	swait.ge [sflag:s25], $0x3E80  }
0x8c: {  	[sflag:s25] =	ssyncset.done $0x0  }
0x8d: {  	[sflag:s25] =	ssyncadd.s32 $0xFFFFC180  }
0x8e: {  	[spmem:s1] =	stream.indirect.scatter.add.f32 [tilespmem:s24], [sflag:$0x3], $0x80, s28, s21, $0xb8;
	[tilespmem:$0x1E080] =	vst v63  }
0x8f: {  	_ =	swait.ge [sflag:s18], $0x3E80  }
0x90: {  	[sflag:s18] =	ssyncset.done $0x0  }
0x91: {  	[sflag:s18] =	ssyncadd.s32 $0xFFFFC180  }
0x92: {  	s0 =	sor.u32 $0x1C03, s6;
	[bflag:$0x0] =	sbarrier.arrive $0xFFFF  }
0x93: {  	[hbm:s13], [sflag:s0] =	dma.local [spmem:s16], $0x2700  }
0x94: {  	_ =	swait.ge [sflag:s18], $0x2700  }
0x95: {  	s29 =	sadd.s32 $0x1, s29;
	[sflag:s18] =	ssyncset.done $0x0  }
0x96: {  	p1 =	sne.s32 s29, s15;
	[sflag:s18] =	ssyncadd.s32 $0xFFFFD900  }
0x97: {  	[hbm:s14], [sflag:s0] =	dma.local @!p0 [spmem:s17], $0x100  }
.Ltmp2:
0x98: {  	_ = 	snop;
	(pc) =	sbr.rel @p1 .LBB2_1-.Ltmp2, $4  }
0x99: {  	s0 =	simm.s32 @!p0 $0x3  }
0x9a: {  	_ =	swait.ge @!p0 [sflag:s0], $0x100  }
0x9b: {  	[sflag:s0] =	ssyncset.done @!p0 $0x0  }
0x9c: {  	[sflag:s0] =	ssyncadd.s32 @!p0 $0xFFFFFF00  }
0x9d: {  	_ =	sfence.sel $0x180000  }
0x9e: {  	[bflag:$0x0] =	sbarrier.arrive $0xFFFF  }
0x9f: {  	_ =	strace $0x9000004D  }
0xa0: {  	[bflag:$0x2] =	sbarrier.arrive $0xFFFF  }
0xa1: {  	p0 =	sne.s32 s2, $0x0;
	s0 =	rddreg [dreg:$0x2]  }
0xa2: {  	s0 =	sadd.s32 @!p0 $0x100000, s0  }
0xa3: {  	[sflag:s0] =	ssyncadd.tile.s32 @!p0 $0x1;
	_ =	shalt  }
.Lfunc_end2:
_tile_overlayer_lowered:
.L_overlay_start_2:
0xa4: {  	(tag) =	ssettag $0x2  }
0xa5: {  	s0 =	rddreg [dreg:$0x0];
	s2 =	stileid.u32  }
0xa6: {  	s1 =	rddreg [dreg:$0x1];
	p0 =	sne.s32 s2, $0x0  }
0xa7: {  	s3 =	rddreg [dreg:$0x2];
	[bflag:$0x3] =	sbarrier.arrive $0xFFFF;
	s2 =	simm.s32 @!p0 $0x1C03  }
0xa8: {  	[timem:s3], [sflag:s2] =	dma.local @!p0 [hbm:s0], s1  }
0xa9: {  	s0 =	simm.s32 @!p0 $0x3  }
0xaa: {  	_ =	swait.ge @!p0 [sflag:s0], s1  }
0xab: {  	s1 =	ssub.s32 @!p0 $0x0, s1;
	[sflag:s0] =	ssyncset.done @!p0 $0x0  }
0xac: {  	[sflag:s0] =	ssyncadd.s32 @!p0 s1  }
0xad: {  	[bflag:$0x3] =	sbarrier.arrive $0xFFFF  }
0xae: {  	_ =	shalt  }

// kernel: kernel.9.cloned.1.call-start
scs
__scs_entry_jumppad:
0x0: {  	(pc) =	sbr.rel $0x88, $3  }
0x1: {  	(tag) =	ssettag $0x0;
	lr =	simm.s32 $0x1  }
0x2: {  	[smem:$0x3F98] =	sst lr;
	_ =	strace $0xD0000000  }
0x3: {  	_ = 	snop  }
0x4: {  	_ = 	snop  }
0x5: {  	_ = 	snop  }
0x6: {  	_ = 	snop  }
0x7: {  	_ = 	snop  }
__scs_overlays_trampoline_lowered:
0x8: {  	[smem:$0x3FA7] =	sst s0  }
0x9: {  	[smem:$0x3FA8] =	sst s1  }
0xa: {  	[smem:$0x3FA9] =	sst s2  }
0xb: {  	[smem:$0x3FAA] =	sst s3  }
0xc: {  	[smem:$0x3FAB] =	sst s4  }
0xd: {  	[smem:$0x3FAC] =	sst s5  }
0xe: {  	[smem:$0x3FAD] =	sst s6  }
0xf: {  	[smem:$0x3FAE] =	sst s7  }
0x10: {  	[smem:$0x3FAF] =	sst s8  }
0x11: {  	[smem:$0x3FB0] =	sst s9;
	s0 =	simm.s32 @!p0 $0x0  }
0x12: {  	s1 =	sld [smem:$0x3F96];
	s0 =	simm.s32 @p0 $0x1  }
0x13: {  	[smem:$0x3FB1] =	sst s0;
	s0 =	simm.s32 @!p1 $0x0  }
0x14: {  	s2 =	sld [smem:$0x3F95];
	s0 =	simm.s32 @p1 $0x1  }
0x15: {  	[smem:$0x3FB2] =	sst s0;
	s0 =	simm.s32 @!p2 $0x0  }
0x16: {  	s3 =	sld [smem:$0x3FDB];
	s0 =	simm.s32 @p2 $0x1  }
0x17: {  	s4 =	simm.s32 $0x1BF5;
	[smem:$0x3FB4] =	sst s0  }
0x18: {  	s0 =	sld [smem:$0x3F97];
	_ =	swait.ge [sflag:s4], $0x0  }
0x19: {  	s7 =	sld [smem:$0x3F98]  }
0x1a: {  	s8 =	sadd.s32 $0xFFFFE003, lr  }
0x1b: {  	s9 =	sadd.s32 $0xFFFFFEF7, lr;
	s5 =	simm.s32 $0xFFFFFFFF;
	p2 =	slt.u32 s8, $0xFFFFF086  }
0x1c: {  	p1 =	slt.u32 s9, $0xF7A;
	s5 =	simm.s32 @!p2 $0x0  }
0x1d: {  	s5 =	simm.s32 @p1 $0x1;
	p0 =	seq.s32 s7, s2  }
0x1e: {  	s7 =	smul.u32 @!p0 $0xF7A, s2;
	p2 =	seq.s32 @!p0 s5, $0x0  }
0x1f: {  	s9 =	smul.u32 $0xF7A, s1;
	s8 =	simm.s32 @!p0 $0x1BF5;
	p2 =	por !p2, p0  }
0x20: {  	[sflag:s8] =	ssyncset.s32 @!p0 $0xFFFFF086;
	s6 =	sadd.s32 @!p0 s3, s7;
	s7 =	simm.s32 @!p0 $0x108  }
0x21: {  	s3 =	sadd.s32 s3, s9;
	s6 =	sadd.s32 @!p0 $0x88, s6;
	s7 =	simm.s32 @p2 $0x1082  }
0x22: {  	[simem:s7], [sflag:s8] =	dma.local @!p0 [hbm:s6], $0xF7A  }
0x23: {  	s9 =	sor.u32 $0xD0000000, s2;
	s6 =	simm.s32 $0x108;
	_ =	swait.ge @!p0 [sflag:s8], $0x0  }
0x24: {  	s3 =	sadd.s32 $0x88, s3;
	s6 =	simm.s32 @!p1 $0x1082;
	[sflag:s4] =	ssyncset.s32 $0xFFFFF086  }
0x25: {  	[simem:s6], [sflag:s4] =	dma.local [hbm:s3], $0xF7A  }
0x26: {  	[smem:$0x3F98] =	sst s1;
	(tag) =	ssettag s2;
	_ =	strace s9  }
0x27: {  	s1 =	sld [smem:$0x3FA8]  }
0x28: {  	s2 =	sld [smem:$0x3FA9]  }
0x29: {  	s4 =	sld [smem:$0x3FAB]  }
0x2a: {  	p0 =	seq.s32 s5, $0x0;
	s5 =	sld [smem:$0x3FAC]  }
0x2b: {  	s6 =	sld [smem:$0x3FAD]  }
0x2c: {  	s7 =	sld [smem:$0x3FAE]  }
0x2d: {  	s3 =	simm.s32 $0x108;
	s8 =	sld [smem:$0x3FAF]  }
0x2e: {  	s3 =	simm.s32 @!p0 $0x1082;
	s9 =	sld [smem:$0x3FB0]  }
0x2f: {  	lr =	sadd.s32 s0, s3;
	s0 =	sld [smem:$0x3FA7]  }
0x30: {  	s3 =	sld [smem:$0x3FAA]  }
0x31: {  	[smem:$0x3FB3] =	sst s10  }
0x32: {  	s10 =	sld [smem:$0x3FB1];
	_ =	sdelay $0x3  }
0x33: {  	p0 =	seq.s32 s10, $0x1;
	s10 =	sld [smem:$0x3FB3];
	_ =	sdelay $0x3  }
0x34: {  	[smem:$0x3FB3] =	sst s10  }
0x35: {  	s10 =	sld [smem:$0x3FB2];
	_ =	sdelay $0x3  }
0x36: {  	p1 =	seq.s32 s10, $0x1;
	s10 =	sld [smem:$0x3FB3];
	_ =	sdelay $0x3  }
0x37: {  	[smem:$0x3FB3] =	sst s10  }
0x38: {  	s10 =	sld [smem:$0x3FB4]  }
0x39: {  	_ = 	snop;
	(pc) =	sbr.ind lr, $3  }
0x3a: {  	_ = 	snop  }
0x3b: {  	_ = 	snop  }
0x3c: {  	p2 =	seq.s32 s10, $0x1;
	s10 =	sld [smem:$0x3FB3]  }
0x3d: {  	_ =	shalt  }
0x3e: {  	_ =	shalt  }
0x3f: {  	_ =	shalt  }
0x40: {  	_ =	shalt  }
0x41: {  	_ =	shalt  }
0x42: {  	_ =	shalt  }
0x43: {  	_ =	shalt  }
0x44: {  	_ =	shalt  }
0x45: {  	_ =	shalt  }
0x46: {  	_ =	shalt  }
0x47: {  	_ =	shalt  }
0x48: {  	_ =	shalt  }
0x49: {  	_ =	shalt  }
0x4a: {  	_ =	shalt  }
0x4b: {  	_ =	shalt  }
0x4c: {  	_ =	shalt  }
0x4d: {  	_ =	shalt  }
0x4e: {  	_ =	shalt  }
0x4f: {  	_ =	shalt  }
0x50: {  	_ =	shalt  }
0x51: {  	_ =	shalt  }
0x52: {  	_ =	shalt  }
0x53: {  	_ =	shalt  }
0x54: {  	_ =	shalt  }
0x55: {  	_ =	shalt  }
0x56: {  	_ =	shalt  }
0x57: {  	_ =	shalt  }
0x58: {  	_ =	shalt  }
0x59: {  	_ =	shalt  }
0x5a: {  	_ =	shalt  }
0x5b: {  	_ =	shalt  }
0x5c: {  	_ =	shalt  }
0x5d: {  	_ =	shalt  }
0x5e: {  	_ =	shalt  }
0x5f: {  	_ =	shalt  }
0x60: {  	_ =	shalt  }
0x61: {  	_ =	shalt  }
0x62: {  	_ =	shalt  }
0x63: {  	_ =	shalt  }
0x64: {  	_ =	shalt  }
0x65: {  	_ =	shalt  }
0x66: {  	_ =	shalt  }
0x67: {  	_ =	shalt  }
0x68: {  	_ =	shalt  }
0x69: {  	_ =	shalt  }
0x6a: {  	_ =	shalt  }
0x6b: {  	_ =	shalt  }
0x6c: {  	_ =	shalt  }
0x6d: {  	_ =	shalt  }
0x6e: {  	_ =	shalt  }
0x6f: {  	_ =	shalt  }
0x70: {  	_ =	shalt  }
0x71: {  	_ =	shalt  }
0x72: {  	_ =	shalt  }
0x73: {  	_ =	shalt  }
0x74: {  	_ =	shalt  }
0x75: {  	_ =	shalt  }
0x76: {  	_ =	shalt  }
0x77: {  	_ =	shalt  }
0x78: {  	_ =	shalt  }
0x79: {  	_ =	shalt  }
0x7a: {  	_ =	shalt  }
0x7b: {  	_ =	shalt  }
0x7c: {  	_ =	shalt  }
0x7d: {  	_ =	shalt  }
0x7e: {  	_ =	shalt  }
0x7f: {  	_ =	shalt  }
0x80: {  	_ =	shalt  }
0x81: {  	_ =	shalt  }
0x82: {  	_ =	shalt  }
0x83: {  	_ =	shalt  }
0x84: {  	_ =	shalt  }
0x85: {  	_ =	shalt  }
0x86: {  	_ =	shalt  }
0x87: {  	_ =	shalt  }
.Lfunc_end0:
.L_simem_size_0:
called_computation_lowered:
.L_overlay_start_0:
0x88: {  	s2 =	sld [smem:$0x3FD9]  }
0x89: {  	s3 =	sld [smem:$0x3FFE];
	_ =	sdelay $0x1  }
0x8a: {  	s1 =	srdreg.scid  }
0x8b: {  	s0 =	sand.u32 $0x1, s1  }
0x8c: {  	s16 =	sshll.u32 s0, $0xA;
	s2 =	sadd.s32 s3, s2  }
0x8d: {  	s2 =	sadd.s32 s2, s16  }
0x8e: {  	[smem:$0x3FBF] =	sst s2  }
0x8f: {  	_ = 	snop  }
0x90: {  	(tm) =	ssettm $0x1  }
0x91: {  	s17 =	sld [smem:$0x3FFB];
	_ =	sdelay $0x3  }
0x92: {  	_ =	strace s17  }
0x93: {  	s2 =	sld [smem:$0x3FFC];
	_ =	sdelay $0x3  }
0x94: {  	_ =	strace s2  }
0x95: {  	s2 =	sld [smem:$0x3FFD];
	_ =	sdelay $0x3  }
0x96: {  	_ =	strace s2  }
0x97: {  	_ =	strace $0x8FFFFFFF  }
0x98: {  	s18 =	sld [smem:$0x3FDB];
	_ =	sdelay $0x1  }
0x99: {  	s19 =	simm.s32 $_scs_section_size  }
0x9a: {  	s4 =	simm.s32 $_size__tile_overlayer_lowered;
	s5 =	simm.s32 $_tile_overlayer_lowered  }
0x9b: {  	s22 =	simm.s32 $0x1BFF;
	s21 =	sshll.u32 s5, $0x1;
	s2 =	sadd.s32 s19, s18  }
0x9c: {  	s6 =	simm.s32 $0x0;
	s20 =	sshll.u32 s4, $0x1;
	s4 =	sadd.s32 s21, s2  }
0x9d: {  	[timem:s6], [sflag:s22] =	dma.local [hbm:s4], s20  }
0x9e: {  	_ =	swait.ge [sflag:s22], s20  }
0x9f: {  	s3 =	ssub.s32 $0x0, s20;
	[sflag:s22] =	ssyncset.done $0x0  }
0xa0: {  	[sflag:s22] =	ssyncadd.s32 s3;
	_ =	sdelay $0x1  }
0xa1: {  	s23 =	simm.s32 $0x1B8B  }
0xa2: {  	_ =	swait.ge [sflag:s23], $0x1  }
0xa3: {  	[sflag:s23] =	ssyncset.done $0x0  }
0xa4: {  	s25 =	simm.s32 $0x1B8E;
	s24 =	sld [smem:$0x3FFE];
	[sflag:s23] =	ssyncadd.s32 $0xFFFFFFFF  }
0xa5: {  	s26 =	simm.s32 $execute0_lowered;
	[smem:$0x3FD2] =	sst s25  }
0xa6: {  	s4 =	sshll.u32 s26, $0x1;
	_ =	strace $0x80000046;
	[dreg:$0x1] =	wrdreg $0xFFFFFFFF  }
0xa7: {  	s28 =	simm.s32 $_size_execute0_lowered;
	s2 =	sadd.s32 s2, s4;
	[dreg:$0x0] =	wrdreg $0x0  }
0xa8: {  	s4 =	sshll.u32 s28, $0x1;
	[dreg:$0x2] =	wrdreg s2  }
0xa9: {  	[dreg:$0x3] =	wrdreg s4  }
0xaa: {  	[dreg:$0x4] =	wrdreg $0xC0  }
0xab: {  	_ =	task [dreg:s6], $0x5FFFF  }
0xac: {  	[dreg:$0x1] =	wrdreg $0xFFFFFFFF  }
0xad: {  	[dreg:$0x0] =	wrdreg $0x60  }
0xae: {  	[dreg:$0x2] =	wrdreg s24  }
0xaf: {  	[dreg:$0x3] =	wrdreg $0x9  }
0xb0: {  	_ =	task.clear_ibuf [dreg:s6], $0x4FFFF;
	_ =	strace $0x90000046  }
0xb1: {  	s29 =	simm.s32 $0x9;
	_ =	strace $0x80000048  }
0xb2: {  	_ =	swait.ge [sflag:s29], $0x1  }
0xb3: {  	[sflag:s29] =	ssyncadd.s32 $0xFFFFFFFF  }
0xb4: {  	_ =	strace $0x90000048  }
0xb5: {  	_ =	sfence  }
0xb6: {  	s30 =	sld [smem:$0x0];
	_ =	sdelay $0x2  }
0xb7: {  	s31 =	sshll.u32 s1, $0xD;
	s1 =	sshrl.u32 s1, $0x2  }
0xb8: {  	s3 =	sand.u32 $0x4000, s31;
	s1 =	sadd.s32 s1, s30  }
0xb9: {  	s0 =	sor.u32 s3, s0;
	s1 =	sshll.u32 s1, $0x11  }
0xba: {  	s0 =	sor.u32 s1, s0  }
0xbb: {  	s0 =	sadd.s32 $0x8F2B, s0  }
0xbc: {  	[sflag:s0] =	ssyncadd.remote.s32 $0x1  }
0xbd: {  	_ =	sfence.sel $0xFFFF  }
0xbe: {  	[dreg:$0x0] =	wrdreg $0xFFFFFFFF;
	(pc) =	sbr.abs _section_cstart, $3  }
0xbf: {  	[dreg:$0x1] =	wrdreg $0xFFFFFFFF  }
0xc0: {  	_ =	task.clear_ibuf [dreg:s6], $0x2FFFF;
	_ =	strace $0x9FFFFFFF  }
0xc1: {  	(tm) =	ssettm $0x7FFFFFFF  }
tec
execute0_lowered:
.L_overlay_start_1:
0x0: {  	(tag) =	ssettag $0x1  }
0x1: {  	s1 =	srdreg.scid;
	s0 =	stileid.u32  }
0x2: {  	s4 =	rddreg [dreg:$0x0];
	s9 =	simm.s32 $0x1400;
	s3 =	sand.u32 $0x1, s1  }
0x3: {  	s2 =	sshrl.u32 s0, $0x3;
	s1 =	rddreg [dreg:$0x1];
	s5 =	smul.u32 $0x14000, s3  }
0x4: {  	s8 =	sshll.u32 s0, $0x7;
	s6 =	smul.u32 $0xA000, s2;
	s7 =	sshll.u32 s3, $0x4  }
0x5: {  	s2 =	simm.s32 $0x0;
	s29 =	sand.u32 $0x380, s8;
	s7 =	sor.u32 s0, s7  }
0x6: {  	s3 =	ssub.s32 $0x2, s3;
	s5 =	sadd.s32 s6, s5;
	s7 =	sshrl.u32 s7, $0x3  }
0x7: {  	s8 =	simm.s32 $0x1;
	s5 =	sor.u32 s29, s5;
	s7 =	smul.u32 $0x14000, s7  }
0x8: {  	[smem:$0x7FF] =	sst s2;
	s30 =	sshrl.u32 s3, $0x1;
	s5 =	sadd.s32 $0x28000, s5  }
0x9: {  	_ =	strace $0x80000047;
	s5 =	sshrl.u32 s5, $0x3;
	s6 =	sor.u32 s29, s7  }
0xa: {  	s31 =	ssub.s32 s3, s30;
	s5 =	sadd.s32 s5, s4;
	s6 =	sshrl.u32 s6, $0x3  }
0xb: {  	s7 =	simm.s32 $0x400;
	s4 =	sadd.s32 s6, s4;
	s3 =	sadd.s32 $0x1E00, s5  }
0xc: {  	v0 =	vimm.f32 $0.0e+00;
	v1 =	vimm.f32 $1.000000000e+00;
	vm0 =	vcmask $0x3F20;
	s5 =	smax.u32 s31, $0x1;
	s6 =	simm.s32 $0x80;
	s4 =	sadd.s32 $0xBE00, s4  }
.LBB2_1:
0xd: {  	s10 =	simm.s32 $0x40;
	s11 =	simm.s32 $0x0  }
.LBB2_2:
0xe: {  	p0 =	sne.s32 s10, $0x9FC0;
	[tilespmem:s11+$0x1400] =	vst v0;
	s11 =	smov.u32 s10;
	s10 =	sadd.s32 $0x40, s10  }
.Ltmp0:
0xf: {  	(pc) =	sbr.rel @p0 .LBB2_2-.Ltmp0, $2  }
0x10: {  	_ =	sdelay $0x2  }
0x11: {  	s11 =	sshra.s32 s11, $0x2  }
0x12: {  	[tilespmem:s11+$0x1400] =	vst v0;
	s10 =	simm.s32 $0x0  }
0x13: {  	[tilespmem:s10], [sflag:$0x1] =	stream.strided.gather [hbm4b:s3+s6], $0x1400, s7, s6, $0x38;
	[tilespmem:$0x3C00] =	vst v63  }
0x14: {  	_ =	swait.ge [sflag:s8], $0x1400  }
0x15: {  	[sflag:s8] =	ssyncset.done $0x0  }
0x16: {  	s11 =	simm.s32 $0x0;
	s10 =	simm.s32 $0x40;
	[sflag:s8] =	ssyncadd.s32 $0xFFFFEC00  }
.LBB2_4:
0x17: {  	p0 =	sne.s32 s10, $0x4DC0;
	v2 =	vld [tilespmem:s11+$0x0];
	_ =	sdelay $0x3  }
.Ltmp1:
0x18: {  	(pc) =	sbr.rel @p0 .LBB2_4-.Ltmp1, $2  }
0x19: {  	_ =	sdelay $0x2  }
0x1a: {  	s11 =	sshra.s32 s10, $0x2;
	s10 =	sadd.s32 $0x40, s10;
	[tilespmem:v2+s9+$0x0] =	vst.idx.add.f32.msk $0xffff, v1  }
0x1b: {  	v2 =	vld [tilespmem:s11+$0x0];
	_ =	sdelay $0x7  }
0x1c: {  	[tilespmem:v2+s9+$0x0] =	vst.idx.add.f32.msk $0xffff, v1  }
0x1d: {  	v2 =	vld [tilespmem:$0x1378];
	_ =	sdelay $0x5  }
0x1e: {  	s2 =	sadd.s32 $0x1, s2  }
0x1f: {  	p0 =	sne.s32 s2, s5  }
.Ltmp2:
0x20: {  	[tilespmem:v2+s9+$0x0] =	vst.idx.add.f32.msk vm0, v1;
	(pc) =	sbr.rel @p0 .LBB2_1-.Ltmp2, $4  }
0x21: {  	[hbm4b:s4+s6] =	stream.strided.scatter [tilespmem:s9], [sflag:$0x1], $0x2800, s7, s6, $0x38;
	[tilespmem:$0x3C00] =	vst v63  }
0x22: {  	_ =	swait.ge [sflag:s8], $0x2800  }
0x23: {  	[sflag:s8] =	ssyncset.done $0x0  }
0x24: {  	[sflag:s8] =	ssyncadd.s32 $0xFFFFD800  }
0x25: {  	_ =	sfence.sel $0x180000  }
0x26: {  	[bflag:$0x0] =	sbarrier.arrive $0xFFFF  }
0x27: {  	p0 =	sne.s32 s0, $0x0;
	_ =	strace $0x90000047  }
0x28: {  	s0 =	sadd.s32 @!p0 $0x100000, s1;
	[bflag:$0x2] =	sbarrier.arrive $0xFFFF  }
0x29: {  	[sflag:s0] =	ssyncadd.tile.s32 @!p0 $0x1;
	_ =	shalt  }
.Lfunc_end2:
_tile_overlayer_lowered:
.L_overlay_start_2:
0x2a: {  	(tag) =	ssettag $0x2  }
0x2b: {  	s0 =	rddreg [dreg:$0x0];
	s2 =	stileid.u32  }
0x2c: {  	s1 =	rddreg [dreg:$0x1];
	p0 =	sne.s32 s2, $0x0  }
0x2d: {  	s3 =	rddreg [dreg:$0x2];
	[bflag:$0x3] =	sbarrier.arrive $0xFFFF;
	s2 =	simm.s32 @!p0 $0x1C01  }
0x2e: {  	[timem:s3], [sflag:s2] =	dma.local @!p0 [hbm:s0], s1  }
0x2f: {  	s0 =	simm.s32 @!p0 $0x1  }
0x30: {  	_ =	swait.ge @!p0 [sflag:s0], s1  }
0x31: {  	s1 =	ssub.s32 @!p0 $0x0, s1;
	[sflag:s0] =	ssyncset.done @!p0 $0x0  }
0x32: {  	[sflag:s0] =	ssyncadd.s32 @!p0 s1  }
0x33: {  	[bflag:$0x3] =	sbarrier.arrive $0xFFFF  }
0x34: {  	_ =	shalt  }

</sc_bundles>
